<compile_context>
chip_gen: v7x
topology: tpu7x:2x2x1
jax: 0.10.2.dev20260603
libtpu: 0.0.44.dev20260713+nightly
codegen_flags: <defaults>
</compile_context>

<pallas_src>
import functools

import jax
import jax.numpy as jnp
from jax import lax
from jax.experimental import pallas as pl
from jax.experimental.pallas import tpu as pltpu
from jax.experimental.pallas import tpu_sc as plsc

N = 10000
H = 128
FW = 64
E = 320000
NC = 2
NS = 16
C = 128
EW = E // NS
KCF = EW // C
TAIL = EW - KCF * C
RPT = N // NS


def _make_scatter():
    mesh = plsc.VectorSubcoreMesh(core_axis_name="c", subcore_axis_name="s")

    @functools.partial(
        pl.kernel,
        out_type=(
            jax.ShapeDtypeStruct((N, H), jnp.float32),
            jax.ShapeDtypeStruct((NC, N, FW), jnp.float32),
        ),
        mesh=mesh,
        scratch_types=[
            pltpu.VMEM((EW,), jnp.int32),
            pltpu.VMEM((EW,), jnp.int32),
            pltpu.VMEM((C, FW), jnp.float32),
            pltpu.VMEM((C, FW), jnp.float32),
            pltpu.VMEM((C, FW), jnp.float32),
            pltpu.VMEM((C, FW), jnp.float32),
            pltpu.VMEM((C, FW), jnp.float32),
            pltpu.VMEM((C, FW), jnp.float32),
            pltpu.VMEM_SHARED((N, FW), jnp.float32),
            pltpu.SemaphoreType.DMA,
            pltpu.SemaphoreType.DMA,
            pltpu.SemaphoreType.DMA,
            pltpu.SemaphoreType.DMA,
            pltpu.SemaphoreType.DMA,
            pltpu.SemaphoreType.DMA,
            pltpu.SemaphoreType.DMA,
            pltpu.SemaphoreType.DMA,
            pltpu.SemaphoreType.DMA,
            pltpu.SemaphoreType.DMA,
            pltpu.SemaphoreType.DMA,
            pltpu.SemaphoreType.DMA,
        ],
        compiler_params=pltpu.CompilerParams(use_tc_tiling_on_sc=False),
    )
    def scatter_k(h_hbm, e_hbm, out_hbm, tab_hbm,
                  src_v, dst_v, b0, b1, b2, b3, b4, b5, acc,
                  g0, g1, g2, g3, g4, g5, s0, s1, s2, s3, s4, s5):
        cid = lax.axis_index("c")
        sid = lax.axis_index("s")
        table = tab_hbm.at[cid]
        bufs = (b0, b1, b2, b3, b4, b5)
        gsems = (g0, g1, g2, g3, g4, g5)
        ssems = (s0, s1, s2, s3, s4, s5)

        def src_idx(i):
            return src_v.at[pl.ds(i * C, C)]

        def dst_idx(i):
            return dst_v.at[pl.ds(i * C, C)]

        def g_issue(i, b):
            pltpu.async_copy(table.at[src_idx(i)], bufs[b], gsems[b])

        def g_wait(i, b):
            pltpu.make_async_copy(table.at[src_idx(i)], bufs[b], gsems[b]).wait()

        def s_issue(i, b):
            pltpu.async_copy(bufs[b], acc.at[dst_idx(i)], ssems[b], add=True)

        def s_wait(i, b):
            pltpu.make_async_copy(bufs[b], acc.at[dst_idx(i)], ssems[b]).wait()

        r0 = sid * RPT

        idx_s = pltpu.async_copy(e_hbm.at[0, pl.ds(sid * EW, EW)], src_v, g0)
        idx_d = pltpu.async_copy(e_hbm.at[1, pl.ds(sid * EW, EW)], dst_v, g1)

        @pl.loop(0, C)
        def _(i):
            @pl.loop(0, FW // 16)
            def _(j):
                b1[i, pl.ds(j * 16, 16)] = jnp.zeros((16,), jnp.float32)

        def rp_rows(j):
            rr = r0 + j * C
            nr = C if j < RPT // C else RPT - (RPT // C) * C
            return rr, nr

        def rp_read(j, bb, sem):
            rr, nr = rp_rows(j)
            return pltpu.async_copy(
                h_hbm.at[pl.ds(rr, nr), pl.ds(cid * FW, FW)],
                bb.at[pl.ds(0, nr)], sem)

        def rp_write(j, bb, sem):
            rr, nr = rp_rows(j)
            return pltpu.async_copy(bb.at[pl.ds(0, nr)],
                                    table.at[pl.ds(rr, nr)], sem)

        def z_issue(k):
            if k < 4:
                return pltpu.async_copy(b1, acc.at[pl.ds(r0 + k * C, C)], s1)
            return pltpu.async_copy(
                b1.at[pl.ds(0, RPT - 4 * C)],
                acc.at[pl.ds(r0 + 4 * C, RPT - 4 * C)], s1)

        z = z_issue(0)
        rd0 = rp_read(0, b0, g2)
        rd1 = rp_read(1, b2, g3)
        rd0.wait()
        wr0 = rp_write(0, b0, s0)
        rd1.wait()
        wr1 = rp_write(1, b2, s2)
        z.wait()
        z = z_issue(1)
        wr0.wait()
        rd2 = rp_read(2, b0, g2)
        wr1.wait()
        rd3 = rp_read(3, b2, g3)
        z.wait()
        z = z_issue(2)
        rd2.wait()
        wr2 = rp_write(2, b0, s0)
        rd3.wait()
        wr3 = rp_write(3, b2, s2)
        z.wait()
        z = z_issue(3)
        wr2.wait()
        rd4 = rp_read(4, b0, g2)
        z.wait()
        z = z_issue(4)
        rd4.wait()
        wr3.wait()
        wr4 = rp_write(4, b0, s0)
        wr4.wait()
        z.wait()

        idx_s.wait()
        idx_d.wait()

        plsc.subcore_barrier()

        for i in range(4):
            g_issue(i, i)
        g_wait(0, 0)
        s_issue(0, 0)
        g_issue(4, 4)
        g_wait(1, 1)
        s_issue(1, 1)
        g_issue(5, 5)

        @pl.loop(0, (KCF - 6) // 6)
        def _(k):
            i = 6 * k
            for off in (2, 3, 4, 5, 6, 7):
                bb = off % 6
                g_wait(i + off, bb)
                s_issue(i + off, bb)
                s_wait(i + off - 2, (off - 2) % 6)
                g_issue(i + off + 4, (off + 4) % 6)

        for i in range(KCF - 4, KCF):
            bb = i % 6
            g_wait(i, bb)
            s_issue(i, bb)
            s_wait(i - 2, (i - 2) % 6)
        s_wait(KCF - 2, (KCF - 2) % 6)
        s_wait(KCF - 1, (KCF - 1) % 6)

        t0 = KCF * C
        pltpu.async_copy(
            table.at[src_v.at[pl.ds(t0, TAIL)]], b0.at[pl.ds(0, TAIL)], g0
        ).wait()
        pltpu.async_copy(
            b0.at[pl.ds(0, TAIL)], acc.at[dst_v.at[pl.ds(t0, TAIL)]], s0,
            add=True,
        ).wait()

        plsc.subcore_barrier()

        pltpu.sync_copy(acc.at[pl.ds(r0, RPT)],
                        out_hbm.at[pl.ds(r0, RPT), pl.ds(cid * FW, FW)])

    return scatter_k


_scatter = _make_scatter()

_BN = 1000


def _combine_body(p_ref, h_ref, w_ref, wr_ref, b_ref, o_ref):
    acc = jnp.dot(p_ref[...], w_ref[...], preferred_element_type=jnp.float32)
    acc += jnp.dot(h_ref[...], wr_ref[...], preferred_element_type=jnp.float32)
    o_ref[...] = jnp.maximum(acc + b_ref[...], 0.0)


def _combine(p, h, W, b2, Wr):
    return pl.pallas_call(
        _combine_body,
        grid=(N // _BN,),
        in_specs=[
            pl.BlockSpec((_BN, H), lambda i: (i, 0)),
            pl.BlockSpec((_BN, H), lambda i: (i, 0)),
            pl.BlockSpec((H, H), lambda i: (0, 0)),
            pl.BlockSpec((H, H), lambda i: (0, 0)),
            pl.BlockSpec((1, H), lambda i: (0, 0)),
        ],
        out_specs=pl.BlockSpec((_BN, H), lambda i: (i, 0)),
        out_shape=jax.ShapeDtypeStruct((N, H), jnp.float32),
    )(p, h, W, Wr, b2)


def kernel(x, edge_index, W0, b0, Wr0, W1, b1, Wr1):
    b0r = b0.reshape(1, H)
    b1r = b1.reshape(1, H)

    p0, _ = _scatter(x, edge_index)
    h1 = _combine(p0, x, W0, b0r, Wr0)
    p1, _ = _scatter(h1, edge_index)
    h2 = _combine(p1, h1, W1, b1r, Wr1)
    return h2

# --- scband reference (transcript-rebuilt; emitter-appended) ---
"""Pipeline reference for scband-net-71322226917474 (READ-ONLY COPY).

The authoritative reference and input builder live on the scoring server;
editing this copy changes nothing except your own understanding.
"""

import jax, jax.numpy as jnp
import numpy as np

N = 10000
E = 320000
D = 128
H = 128


def setup_inputs(seed: int = 0) -> dict:
    key = jax.random.key(seed)
    ks = jax.random.split(key, 10)
    x = jax.random.normal(ks[0], (N, D), dtype=jnp.float32)
    edge_index = jax.random.randint(ks[1], (2, E), 0, N, dtype=jnp.int32)
    s_in = 1.0 / np.sqrt(D)
    s_h = 1.0 / np.sqrt(H)
    W0 = jax.random.uniform(ks[2], (D, H), dtype=jnp.float32, minval=-s_in, maxval=s_in)
    b0 = jax.random.uniform(ks[3], (H,), dtype=jnp.float32, minval=-s_in, maxval=s_in)
    Wr0 = jax.random.uniform(ks[4], (D, H), dtype=jnp.float32, minval=-s_in, maxval=s_in)
    W1 = jax.random.uniform(ks[5], (H, H), dtype=jnp.float32, minval=-s_h, maxval=s_h)
    b1 = jax.random.uniform(ks[6], (H,), dtype=jnp.float32, minval=-s_h, maxval=s_h)
    Wr1 = jax.random.uniform(ks[7], (H, H), dtype=jnp.float32, minval=-s_h, maxval=s_h)
    return {"x": x, "edge_index": edge_index, "W0": W0, "b0": b0, "Wr0": Wr0, "W1": W1, "b1": b1, "Wr1": Wr1}


def reference(x, edge_index, W0, b0, Wr0, W1, b1, Wr1):
    # Faithful translation of net.forward with full-graph adjs:
    # adjs = [(edge_index, None, (N, N))] * num_layers, K=None, adj_norm=False.
    # AnisoConv: propagate with SparseTensor(row=src, col=dst).t() and aggr='add'
    # => out[dst] += x[src] (binary adjacency scatter-add), then
    # out = lin(out) + lin_r(x_target); ReLU (activation=True); dropout is identity in eval.
    src = edge_index[0]
    dst = edge_index[1]

    def layer(h, W, b, Wr):
        msgs = jnp.take(h, src, axis=0)
        agg = jax.ops.segment_sum(msgs, dst, num_segments=N)
        out = agg @ W + b + h @ Wr
        return jax.nn.relu(out)

    h = layer(x, W0, b0, Wr0)
    h = layer(h, W1, b1, Wr1)
    return h

if __name__ == "__main__":
    import jax
    _d = setup_inputs()
    print(jax.jit(kernel)(*tuple(_d.values())))

</pallas_src>

<mosaic_0001>
#map = affine_map<(d0, d1) -> (0, 0)>
#map1 = affine_map<(d0, d1) -> (0, 0, 0)>
module attributes {stable_mosaic.version = 14 : i64} {
  func.func @scatter_k(%arg0: i32, %arg1: i32, %arg2: memref<10000x128xf32, #tpu.memory_space<hbm>>, %arg3: memref<2x320000xi32, #tpu.memory_space<hbm>>, %arg4: memref<10000x128xf32, #tpu.memory_space<hbm>>, %arg5: memref<2x10000x64xf32, #tpu.memory_space<hbm>>, %arg6: memref<20000xi32, #tpu.memory_space<vmem>>, %arg7: memref<20000xi32, #tpu.memory_space<vmem>>, %arg8: memref<128x64xf32, #tpu.memory_space<vmem>>, %arg9: memref<128x64xf32, #tpu.memory_space<vmem>>, %arg10: memref<128x64xf32, #tpu.memory_space<vmem>>, %arg11: memref<128x64xf32, #tpu.memory_space<vmem>>, %arg12: memref<128x64xf32, #tpu.memory_space<vmem>>, %arg13: memref<128x64xf32, #tpu.memory_space<vmem>>, %arg14: memref<10000x64xf32, #tpu.memory_space<vmem_shared>>, %arg15: memref<!tpu.dma_semaphore, #tpu.memory_space<semaphore_mem>>, %arg16: memref<!tpu.dma_semaphore, #tpu.memory_space<semaphore_mem>>, %arg17: memref<!tpu.dma_semaphore, #tpu.memory_space<semaphore_mem>>, %arg18: memref<!tpu.dma_semaphore, #tpu.memory_space<semaphore_mem>>, %arg19: memref<!tpu.dma_semaphore, #tpu.memory_space<semaphore_mem>>, %arg20: memref<!tpu.dma_semaphore, #tpu.memory_space<semaphore_mem>>, %arg21: memref<!tpu.dma_semaphore, #tpu.memory_space<semaphore_mem>>, %arg22: memref<!tpu.dma_semaphore, #tpu.memory_space<semaphore_mem>>, %arg23: memref<!tpu.dma_semaphore, #tpu.memory_space<semaphore_mem>>, %arg24: memref<!tpu.dma_semaphore, #tpu.memory_space<semaphore_mem>>, %arg25: memref<!tpu.dma_semaphore, #tpu.memory_space<semaphore_mem>>, %arg26: memref<!tpu.dma_semaphore, #tpu.memory_space<semaphore_mem>>) attributes {dimension_semantics = [#tpu.dimension_semantics<core_parallel>, #tpu.dimension_semantics<subcore_parallel>], iteration_bounds = array<i64: 2, 16>, scalar_prefetch = 0 : i64, scratch_operands = 21 : i64, tpu.core_type = #tpu.core_type<sc_vector_subcore>, window_params = [{transform_indices = #map}, {transform_indices = #map}, {transform_indices = #map}, {transform_indices = #map1}]} {
    %mul3A = arith.constant 625 : i32
    %mul3A_0 = arith.muli %arg1, %mul3A : i32
    %mul3A_1 = arith.constant 20000 : i32
    %mul3A_2 = arith.muli %arg1, %mul3A_1 : i32
    %dma_start3A = arith.constant 0 : i32
    %dma_start3A_3 = tpu.memref_slice %arg3[%dma_start3A, %mul3A_2] : memref<2x320000xi32, #tpu.memory_space<hbm>> -> memref<1x20000xi32, #tpu.memory_space<hbm>>
    %dma_start3A_4 = tpu.memref_squeeze %dma_start3A_3 : memref<1x20000xi32, #tpu.memory_space<hbm>> -> memref<20000xi32, #tpu.memory_space<hbm>>
    %dma_start3A_5 = tpu.memref_slice %arg3[%dma_start3A, %mul3A_2] : memref<2x320000xi32, #tpu.memory_space<hbm>> -> memref<1x20000xi32, #tpu.memory_space<hbm>>
    %dma_start3A_6 = tpu.memref_squeeze %dma_start3A_5 : memref<1x20000xi32, #tpu.memory_space<hbm>> -> memref<20000xi32, #tpu.memory_space<hbm>>
    tpu.enqueue_dma source(%dma_start3A_6 : memref<20000xi32, #tpu.memory_space<hbm>>) target(%arg6 : memref<20000xi32, #tpu.memory_space<vmem>>) target_semaphore(%arg15 : memref<!tpu.dma_semaphore, #tpu.memory_space<semaphore_mem>>)
    %mul3A_7 = arith.constant 20000 : i32
    %mul3A_8 = arith.muli %arg1, %mul3A_7 : i32
    %dma_start3A_9 = arith.constant 1 : i32
    %dma_start3A_10 = tpu.memref_slice %arg3[%dma_start3A_9, %mul3A_8] : memref<2x320000xi32, #tpu.memory_space<hbm>> -> memref<1x20000xi32, #tpu.memory_space<hbm>>
    %dma_start3A_11 = tpu.memref_squeeze %dma_start3A_10 : memref<1x20000xi32, #tpu.memory_space<hbm>> -> memref<20000xi32, #tpu.memory_space<hbm>>
    %dma_start3A_12 = tpu.memref_slice %arg3[%dma_start3A_9, %mul3A_8] : memref<2x320000xi32, #tpu.memory_space<hbm>> -> memref<1x20000xi32, #tpu.memory_space<hbm>>
    %dma_start3A_13 = tpu.memref_squeeze %dma_start3A_12 : memref<1x20000xi32, #tpu.memory_space<hbm>> -> memref<20000xi32, #tpu.memory_space<hbm>>
    tpu.enqueue_dma source(%dma_start3A_13 : memref<20000xi32, #tpu.memory_space<hbm>>) target(%arg7 : memref<20000xi32, #tpu.memory_space<vmem>>) target_semaphore(%arg16 : memref<!tpu.dma_semaphore, #tpu.memory_space<semaphore_mem>>)
    %scan3A = arith.constant 0 : i32
    %scan3A_14 = arith.constant 128 : i32
    %scan3A_15 = arith.addi %scan3A, %scan3A_14 : i32
    %scan3A_16 = arith.constant 1 : i32
    scf.for %scan3A_594 = %scan3A to %scan3A_15 step %scan3A_16  : i32 {
      %mul3A_595 = arith.constant 1 : i32
      %mul3A_596 = arith.muli %scan3A_594, %mul3A_595 : i32
      %add3A_597 = arith.constant 0 : i32
      %add3A_598 = arith.addi %add3A_597, %mul3A_596 : i32
      %scan3A_599 = arith.constant 0 : i32
      %scan3A_600 = arith.constant 4 : i32
      %scan3A_601 = arith.addi %scan3A_599, %scan3A_600 : i32
      %scan3A_602 = arith.constant 1 : i32
      scf.for %scan3A_604 = %scan3A_599 to %scan3A_601 step %scan3A_602  : i32 {
        %mul3A_605 = arith.constant 1 : i32
        %mul3A_606 = arith.muli %scan3A_604, %mul3A_605 : i32
        %add3A_607 = arith.constant 0 : i32
        %add3A_608 = arith.addi %add3A_607, %mul3A_606 : i32
        %broadcast_in_dim3A = arith.constant 0.000000e+00 : f32
        %broadcast_in_dim3A_609 = vector.broadcast %broadcast_in_dim3A : f32 to vector<16xf32>
        %mul3A_610 = arith.constant 16 : i32
        %mul3A_611 = arith.muli %add3A_608, %mul3A_610 : i32
        %swap3A = arith.index_cast %add3A_598 : i32 to index
        %swap3A_612 = arith.index_cast %mul3A_611 : i32 to index
        %swap3A_613 = tpu.vector_load %arg9[%swap3A, %swap3A_612] {strides = array<i32>} : memref<128x64xf32, #tpu.memory_space<vmem>>, vector<1x16xf32>,
        %swap3A_614 = vector.shape_cast %swap3A_613 : vector<1x16xf32> to vector<16xf32>
        %swap3A_615 = vector.shape_cast %broadcast_in_dim3A_609 : vector<16xf32> to vector<1x16xf32>
        tpu.vector_store %arg9[%swap3A, %swap3A_612], %swap3A_615 {strides = array<i32>} : memref<128x64xf32, #tpu.memory_space<vmem>>, vector<1x16xf32>,
      }
      %scan3A_603 = arith.constant 4 : i32
    }
    %scan3A_17 = arith.constant 128 : i32
    %add3A = arith.constant 0 : i32
    %add3A_18 = arith.addi %mul3A_0, %add3A : i32
    %dma_start3A_19 = arith.constant 0 : i32
    %dma_start3A_20 = tpu.memref_slice %arg14[%add3A_18, %dma_start3A_19] : memref<10000x64xf32, #tpu.memory_space<vmem_shared>> -> memref<128x64xf32, #tpu.memory_space<vmem_shared>>
    %dma_start3A_21 = arith.constant 0 : i32
    %dma_start3A_22 = tpu.memref_slice %arg14[%add3A_18, %dma_start3A_21] : memref<10000x64xf32, #tpu.memory_space<vmem_shared>> -> memref<128x64xf32, #tpu.memory_space<vmem_shared>>
    tpu.enqueue_dma source(%arg9 : memref<128x64xf32, #tpu.memory_space<vmem>>) target(%dma_start3A_22 : memref<128x64xf32, #tpu.memory_space<vmem_shared>>) target_semaphore(%arg22 : memref<!tpu.dma_semaphore, #tpu.memory_space<semaphore_mem>>)
    %add3A_23 = arith.constant 0 : i32
    %add3A_24 = arith.addi %mul3A_0, %add3A_23 : i32
    %mul3A_25 = arith.constant 64 : i32
    %mul3A_26 = arith.muli %arg0, %mul3A_25 : i32
    %dma_start3A_27 = arith.constant 0 : i32
    %dma_start3A_28 = arith.constant 0 : i32
    %dma_start3A_29 = tpu.memref_slice %arg8[%dma_start3A_27, %dma_start3A_28] : memref<128x64xf32, #tpu.memory_space<vmem>> -> memref<128x64xf32, #tpu.memory_space<vmem>>
    %dma_start3A_30 = tpu.memref_slice %arg2[%add3A_24, %mul3A_26] : memref<10000x128xf32, #tpu.memory_space<hbm>> -> memref<128x64xf32, #tpu.memory_space<hbm>>
    %dma_start3A_31 = arith.constant 0 : i32
    %dma_start3A_32 = arith.constant 0 : i32
    %dma_start3A_33 = tpu.memref_slice %arg8[%dma_start3A_31, %dma_start3A_32] : memref<128x64xf32, #tpu.memory_space<vmem>> -> memref<128x64xf32, #tpu.memory_space<vmem>>
    %dma_start3A_34 = tpu.memref_slice %arg2[%add3A_24, %mul3A_26] : memref<10000x128xf32, #tpu.memory_space<hbm>> -> memref<128x64xf32, #tpu.memory_space<hbm>>
    tpu.enqueue_dma source(%dma_start3A_34 : memref<128x64xf32, #tpu.memory_space<hbm>>) target(%dma_start3A_33 : memref<128x64xf32, #tpu.memory_space<vmem>>) target_semaphore(%arg17 : memref<!tpu.dma_semaphore, #tpu.memory_space<semaphore_mem>>)
    %add3A_35 = arith.constant 128 : i32
    %add3A_36 = arith.addi %mul3A_0, %add3A_35 : i32
    %mul3A_37 = arith.constant 64 : i32
    %mul3A_38 = arith.muli %arg0, %mul3A_37 : i32
    %dma_start3A_39 = arith.constant 0 : i32
    %dma_start3A_40 = arith.constant 0 : i32
    %dma_start3A_41 = tpu.memref_slice %arg10[%dma_start3A_39, %dma_start3A_40] : memref<128x64xf32, #tpu.memory_space<vmem>> -> memref<128x64xf32, #tpu.memory_space<vmem>>
    %dma_start3A_42 = tpu.memref_slice %arg2[%add3A_36, %mul3A_38] : memref<10000x128xf32, #tpu.memory_space<hbm>> -> memref<128x64xf32, #tpu.memory_space<hbm>>
    %dma_start3A_43 = arith.constant 0 : i32
    %dma_start3A_44 = arith.constant 0 : i32
    %dma_start3A_45 = tpu.memref_slice %arg10[%dma_start3A_43, %dma_start3A_44] : memref<128x64xf32, #tpu.memory_space<vmem>> -> memref<128x64xf32, #tpu.memory_space<vmem>>
    %dma_start3A_46 = tpu.memref_slice %arg2[%add3A_36, %mul3A_38] : memref<10000x128xf32, #tpu.memory_space<hbm>> -> memref<128x64xf32, #tpu.memory_space<hbm>>
    tpu.enqueue_dma source(%dma_start3A_46 : memref<128x64xf32, #tpu.memory_space<hbm>>) target(%dma_start3A_45 : memref<128x64xf32, #tpu.memory_space<vmem>>) target_semaphore(%arg18 : memref<!tpu.dma_semaphore, #tpu.memory_space<semaphore_mem>>)
    %dma_wait3A = arith.constant 0 : i32
    %dma_wait3A_47 = arith.constant 0 : i32
    %dma_wait3A_48 = tpu.memref_slice %arg8[%dma_wait3A, %dma_wait3A_47] : memref<128x64xf32, #tpu.memory_space<vmem>> -> memref<128x64xf32, #tpu.memory_space<vmem>>
    %dma_wait3A_49 = tpu.memref_slice %arg2[%add3A_24, %mul3A_26] : memref<10000x128xf32, #tpu.memory_space<hbm>> -> memref<128x64xf32, #tpu.memory_space<hbm>>
    %dma_wait3A_50 = arith.constant 0 : i32
    %dma_wait3A_51 = arith.constant 0 : i32
    %dma_wait3A_52 = tpu.memref_slice %arg8[%dma_wait3A_50, %dma_wait3A_51] : memref<128x64xf32, #tpu.memory_space<vmem>> -> memref<128x64xf32, #tpu.memory_space<vmem>>
    %dma_wait3A_53 = tpu.memref_slice %arg2[%add3A_24, %mul3A_26] : memref<10000x128xf32, #tpu.memory_space<hbm>> -> memref<128x64xf32, #tpu.memory_space<hbm>>
    tpu.wait_dma2 semaphore(%arg17 : memref<!tpu.dma_semaphore, #tpu.memory_space<semaphore_mem>>) src(%dma_wait3A_53 : memref<128x64xf32, #tpu.memory_space<hbm>>) dst(%dma_wait3A_52 : memref<128x64xf32, #tpu.memory_space<vmem>>)
    %add3A_54 = arith.constant 0 : i32
    %add3A_55 = arith.addi %mul3A_0, %add3A_54 : i32
    %dma_start3A_56 = arith.constant 0 : i32
    %dma_start3A_57 = arith.constant 0 : i32
    %dma_start3A_58 = tpu.memref_slice %arg8[%dma_start3A_56, %dma_start3A_57] : memref<128x64xf32, #tpu.memory_space<vmem>> -> memref<128x64xf32, #tpu.memory_space<vmem>>
    %dma_start3A_59 = arith.constant 0 : i32
    %dma_start3A_60 = arith.constant 0 : i32
    %dma_start3A_61 = tpu.memref_slice %arg5[%arg0, %dma_start3A_59, %dma_start3A_60] : memref<2x10000x64xf32, #tpu.memory_space<hbm>> -> memref<1x10000x64xf32, #tpu.memory_space<hbm>>
    %dma_start3A_62 = tpu.memref_squeeze %dma_start3A_61 : memref<1x10000x64xf32, #tpu.memory_space<hbm>> -> memref<10000x64xf32, #tpu.memory_space<hbm>>
    %dma_start3A_63 = arith.constant 0 : i32
    %dma_start3A_64 = tpu.memref_slice %dma_start3A_62[%add3A_55, %dma_start3A_63] : memref<10000x64xf32, #tpu.memory_space<hbm>> -> memref<128x64xf32, #tpu.memory_space<hbm>>
    %dma_start3A_65 = arith.constant 0 : i32
    %dma_start3A_66 = arith.constant 0 : i32
    %dma_start3A_67 = tpu.memref_slice %arg5[%arg0, %dma_start3A_65, %dma_start3A_66] : memref<2x10000x64xf32, #tpu.memory_space<hbm>> -> memref<1x10000x64xf32, #tpu.memory_space<hbm>>
    %dma_start3A_68 = tpu.memref_squeeze %dma_start3A_67 : memref<1x10000x64xf32, #tpu.memory_space<hbm>> -> memref<10000x64xf32, #tpu.memory_space<hbm>>
    %dma_start3A_69 = arith.constant 0 : i32
    %dma_start3A_70 = tpu.memref_slice %dma_start3A_68[%add3A_55, %dma_start3A_69] : memref<10000x64xf32, #tpu.memory_space<hbm>> -> memref<128x64xf32, #tpu.memory_space<hbm>>
    %dma_start3A_71 = arith.constant 0 : i32
    %dma_start3A_72 = arith.constant 0 : i32
    %dma_start3A_73 = tpu.memref_slice %arg8[%dma_start3A_71, %dma_start3A_72] : memref<128x64xf32, #tpu.memory_space<vmem>> -> memref<128x64xf32, #tpu.memory_space<vmem>>
    tpu.enqueue_dma source(%dma_start3A_73 : memref<128x64xf32, #tpu.memory_space<vmem>>) target(%dma_start3A_70 : memref<128x64xf32, #tpu.memory_space<hbm>>) target_semaphore(%arg21 : memref<!tpu.dma_semaphore, #tpu.memory_space<semaphore_mem>>)
    %dma_wait3A_74 = arith.constant 0 : i32
    %dma_wait3A_75 = arith.constant 0 : i32
    %dma_wait3A_76 = tpu.memref_slice %arg10[%dma_wait3A_74, %dma_wait3A_75] : memref<128x64xf32, #tpu.memory_space<vmem>> -> memref<128x64xf32, #tpu.memory_space<vmem>>
    %dma_wait3A_77 = tpu.memref_slice %arg2[%add3A_36, %mul3A_38] : memref<10000x128xf32, #tpu.memory_space<hbm>> -> memref<128x64xf32, #tpu.memory_space<hbm>>
    %dma_wait3A_78 = arith.constant 0 : i32
    %dma_wait3A_79 = arith.constant 0 : i32
    %dma_wait3A_80 = tpu.memref_slice %arg10[%dma_wait3A_78, %dma_wait3A_79] : memref<128x64xf32, #tpu.memory_space<vmem>> -> memref<128x64xf32, #tpu.memory_space<vmem>>
    %dma_wait3A_81 = tpu.memref_slice %arg2[%add3A_36, %mul3A_38] : memref<10000x128xf32, #tpu.memory_space<hbm>> -> memref<128x64xf32, #tpu.memory_space<hbm>>
    tpu.wait_dma2 semaphore(%arg18 : memref<!tpu.dma_semaphore, #tpu.memory_space<semaphore_mem>>) src(%dma_wait3A_81 : memref<128x64xf32, #tpu.memory_space<hbm>>) dst(%dma_wait3A_80 : memref<128x64xf32, #tpu.memory_space<vmem>>)
    %add3A_82 = arith.constant 128 : i32
    %add3A_83 = arith.addi %mul3A_0, %add3A_82 : i32
    %dma_start3A_84 = arith.constant 0 : i32
    %dma_start3A_85 = arith.constant 0 : i32
    %dma_start3A_86 = tpu.memref_slice %arg10[%dma_start3A_84, %dma_start3A_85] : memref<128x64xf32, #tpu.memory_space<vmem>> -> memref<128x64xf32, #tpu.memory_space<vmem>>
    %dma_start3A_87 = arith.constant 0 : i32
    %dma_start3A_88 = arith.constant 0 : i32
    %dma_start3A_89 = tpu.memref_slice %arg5[%arg0, %dma_start3A_87, %dma_start3A_88] : memref<2x10000x64xf32, #tpu.memory_space<hbm>> -> memref<1x10000x64xf32, #tpu.memory_space<hbm>>
    %dma_start3A_90 = tpu.memref_squeeze %dma_start3A_89 : memref<1x10000x64xf32, #tpu.memory_space<hbm>> -> memref<10000x64xf32, #tpu.memory_space<hbm>>
    %dma_start3A_91 = arith.constant 0 : i32
    %dma_start3A_92 = tpu.memref_slice %dma_start3A_90[%add3A_83, %dma_start3A_91] : memref<10000x64xf32, #tpu.memory_space<hbm>> -> memref<128x64xf32, #tpu.memory_space<hbm>>
    %dma_start3A_93 = arith.constant 0 : i32
    %dma_start3A_94 = arith.constant 0 : i32
    %dma_start3A_95 = tpu.memref_slice %arg5[%arg0, %dma_start3A_93, %dma_start3A_94] : memref<2x10000x64xf32, #tpu.memory_space<hbm>> -> memref<1x10000x64xf32, #tpu.memory_space<hbm>>
    %dma_start3A_96 = tpu.memref_squeeze %dma_start3A_95 : memref<1x10000x64xf32, #tpu.memory_space<hbm>> -> memref<10000x64xf32, #tpu.memory_space<hbm>>
    %dma_start3A_97 = arith.constant 0 : i32
    %dma_start3A_98 = tpu.memref_slice %dma_start3A_96[%add3A_83, %dma_start3A_97] : memref<10000x64xf32, #tpu.memory_space<hbm>> -> memref<128x64xf32, #tpu.memory_space<hbm>>
    %dma_start3A_99 = arith.constant 0 : i32
    %dma_start3A_100 = arith.constant 0 : i32
    %dma_start3A_101 = tpu.memref_slice %arg10[%dma_start3A_99, %dma_start3A_100] : memref<128x64xf32, #tpu.memory_space<vmem>> -> memref<128x64xf32, #tpu.memory_space<vmem>>
    tpu.enqueue_dma source(%dma_start3A_101 : memref<128x64xf32, #tpu.memory_space<vmem>>) target(%dma_start3A_98 : memref<128x64xf32, #tpu.memory_space<hbm>>) target_semaphore(%arg23 : memref<!tpu.dma_semaphore, #tpu.memory_space<semaphore_mem>>)
    %dma_wait3A_102 = arith.constant 0 : i32
    %dma_wait3A_103 = tpu.memref_slice %arg14[%add3A_18, %dma_wait3A_102] : memref<10000x64xf32, #tpu.memory_space<vmem_shared>> -> memref<128x64xf32, #tpu.memory_space<vmem_shared>>
    %dma_wait3A_104 = arith.constant 0 : i32
    %dma_wait3A_105 = tpu.memref_slice %arg14[%add3A_18, %dma_wait3A_104] : memref<10000x64xf32, #tpu.memory_space<vmem_shared>> -> memref<128x64xf32, #tpu.memory_space<vmem_shared>>
    tpu.wait_dma2 semaphore(%arg22 : memref<!tpu.dma_semaphore, #tpu.memory_space<semaphore_mem>>) src(%arg9 : memref<128x64xf32, #tpu.memory_space<vmem>>) dst(%dma_wait3A_105 : memref<128x64xf32, #tpu.memory_space<vmem_shared>>)
    %add3A_106 = arith.constant 128 : i32
    %add3A_107 = arith.addi %mul3A_0, %add3A_106 : i32
    %dma_start3A_108 = arith.constant 0 : i32
    %dma_start3A_109 = tpu.memref_slice %arg14[%add3A_107, %dma_start3A_108] : memref<10000x64xf32, #tpu.memory_space<vmem_shared>> -> memref<128x64xf32, #tpu.memory_space<vmem_shared>>
    %dma_start3A_110 = arith.constant 0 : i32
    %dma_start3A_111 = tpu.memref_slice %arg14[%add3A_107, %dma_start3A_110] : memref<10000x64xf32, #tpu.memory_space<vmem_shared>> -> memref<128x64xf32, #tpu.memory_space<vmem_shared>>
    tpu.enqueue_dma source(%arg9 : memref<128x64xf32, #tpu.memory_space<vmem>>) target(%dma_start3A_111 : memref<128x64xf32, #tpu.memory_space<vmem_shared>>) target_semaphore(%arg22 : memref<!tpu.dma_semaphore, #tpu.memory_space<semaphore_mem>>)
    %dma_wait3A_112 = arith.constant 0 : i32
    %dma_wait3A_113 = arith.constant 0 : i32
    %dma_wait3A_114 = tpu.memref_slice %arg8[%dma_wait3A_112, %dma_wait3A_113] : memref<128x64xf32, #tpu.memory_space<vmem>> -> memref<128x64xf32, #tpu.memory_space<vmem>>
    %dma_wait3A_115 = arith.constant 0 : i32
    %dma_wait3A_116 = arith.constant 0 : i32
    %dma_wait3A_117 = tpu.memref_slice %arg5[%arg0, %dma_wait3A_115, %dma_wait3A_116] : memref<2x10000x64xf32, #tpu.memory_space<hbm>> -> memref<1x10000x64xf32, #tpu.memory_space<hbm>>
    %dma_wait3A_118 = tpu.memref_squeeze %dma_wait3A_117 : memref<1x10000x64xf32, #tpu.memory_space<hbm>> -> memref<10000x64xf32, #tpu.memory_space<hbm>>
    %dma_wait3A_119 = arith.constant 0 : i32
    %dma_wait3A_120 = tpu.memref_slice %dma_wait3A_118[%add3A_55, %dma_wait3A_119] : memref<10000x64xf32, #tpu.memory_space<hbm>> -> memref<128x64xf32, #tpu.memory_space<hbm>>
    %dma_wait3A_121 = arith.constant 0 : i32
    %dma_wait3A_122 = arith.constant 0 : i32
    %dma_wait3A_123 = tpu.memref_slice %arg5[%arg0, %dma_wait3A_121, %dma_wait3A_122] : memref<2x10000x64xf32, #tpu.memory_space<hbm>> -> memref<1x10000x64xf32, #tpu.memory_space<hbm>>
    %dma_wait3A_124 = tpu.memref_squeeze %dma_wait3A_123 : memref<1x10000x64xf32, #tpu.memory_space<hbm>> -> memref<10000x64xf32, #tpu.memory_space<hbm>>
    %dma_wait3A_125 = arith.constant 0 : i32
    %dma_wait3A_126 = tpu.memref_slice %dma_wait3A_124[%add3A_55, %dma_wait3A_125] : memref<10000x64xf32, #tpu.memory_space<hbm>> -> memref<128x64xf32, #tpu.memory_space<hbm>>
    %dma_wait3A_127 = arith.constant 0 : i32
    %dma_wait3A_128 = arith.constant 0 : i32
    %dma_wait3A_129 = tpu.memref_slice %arg8[%dma_wait3A_127, %dma_wait3A_128] : memref<128x64xf32, #tpu.memory_space<vmem>> -> memref<128x64xf32, #tpu.memory_space<vmem>>
    tpu.wait_dma2 semaphore(%arg21 : memref<!tpu.dma_semaphore, #tpu.memory_space<semaphore_mem>>) src(%dma_wait3A_129 : memref<128x64xf32, #tpu.memory_space<vmem>>) dst(%dma_wait3A_126 : memref<128x64xf32, #tpu.memory_space<hbm>>)
    %add3A_130 = arith.constant 256 : i32
    %add3A_131 = arith.addi %mul3A_0, %add3A_130 : i32
    %mul3A_132 = arith.constant 64 : i32
    %mul3A_133 = arith.muli %arg0, %mul3A_132 : i32
    %dma_start3A_134 = arith.constant 0 : i32
    %dma_start3A_135 = arith.constant 0 : i32
    %dma_start3A_136 = tpu.memref_slice %arg8[%dma_start3A_134, %dma_start3A_135] : memref<128x64xf32, #tpu.memory_space<vmem>> -> memref<128x64xf32, #tpu.memory_space<vmem>>
    %dma_start3A_137 = tpu.memref_slice %arg2[%add3A_131, %mul3A_133] : memref<10000x128xf32, #tpu.memory_space<hbm>> -> memref<128x64xf32, #tpu.memory_space<hbm>>
    %dma_start3A_138 = arith.constant 0 : i32
    %dma_start3A_139 = arith.constant 0 : i32
    %dma_start3A_140 = tpu.memref_slice %arg8[%dma_start3A_138, %dma_start3A_139] : memref<128x64xf32, #tpu.memory_space<vmem>> -> memref<128x64xf32, #tpu.memory_space<vmem>>
    %dma_start3A_141 = tpu.memref_slice %arg2[%add3A_131, %mul3A_133] : memref<10000x128xf32, #tpu.memory_space<hbm>> -> memref<128x64xf32, #tpu.memory_space<hbm>>
    tpu.enqueue_dma source(%dma_start3A_141 : memref<128x64xf32, #tpu.memory_space<hbm>>) target(%dma_start3A_140 : memref<128x64xf32, #tpu.memory_space<vmem>>) target_semaphore(%arg17 : memref<!tpu.dma_semaphore, #tpu.memory_space<semaphore_mem>>)
    %dma_wait3A_142 = arith.constant 0 : i32
    %dma_wait3A_143 = arith.constant 0 : i32
    %dma_wait3A_144 = tpu.memref_slice %arg10[%dma_wait3A_142, %dma_wait3A_143] : memref<128x64xf32, #tpu.memory_space<vmem>> -> memref<128x64xf32, #tpu.memory_space<vmem>>
    %dma_wait3A_145 = arith.constant 0 : i32
    %dma_wait3A_146 = arith.constant 0 : i32
    %dma_wait3A_147 = tpu.memref_slice %arg5[%arg0, %dma_wait3A_145, %dma_wait3A_146] : memref<2x10000x64xf32, #tpu.memory_space<hbm>> -> memref<1x10000x64xf32, #tpu.memory_space<hbm>>
    %dma_wait3A_148 = tpu.memref_squeeze %dma_wait3A_147 : memref<1x10000x64xf32, #tpu.memory_space<hbm>> -> memref<10000x64xf32, #tpu.memory_space<hbm>>
    %dma_wait3A_149 = arith.constant 0 : i32
    %dma_wait3A_150 = tpu.memref_slice %dma_wait3A_148[%add3A_83, %dma_wait3A_149] : memref<10000x64xf32, #tpu.memory_space<hbm>> -> memref<128x64xf32, #tpu.memory_space<hbm>>
    %dma_wait3A_151 = arith.constant 0 : i32
    %dma_wait3A_152 = arith.constant 0 : i32
    %dma_wait3A_153 = tpu.memref_slice %arg5[%arg0, %dma_wait3A_151, %dma_wait3A_152] : memref<2x10000x64xf32, #tpu.memory_space<hbm>> -> memref<1x10000x64xf32, #tpu.memory_space<hbm>>
    %dma_wait3A_154 = tpu.memref_squeeze %dma_wait3A_153 : memref<1x10000x64xf32, #tpu.memory_space<hbm>> -> memref<10000x64xf32, #tpu.memory_space<hbm>>
    %dma_wait3A_155 = arith.constant 0 : i32
    %dma_wait3A_156 = tpu.memref_slice %dma_wait3A_154[%add3A_83, %dma_wait3A_155] : memref<10000x64xf32, #tpu.memory_space<hbm>> -> memref<128x64xf32, #tpu.memory_space<hbm>>
    %dma_wait3A_157 = arith.constant 0 : i32
    %dma_wait3A_158 = arith.constant 0 : i32
    %dma_wait3A_159 = tpu.memref_slice %arg10[%dma_wait3A_157, %dma_wait3A_158] : memref<128x64xf32, #tpu.memory_space<vmem>> -> memref<128x64xf32, #tpu.memory_space<vmem>>
    tpu.wait_dma2 semaphore(%arg23 : memref<!tpu.dma_semaphore, #tpu.memory_space<semaphore_mem>>) src(%dma_wait3A_159 : memref<128x64xf32, #tpu.memory_space<vmem>>) dst(%dma_wait3A_156 : memref<128x64xf32, #tpu.memory_space<hbm>>)
    %add3A_160 = arith.constant 384 : i32
    %add3A_161 = arith.addi %mul3A_0, %add3A_160 : i32
    %mul3A_162 = arith.constant 64 : i32
    %mul3A_163 = arith.muli %arg0, %mul3A_162 : i32
    %dma_start3A_164 = arith.constant 0 : i32
    %dma_start3A_165 = arith.constant 0 : i32
    %dma_start3A_166 = tpu.memref_slice %arg10[%dma_start3A_164, %dma_start3A_165] : memref<128x64xf32, #tpu.memory_space<vmem>> -> memref<128x64xf32, #tpu.memory_space<vmem>>
    %dma_start3A_167 = tpu.memref_slice %arg2[%add3A_161, %mul3A_163] : memref<10000x128xf32, #tpu.memory_space<hbm>> -> memref<128x64xf32, #tpu.memory_space<hbm>>
    %dma_start3A_168 = arith.constant 0 : i32
    %dma_start3A_169 = arith.constant 0 : i32
    %dma_start3A_170 = tpu.memref_slice %arg10[%dma_start3A_168, %dma_start3A_169] : memref<128x64xf32, #tpu.memory_space<vmem>> -> memref<128x64xf32, #tpu.memory_space<vmem>>
    %dma_start3A_171 = tpu.memref_slice %arg2[%add3A_161, %mul3A_163] : memref<10000x128xf32, #tpu.memory_space<hbm>> -> memref<128x64xf32, #tpu.memory_space<hbm>>
    tpu.enqueue_dma source(%dma_start3A_171 : memref<128x64xf32, #tpu.memory_space<hbm>>) target(%dma_start3A_170 : memref<128x64xf32, #tpu.memory_space<vmem>>) target_semaphore(%arg18 : memref<!tpu.dma_semaphore, #tpu.memory_space<semaphore_mem>>)
    %dma_wait3A_172 = arith.constant 0 : i32
    %dma_wait3A_173 = tpu.memref_slice %arg14[%add3A_107, %dma_wait3A_172] : memref<10000x64xf32, #tpu.memory_space<vmem_shared>> -> memref<128x64xf32, #tpu.memory_space<vmem_shared>>
    %dma_wait3A_174 = arith.constant 0 : i32
    %dma_wait3A_175 = tpu.memref_slice %arg14[%add3A_107, %dma_wait3A_174] : memref<10000x64xf32, #tpu.memory_space<vmem_shared>> -> memref<128x64xf32, #tpu.memory_space<vmem_shared>>
    tpu.wait_dma2 semaphore(%arg22 : memref<!tpu.dma_semaphore, #tpu.memory_space<semaphore_mem>>) src(%arg9 : memref<128x64xf32, #tpu.memory_space<vmem>>) dst(%dma_wait3A_175 : memref<128x64xf32, #tpu.memory_space<vmem_shared>>)
    %add3A_176 = arith.constant 256 : i32
    %add3A_177 = arith.addi %mul3A_0, %add3A_176 : i32
    %dma_start3A_178 = arith.constant 0 : i32
    %dma_start3A_179 = tpu.memref_slice %arg14[%add3A_177, %dma_start3A_178] : memref<10000x64xf32, #tpu.memory_space<vmem_shared>> -> memref<128x64xf32, #tpu.memory_space<vmem_shared>>
    %dma_start3A_180 = arith.constant 0 : i32
    %dma_start3A_181 = tpu.memref_slice %arg14[%add3A_177, %dma_start3A_180] : memref<10000x64xf32, #tpu.memory_space<vmem_shared>> -> memref<128x64xf32, #tpu.memory_space<vmem_shared>>
    tpu.enqueue_dma source(%arg9 : memref<128x64xf32, #tpu.memory_space<vmem>>) target(%dma_start3A_181 : memref<128x64xf32, #tpu.memory_space<vmem_shared>>) target_semaphore(%arg22 : memref<!tpu.dma_semaphore, #tpu.memory_space<semaphore_mem>>)
    %dma_wait3A_182 = arith.constant 0 : i32
    %dma_wait3A_183 = arith.constant 0 : i32
    %dma_wait3A_184 = tpu.memref_slice %arg8[%dma_wait3A_182, %dma_wait3A_183] : memref<128x64xf32, #tpu.memory_space<vmem>> -> memref<128x64xf32, #tpu.memory_space<vmem>>
    %dma_wait3A_185 = tpu.memref_slice %arg2[%add3A_131, %mul3A_133] : memref<10000x128xf32, #tpu.memory_space<hbm>> -> memref<128x64xf32, #tpu.memory_space<hbm>>
    %dma_wait3A_186 = arith.constant 0 : i32
    %dma_wait3A_187 = arith.constant 0 : i32
    %dma_wait3A_188 = tpu.memref_slice %arg8[%dma_wait3A_186, %dma_wait3A_187] : memref<128x64xf32, #tpu.memory_space<vmem>> -> memref<128x64xf32, #tpu.memory_space<vmem>>
    %dma_wait3A_189 = tpu.memref_slice %arg2[%add3A_131, %mul3A_133] : memref<10000x128xf32, #tpu.memory_space<hbm>> -> memref<128x64xf32, #tpu.memory_space<hbm>>
    tpu.wait_dma2 semaphore(%arg17 : memref<!tpu.dma_semaphore, #tpu.memory_space<semaphore_mem>>) src(%dma_wait3A_189 : memref<128x64xf32, #tpu.memory_space<hbm>>) dst(%dma_wait3A_188 : memref<128x64xf32, #tpu.memory_space<vmem>>)
    %add3A_190 = arith.constant 256 : i32
    %add3A_191 = arith.addi %mul3A_0, %add3A_190 : i32
    %dma_start3A_192 = arith.constant 0 : i32
    %dma_start3A_193 = arith.constant 0 : i32
    %dma_start3A_194 = tpu.memref_slice %arg8[%dma_start3A_192, %dma_start3A_193] : memref<128x64xf32, #tpu.memory_space<vmem>> -> memref<128x64xf32, #tpu.memory_space<vmem>>
    %dma_start3A_195 = arith.constant 0 : i32
    %dma_start3A_196 = arith.constant 0 : i32
    %dma_start3A_197 = tpu.memref_slice %arg5[%arg0, %dma_start3A_195, %dma_start3A_196] : memref<2x10000x64xf32, #tpu.memory_space<hbm>> -> memref<1x10000x64xf32, #tpu.memory_space<hbm>>
    %dma_start3A_198 = tpu.memref_squeeze %dma_start3A_197 : memref<1x10000x64xf32, #tpu.memory_space<hbm>> -> memref<10000x64xf32, #tpu.memory_space<hbm>>
    %dma_start3A_199 = arith.constant 0 : i32
    %dma_start3A_200 = tpu.memref_slice %dma_start3A_198[%add3A_191, %dma_start3A_199] : memref<10000x64xf32, #tpu.memory_space<hbm>> -> memref<128x64xf32, #tpu.memory_space<hbm>>
    %dma_start3A_201 = arith.constant 0 : i32
    %dma_start3A_202 = arith.constant 0 : i32
    %dma_start3A_203 = tpu.memref_slice %arg5[%arg0, %dma_start3A_201, %dma_start3A_202] : memref<2x10000x64xf32, #tpu.memory_space<hbm>> -> memref<1x10000x64xf32, #tpu.memory_space<hbm>>
    %dma_start3A_204 = tpu.memref_squeeze %dma_start3A_203 : memref<1x10000x64xf32, #tpu.memory_space<hbm>> -> memref<10000x64xf32, #tpu.memory_space<hbm>>
    %dma_start3A_205 = arith.constant 0 : i32
    %dma_start3A_206 = tpu.memref_slice %dma_start3A_204[%add3A_191, %dma_start3A_205] : memref<10000x64xf32, #tpu.memory_space<hbm>> -> memref<128x64xf32, #tpu.memory_space<hbm>>
    %dma_start3A_207 = arith.constant 0 : i32
    %dma_start3A_208 = arith.constant 0 : i32
    %dma_start3A_209 = tpu.memref_slice %arg8[%dma_start3A_207, %dma_start3A_208] : memref<128x64xf32, #tpu.memory_space<vmem>> -> memref<128x64xf32, #tpu.memory_space<vmem>>
    tpu.enqueue_dma source(%dma_start3A_209 : memref<128x64xf32, #tpu.memory_space<vmem>>) target(%dma_start3A_206 : memref<128x64xf32, #tpu.memory_space<hbm>>) target_semaphore(%arg21 : memref<!tpu.dma_semaphore, #tpu.memory_space<semaphore_mem>>)
    %dma_wait3A_210 = arith.constant 0 : i32
    %dma_wait3A_211 = arith.constant 0 : i32
    %dma_wait3A_212 = tpu.memref_slice %arg10[%dma_wait3A_210, %dma_wait3A_211] : memref<128x64xf32, #tpu.memory_space<vmem>> -> memref<128x64xf32, #tpu.memory_space<vmem>>
    %dma_wait3A_213 = tpu.memref_slice %arg2[%add3A_161, %mul3A_163] : memref<10000x128xf32, #tpu.memory_space<hbm>> -> memref<128x64xf32, #tpu.memory_space<hbm>>
    %dma_wait3A_214 = arith.constant 0 : i32
    %dma_wait3A_215 = arith.constant 0 : i32
    %dma_wait3A_216 = tpu.memref_slice %arg10[%dma_wait3A_214, %dma_wait3A_215] : memref<128x64xf32, #tpu.memory_space<vmem>> -> memref<128x64xf32, #tpu.memory_space<vmem>>
    %dma_wait3A_217 = tpu.memref_slice %arg2[%add3A_161, %mul3A_163] : memref<10000x128xf32, #tpu.memory_space<hbm>> -> memref<128x64xf32, #tpu.memory_space<hbm>>
    tpu.wait_dma2 semaphore(%arg18 : memref<!tpu.dma_semaphore, #tpu.memory_space<semaphore_mem>>) src(%dma_wait3A_217 : memref<128x64xf32, #tpu.memory_space<hbm>>) dst(%dma_wait3A_216 : memref<128x64xf32, #tpu.memory_space<vmem>>)
    %add3A_218 = arith.constant 384 : i32
    %add3A_219 = arith.addi %mul3A_0, %add3A_218 : i32
    %dma_start3A_220 = arith.constant 0 : i32
    %dma_start3A_221 = arith.constant 0 : i32
    %dma_start3A_222 = tpu.memref_slice %arg10[%dma_start3A_220, %dma_start3A_221] : memref<128x64xf32, #tpu.memory_space<vmem>> -> memref<128x64xf32, #tpu.memory_space<vmem>>
    %dma_start3A_223 = arith.constant 0 : i32
    %dma_start3A_224 = arith.constant 0 : i32
    %dma_start3A_225 = tpu.memref_slice %arg5[%arg0, %dma_start3A_223, %dma_start3A_224] : memref<2x10000x64xf32, #tpu.memory_space<hbm>> -> memref<1x10000x64xf32, #tpu.memory_space<hbm>>
    %dma_start3A_226 = tpu.memref_squeeze %dma_start3A_225 : memref<1x10000x64xf32, #tpu.memory_space<hbm>> -> memref<10000x64xf32, #tpu.memory_space<hbm>>
    %dma_start3A_227 = arith.constant 0 : i32
    %dma_start3A_228 = tpu.memref_slice %dma_start3A_226[%add3A_219, %dma_start3A_227] : memref<10000x64xf32, #tpu.memory_space<hbm>> -> memref<128x64xf32, #tpu.memory_space<hbm>>
    %dma_start3A_229 = arith.constant 0 : i32
    %dma_start3A_230 = arith.constant 0 : i32
    %dma_start3A_231 = tpu.memref_slice %arg5[%arg0, %dma_start3A_229, %dma_start3A_230] : memref<2x10000x64xf32, #tpu.memory_space<hbm>> -> memref<1x10000x64xf32, #tpu.memory_space<hbm>>
    %dma_start3A_232 = tpu.memref_squeeze %dma_start3A_231 : memref<1x10000x64xf32, #tpu.memory_space<hbm>> -> memref<10000x64xf32, #tpu.memory_space<hbm>>
    %dma_start3A_233 = arith.constant 0 : i32
    %dma_start3A_234 = tpu.memref_slice %dma_start3A_232[%add3A_219, %dma_start3A_233] : memref<10000x64xf32, #tpu.memory_space<hbm>> -> memref<128x64xf32, #tpu.memory_space<hbm>>
    %dma_start3A_235 = arith.constant 0 : i32
    %dma_start3A_236 = arith.constant 0 : i32
    %dma_start3A_237 = tpu.memref_slice %arg10[%dma_start3A_235, %dma_start3A_236] : memref<128x64xf32, #tpu.memory_space<vmem>> -> memref<128x64xf32, #tpu.memory_space<vmem>>
    tpu.enqueue_dma source(%dma_start3A_237 : memref<128x64xf32, #tpu.memory_space<vmem>>) target(%dma_start3A_234 : memref<128x64xf32, #tpu.memory_space<hbm>>) target_semaphore(%arg23 : memref<!tpu.dma_semaphore, #tpu.memory_space<semaphore_mem>>)
    %dma_wait3A_238 = arith.constant 0 : i32
    %dma_wait3A_239 = tpu.memref_slice %arg14[%add3A_177, %dma_wait3A_238] : memref<10000x64xf32, #tpu.memory_space<vmem_shared>> -> memref<128x64xf32, #tpu.memory_space<vmem_shared>>
    %dma_wait3A_240 = arith.constant 0 : i32
    %dma_wait3A_241 = tpu.memref_slice %arg14[%add3A_177, %dma_wait3A_240] : memref<10000x64xf32, #tpu.memory_space<vmem_shared>> -> memref<128x64xf32, #tpu.memory_space<vmem_shared>>
    tpu.wait_dma2 semaphore(%arg22 : memref<!tpu.dma_semaphore, #tpu.memory_space<semaphore_mem>>) src(%arg9 : memref<128x64xf32, #tpu.memory_space<vmem>>) dst(%dma_wait3A_241 : memref<128x64xf32, #tpu.memory_space<vmem_shared>>)
    %add3A_242 = arith.constant 384 : i32
    %add3A_243 = arith.addi %mul3A_0, %add3A_242 : i32
    %dma_start3A_244 = arith.constant 0 : i32
    %dma_start3A_245 = tpu.memref_slice %arg14[%add3A_243, %dma_start3A_244] : memref<10000x64xf32, #tpu.memory_space<vmem_shared>> -> memref<128x64xf32, #tpu.memory_space<vmem_shared>>
    %dma_start3A_246 = arith.constant 0 : i32
    %dma_start3A_247 = tpu.memref_slice %arg14[%add3A_243, %dma_start3A_246] : memref<10000x64xf32, #tpu.memory_space<vmem_shared>> -> memref<128x64xf32, #tpu.memory_space<vmem_shared>>
    tpu.enqueue_dma source(%arg9 : memref<128x64xf32, #tpu.memory_space<vmem>>) target(%dma_start3A_247 : memref<128x64xf32, #tpu.memory_space<vmem_shared>>) target_semaphore(%arg22 : memref<!tpu.dma_semaphore, #tpu.memory_space<semaphore_mem>>)
    %dma_wait3A_248 = arith.constant 0 : i32
    %dma_wait3A_249 = arith.constant 0 : i32
    %dma_wait3A_250 = tpu.memref_slice %arg8[%dma_wait3A_248, %dma_wait3A_249] : memref<128x64xf32, #tpu.memory_space<vmem>> -> memref<128x64xf32, #tpu.memory_space<vmem>>
    %dma_wait3A_251 = arith.constant 0 : i32
    %dma_wait3A_252 = arith.constant 0 : i32
    %dma_wait3A_253 = tpu.memref_slice %arg5[%arg0, %dma_wait3A_251, %dma_wait3A_252] : memref<2x10000x64xf32, #tpu.memory_space<hbm>> -> memref<1x10000x64xf32, #tpu.memory_space<hbm>>
    %dma_wait3A_254 = tpu.memref_squeeze %dma_wait3A_253 : memref<1x10000x64xf32, #tpu.memory_space<hbm>> -> memref<10000x64xf32, #tpu.memory_space<hbm>>
    %dma_wait3A_255 = arith.constant 0 : i32
    %dma_wait3A_256 = tpu.memref_slice %dma_wait3A_254[%add3A_191, %dma_wait3A_255] : memref<10000x64xf32, #tpu.memory_space<hbm>> -> memref<128x64xf32, #tpu.memory_space<hbm>>
    %dma_wait3A_257 = arith.constant 0 : i32
    %dma_wait3A_258 = arith.constant 0 : i32
    %dma_wait3A_259 = tpu.memref_slice %arg5[%arg0, %dma_wait3A_257, %dma_wait3A_258] : memref<2x10000x64xf32, #tpu.memory_space<hbm>> -> memref<1x10000x64xf32, #tpu.memory_space<hbm>>
    %dma_wait3A_260 = tpu.memref_squeeze %dma_wait3A_259 : memref<1x10000x64xf32, #tpu.memory_space<hbm>> -> memref<10000x64xf32, #tpu.memory_space<hbm>>
    %dma_wait3A_261 = arith.constant 0 : i32
    %dma_wait3A_262 = tpu.memref_slice %dma_wait3A_260[%add3A_191, %dma_wait3A_261] : memref<10000x64xf32, #tpu.memory_space<hbm>> -> memref<128x64xf32, #tpu.memory_space<hbm>>
    %dma_wait3A_263 = arith.constant 0 : i32
    %dma_wait3A_264 = arith.constant 0 : i32
    %dma_wait3A_265 = tpu.memref_slice %arg8[%dma_wait3A_263, %dma_wait3A_264] : memref<128x64xf32, #tpu.memory_space<vmem>> -> memref<128x64xf32, #tpu.memory_space<vmem>>
    tpu.wait_dma2 semaphore(%arg21 : memref<!tpu.dma_semaphore, #tpu.memory_space<semaphore_mem>>) src(%dma_wait3A_265 : memref<128x64xf32, #tpu.memory_space<vmem>>) dst(%dma_wait3A_262 : memref<128x64xf32, #tpu.memory_space<hbm>>)
    %add3A_266 = arith.constant 512 : i32
    %add3A_267 = arith.addi %mul3A_0, %add3A_266 : i32
    %mul3A_268 = arith.constant 64 : i32
    %mul3A_269 = arith.muli %arg0, %mul3A_268 : i32
    %dma_start3A_270 = arith.constant 0 : i32
    %dma_start3A_271 = arith.constant 0 : i32
    %dma_start3A_272 = tpu.memref_slice %arg8[%dma_start3A_270, %dma_start3A_271] : memref<128x64xf32, #tpu.memory_space<vmem>> -> memref<113x64xf32, #tpu.memory_space<vmem>>
    %dma_start3A_273 = tpu.memref_slice %arg2[%add3A_267, %mul3A_269] : memref<10000x128xf32, #tpu.memory_space<hbm>> -> memref<113x64xf32, #tpu.memory_space<hbm>>
    %dma_start3A_274 = arith.constant 0 : i32
    %dma_start3A_275 = arith.constant 0 : i32
    %dma_start3A_276 = tpu.memref_slice %arg8[%dma_start3A_274, %dma_start3A_275] : memref<128x64xf32, #tpu.memory_space<vmem>> -> memref<113x64xf32, #tpu.memory_space<vmem>>
    %dma_start3A_277 = tpu.memref_slice %arg2[%add3A_267, %mul3A_269] : memref<10000x128xf32, #tpu.memory_space<hbm>> -> memref<113x64xf32, #tpu.memory_space<hbm>>
    tpu.enqueue_dma source(%dma_start3A_277 : memref<113x64xf32, #tpu.memory_space<hbm>>) target(%dma_start3A_276 : memref<113x64xf32, #tpu.memory_space<vmem>>) target_semaphore(%arg17 : memref<!tpu.dma_semaphore, #tpu.memory_space<semaphore_mem>>)
    %dma_wait3A_278 = arith.constant 0 : i32
    %dma_wait3A_279 = tpu.memref_slice %arg14[%add3A_243, %dma_wait3A_278] : memref<10000x64xf32, #tpu.memory_space<vmem_shared>> -> memref<128x64xf32, #tpu.memory_space<vmem_shared>>
    %dma_wait3A_280 = arith.constant 0 : i32
    %dma_wait3A_281 = tpu.memref_slice %arg14[%add3A_243, %dma_wait3A_280] : memref<10000x64xf32, #tpu.memory_space<vmem_shared>> -> memref<128x64xf32, #tpu.memory_space<vmem_shared>>
    tpu.wait_dma2 semaphore(%arg22 : memref<!tpu.dma_semaphore, #tpu.memory_space<semaphore_mem>>) src(%arg9 : memref<128x64xf32, #tpu.memory_space<vmem>>) dst(%dma_wait3A_281 : memref<128x64xf32, #tpu.memory_space<vmem_shared>>)
    %add3A_282 = arith.constant 512 : i32
    %add3A_283 = arith.addi %mul3A_0, %add3A_282 : i32
    %dma_start3A_284 = arith.constant 0 : i32
    %dma_start3A_285 = arith.constant 0 : i32
    %dma_start3A_286 = tpu.memref_slice %arg9[%dma_start3A_284, %dma_start3A_285] : memref<128x64xf32, #tpu.memory_space<vmem>> -> memref<113x64xf32, #tpu.memory_space<vmem>>
    %dma_start3A_287 = arith.constant 0 : i32
    %dma_start3A_288 = tpu.memref_slice %arg14[%add3A_283, %dma_start3A_287] : memref<10000x64xf32, #tpu.memory_space<vmem_shared>> -> memref<113x64xf32, #tpu.memory_space<vmem_shared>>
    %dma_start3A_289 = arith.constant 0 : i32
    %dma_start3A_290 = tpu.memref_slice %arg14[%add3A_283, %dma_start3A_289] : memref<10000x64xf32, #tpu.memory_space<vmem_shared>> -> memref<113x64xf32, #tpu.memory_space<vmem_shared>>
    %dma_start3A_291 = arith.constant 0 : i32
    %dma_start3A_292 = arith.constant 0 : i32
    %dma_start3A_293 = tpu.memref_slice %arg9[%dma_start3A_291, %dma_start3A_292] : memref<128x64xf32, #tpu.memory_space<vmem>> -> memref<113x64xf32, #tpu.memory_space<vmem>>
    tpu.enqueue_dma source(%dma_start3A_293 : memref<113x64xf32, #tpu.memory_space<vmem>>) target(%dma_start3A_290 : memref<113x64xf32, #tpu.memory_space<vmem_shared>>) target_semaphore(%arg22 : memref<!tpu.dma_semaphore, #tpu.memory_space<semaphore_mem>>)
    %dma_wait3A_294 = arith.constant 0 : i32
    %dma_wait3A_295 = arith.constant 0 : i32
    %dma_wait3A_296 = tpu.memref_slice %arg8[%dma_wait3A_294, %dma_wait3A_295] : memref<128x64xf32, #tpu.memory_space<vmem>> -> memref<113x64xf32, #tpu.memory_space<vmem>>
    %dma_wait3A_297 = tpu.memref_slice %arg2[%add3A_267, %mul3A_269] : memref<10000x128xf32, #tpu.memory_space<hbm>> -> memref<113x64xf32, #tpu.memory_space<hbm>>
    %dma_wait3A_298 = arith.constant 0 : i32
    %dma_wait3A_299 = arith.constant 0 : i32
    %dma_wait3A_300 = tpu.memref_slice %arg8[%dma_wait3A_298, %dma_wait3A_299] : memref<128x64xf32, #tpu.memory_space<vmem>> -> memref<113x64xf32, #tpu.memory_space<vmem>>
    %dma_wait3A_301 = tpu.memref_slice %arg2[%add3A_267, %mul3A_269] : memref<10000x128xf32, #tpu.memory_space<hbm>> -> memref<113x64xf32, #tpu.memory_space<hbm>>
    tpu.wait_dma2 semaphore(%arg17 : memref<!tpu.dma_semaphore, #tpu.memory_space<semaphore_mem>>) src(%dma_wait3A_301 : memref<113x64xf32, #tpu.memory_space<hbm>>) dst(%dma_wait3A_300 : memref<113x64xf32, #tpu.memory_space<vmem>>)
    %dma_wait3A_302 = arith.constant 0 : i32
    %dma_wait3A_303 = arith.constant 0 : i32
    %dma_wait3A_304 = tpu.memref_slice %arg10[%dma_wait3A_302, %dma_wait3A_303] : memref<128x64xf32, #tpu.memory_space<vmem>> -> memref<128x64xf32, #tpu.memory_space<vmem>>
    %dma_wait3A_305 = arith.constant 0 : i32
    %dma_wait3A_306 = arith.constant 0 : i32
    %dma_wait3A_307 = tpu.memref_slice %arg5[%arg0, %dma_wait3A_305, %dma_wait3A_306] : memref<2x10000x64xf32, #tpu.memory_space<hbm>> -> memref<1x10000x64xf32, #tpu.memory_space<hbm>>
    %dma_wait3A_308 = tpu.memref_squeeze %dma_wait3A_307 : memref<1x10000x64xf32, #tpu.memory_space<hbm>> -> memref<10000x64xf32, #tpu.memory_space<hbm>>
    %dma_wait3A_309 = arith.constant 0 : i32
    %dma_wait3A_310 = tpu.memref_slice %dma_wait3A_308[%add3A_219, %dma_wait3A_309] : memref<10000x64xf32, #tpu.memory_space<hbm>> -> memref<128x64xf32, #tpu.memory_space<hbm>>
    %dma_wait3A_311 = arith.constant 0 : i32
    %dma_wait3A_312 = arith.constant 0 : i32
    %dma_wait3A_313 = tpu.memref_slice %arg5[%arg0, %dma_wait3A_311, %dma_wait3A_312] : memref<2x10000x64xf32, #tpu.memory_space<hbm>> -> memref<1x10000x64xf32, #tpu.memory_space<hbm>>
    %dma_wait3A_314 = tpu.memref_squeeze %dma_wait3A_313 : memref<1x10000x64xf32, #tpu.memory_space<hbm>> -> memref<10000x64xf32, #tpu.memory_space<hbm>>
    %dma_wait3A_315 = arith.constant 0 : i32
    %dma_wait3A_316 = tpu.memref_slice %dma_wait3A_314[%add3A_219, %dma_wait3A_315] : memref<10000x64xf32, #tpu.memory_space<hbm>> -> memref<128x64xf32, #tpu.memory_space<hbm>>
    %dma_wait3A_317 = arith.constant 0 : i32
    %dma_wait3A_318 = arith.constant 0 : i32
    %dma_wait3A_319 = tpu.memref_slice %arg10[%dma_wait3A_317, %dma_wait3A_318] : memref<128x64xf32, #tpu.memory_space<vmem>> -> memref<128x64xf32, #tpu.memory_space<vmem>>
    tpu.wait_dma2 semaphore(%arg23 : memref<!tpu.dma_semaphore, #tpu.memory_space<semaphore_mem>>) src(%dma_wait3A_319 : memref<128x64xf32, #tpu.memory_space<vmem>>) dst(%dma_wait3A_316 : memref<128x64xf32, #tpu.memory_space<hbm>>)
    %add3A_320 = arith.constant 512 : i32
    %add3A_321 = arith.addi %mul3A_0, %add3A_320 : i32
    %dma_start3A_322 = arith.constant 0 : i32
    %dma_start3A_323 = arith.constant 0 : i32
    %dma_start3A_324 = tpu.memref_slice %arg8[%dma_start3A_322, %dma_start3A_323] : memref<128x64xf32, #tpu.memory_space<vmem>> -> memref<113x64xf32, #tpu.memory_space<vmem>>
    %dma_start3A_325 = arith.constant 0 : i32
    %dma_start3A_326 = arith.constant 0 : i32
    %dma_start3A_327 = tpu.memref_slice %arg5[%arg0, %dma_start3A_325, %dma_start3A_326] : memref<2x10000x64xf32, #tpu.memory_space<hbm>> -> memref<1x10000x64xf32, #tpu.memory_space<hbm>>
    %dma_start3A_328 = tpu.memref_squeeze %dma_start3A_327 : memref<1x10000x64xf32, #tpu.memory_space<hbm>> -> memref<10000x64xf32, #tpu.memory_space<hbm>>
    %dma_start3A_329 = arith.constant 0 : i32
    %dma_start3A_330 = tpu.memref_slice %dma_start3A_328[%add3A_321, %dma_start3A_329] : memref<10000x64xf32, #tpu.memory_space<hbm>> -> memref<113x64xf32, #tpu.memory_space<hbm>>
    %dma_start3A_331 = arith.constant 0 : i32
    %dma_start3A_332 = arith.constant 0 : i32
    %dma_start3A_333 = tpu.memref_slice %arg5[%arg0, %dma_start3A_331, %dma_start3A_332] : memref<2x10000x64xf32, #tpu.memory_space<hbm>> -> memref<1x10000x64xf32, #tpu.memory_space<hbm>>
    %dma_start3A_334 = tpu.memref_squeeze %dma_start3A_333 : memref<1x10000x64xf32, #tpu.memory_space<hbm>> -> memref<10000x64xf32, #tpu.memory_space<hbm>>
    %dma_start3A_335 = arith.constant 0 : i32
    %dma_start3A_336 = tpu.memref_slice %dma_start3A_334[%add3A_321, %dma_start3A_335] : memref<10000x64xf32, #tpu.memory_space<hbm>> -> memref<113x64xf32, #tpu.memory_space<hbm>>
    %dma_start3A_337 = arith.constant 0 : i32
    %dma_start3A_338 = arith.constant 0 : i32
    %dma_start3A_339 = tpu.memref_slice %arg8[%dma_start3A_337, %dma_start3A_338] : memref<128x64xf32, #tpu.memory_space<vmem>> -> memref<113x64xf32, #tpu.memory_space<vmem>>
    tpu.enqueue_dma source(%dma_start3A_339 : memref<113x64xf32, #tpu.memory_space<vmem>>) target(%dma_start3A_336 : memref<113x64xf32, #tpu.memory_space<hbm>>) target_semaphore(%arg21 : memref<!tpu.dma_semaphore, #tpu.memory_space<semaphore_mem>>)
    %dma_wait3A_340 = arith.constant 0 : i32
    %dma_wait3A_341 = arith.constant 0 : i32
    %dma_wait3A_342 = tpu.memref_slice %arg8[%dma_wait3A_340, %dma_wait3A_341] : memref<128x64xf32, #tpu.memory_space<vmem>> -> memref<113x64xf32, #tpu.memory_space<vmem>>
    %dma_wait3A_343 = arith.constant 0 : i32
    %dma_wait3A_344 = arith.constant 0 : i32
    %dma_wait3A_345 = tpu.memref_slice %arg5[%arg0, %dma_wait3A_343, %dma_wait3A_344] : memref<2x10000x64xf32, #tpu.memory_space<hbm>> -> memref<1x10000x64xf32, #tpu.memory_space<hbm>>
    %dma_wait3A_346 = tpu.memref_squeeze %dma_wait3A_345 : memref<1x10000x64xf32, #tpu.memory_space<hbm>> -> memref<10000x64xf32, #tpu.memory_space<hbm>>
    %dma_wait3A_347 = arith.constant 0 : i32
    %dma_wait3A_348 = tpu.memref_slice %dma_wait3A_346[%add3A_321, %dma_wait3A_347] : memref<10000x64xf32, #tpu.memory_space<hbm>> -> memref<113x64xf32, #tpu.memory_space<hbm>>
    %dma_wait3A_349 = arith.constant 0 : i32
    %dma_wait3A_350 = arith.constant 0 : i32
    %dma_wait3A_351 = tpu.memref_slice %arg5[%arg0, %dma_wait3A_349, %dma_wait3A_350] : memref<2x10000x64xf32, #tpu.memory_space<hbm>> -> memref<1x10000x64xf32, #tpu.memory_space<hbm>>
    %dma_wait3A_352 = tpu.memref_squeeze %dma_wait3A_351 : memref<1x10000x64xf32, #tpu.memory_space<hbm>> -> memref<10000x64xf32, #tpu.memory_space<hbm>>
    %dma_wait3A_353 = arith.constant 0 : i32
    %dma_wait3A_354 = tpu.memref_slice %dma_wait3A_352[%add3A_321, %dma_wait3A_353] : memref<10000x64xf32, #tpu.memory_space<hbm>> -> memref<113x64xf32, #tpu.memory_space<hbm>>
    %dma_wait3A_355 = arith.constant 0 : i32
    %dma_wait3A_356 = arith.constant 0 : i32
    %dma_wait3A_357 = tpu.memref_slice %arg8[%dma_wait3A_355, %dma_wait3A_356] : memref<128x64xf32, #tpu.memory_space<vmem>> -> memref<113x64xf32, #tpu.memory_space<vmem>>
    tpu.wait_dma2 semaphore(%arg21 : memref<!tpu.dma_semaphore, #tpu.memory_space<semaphore_mem>>) src(%dma_wait3A_357 : memref<113x64xf32, #tpu.memory_space<vmem>>) dst(%dma_wait3A_354 : memref<113x64xf32, #tpu.memory_space<hbm>>)
    %dma_wait3A_358 = arith.constant 0 : i32
    %dma_wait3A_359 = arith.constant 0 : i32
    %dma_wait3A_360 = tpu.memref_slice %arg9[%dma_wait3A_358, %dma_wait3A_359] : memref<128x64xf32, #tpu.memory_space<vmem>> -> memref<113x64xf32, #tpu.memory_space<vmem>>
    %dma_wait3A_361 = arith.constant 0 : i32
    %dma_wait3A_362 = tpu.memref_slice %arg14[%add3A_283, %dma_wait3A_361] : memref<10000x64xf32, #tpu.memory_space<vmem_shared>> -> memref<113x64xf32, #tpu.memory_space<vmem_shared>>
    %dma_wait3A_363 = arith.constant 0 : i32
    %dma_wait3A_364 = tpu.memref_slice %arg14[%add3A_283, %dma_wait3A_363] : memref<10000x64xf32, #tpu.memory_space<vmem_shared>> -> memref<113x64xf32, #tpu.memory_space<vmem_shared>>
    %dma_wait3A_365 = arith.constant 0 : i32
    %dma_wait3A_366 = arith.constant 0 : i32
    %dma_wait3A_367 = tpu.memref_slice %arg9[%dma_wait3A_365, %dma_wait3A_366] : memref<128x64xf32, #tpu.memory_space<vmem>> -> memref<113x64xf32, #tpu.memory_space<vmem>>
    tpu.wait_dma2 semaphore(%arg22 : memref<!tpu.dma_semaphore, #tpu.memory_space<semaphore_mem>>) src(%dma_wait3A_367 : memref<113x64xf32, #tpu.memory_space<vmem>>) dst(%dma_wait3A_364 : memref<113x64xf32, #tpu.memory_space<vmem_shared>>)
    %dma_wait3A_368 = arith.constant 0 : i32
    %dma_wait3A_369 = tpu.memref_slice %arg3[%dma_wait3A_368, %mul3A_2] : memref<2x320000xi32, #tpu.memory_space<hbm>> -> memref<1x20000xi32, #tpu.memory_space<hbm>>
    %dma_wait3A_370 = tpu.memref_squeeze %dma_wait3A_369 : memref<1x20000xi32, #tpu.memory_space<hbm>> -> memref<20000xi32, #tpu.memory_space<hbm>>
    %dma_wait3A_371 = tpu.memref_slice %arg3[%dma_wait3A_368, %mul3A_2] : memref<2x320000xi32, #tpu.memory_space<hbm>> -> memref<1x20000xi32, #tpu.memory_space<hbm>>
    %dma_wait3A_372 = tpu.memref_squeeze %dma_wait3A_371 : memref<1x20000xi32, #tpu.memory_space<hbm>> -> memref<20000xi32, #tpu.memory_space<hbm>>
    tpu.wait_dma2 semaphore(%arg15 : memref<!tpu.dma_semaphore, #tpu.memory_space<semaphore_mem>>) src(%dma_wait3A_372 : memref<20000xi32, #tpu.memory_space<hbm>>) dst(%arg6 : memref<20000xi32, #tpu.memory_space<vmem>>)
    %dma_wait3A_373 = arith.constant 1 : i32
    %dma_wait3A_374 = tpu.memref_slice %arg3[%dma_wait3A_373, %mul3A_8] : memref<2x320000xi32, #tpu.memory_space<hbm>> -> memref<1x20000xi32, #tpu.memory_space<hbm>>
    %dma_wait3A_375 = tpu.memref_squeeze %dma_wait3A_374 : memref<1x20000xi32, #tpu.memory_space<hbm>> -> memref<20000xi32, #tpu.memory_space<hbm>>
    %dma_wait3A_376 = tpu.memref_slice %arg3[%dma_wait3A_373, %mul3A_8] : memref<2x320000xi32, #tpu.memory_space<hbm>> -> memref<1x20000xi32, #tpu.memory_space<hbm>>
    %dma_wait3A_377 = tpu.memref_squeeze %dma_wait3A_376 : memref<1x20000xi32, #tpu.memory_space<hbm>> -> memref<20000xi32, #tpu.memory_space<hbm>>
    tpu.wait_dma2 semaphore(%arg16 : memref<!tpu.dma_semaphore, #tpu.memory_space<semaphore_mem>>) src(%dma_wait3A_377 : memref<20000xi32, #tpu.memory_space<hbm>>) dst(%arg7 : memref<20000xi32, #tpu.memory_space<vmem>>)
    %barrier3A = arith.constant 0 : index
    tpu.barrier barrier_id(%barrier3A)
    %dma_start3A_378 = arith.constant 0 : i32
    %dma_start3A_379 = tpu.memref_slice %arg6[%dma_start3A_378] : memref<20000xi32, #tpu.memory_space<vmem>> -> memref<128xi32, #tpu.memory_space<vmem>>
    %dma_start3A_380 = arith.constant 0 : i32
    %dma_start3A_381 = arith.constant 0 : i32
    %dma_start3A_382 = tpu.memref_slice %arg5[%arg0, %dma_start3A_380, %dma_start3A_381] : memref<2x10000x64xf32, #tpu.memory_space<hbm>> -> memref<1x10000x64xf32, #tpu.memory_space<hbm>>
    %dma_start3A_383 = tpu.memref_squeeze %dma_start3A_382 : memref<1x10000x64xf32, #tpu.memory_space<hbm>> -> memref<10000x64xf32, #tpu.memory_space<hbm>>
    %dma_start3A_384 = arith.constant 0 : i32
    %dma_start3A_385 = arith.constant 0 : i32
    %dma_start3A_386 = tpu.memref_slice %dma_start3A_383[%dma_start3A_384, %dma_start3A_385] : memref<10000x64xf32, #tpu.memory_space<hbm>> -> memref<10000x64xf32, #tpu.memory_space<hbm>>
    tpu.enqueue_indirect_dma source(%dma_start3A_386 : memref<10000x64xf32, #tpu.memory_space<hbm>>) target(%arg8 : memref<128x64xf32, #tpu.memory_space<vmem>>) offsets(%dma_start3A_379 : memref<128xi32, #tpu.memory_space<vmem>>) semaphore(%arg15 : memref<!tpu.dma_semaphore, #tpu.memory_space<semaphore_mem>>)
    %dma_start3A_387 = arith.constant 128 : i32
    %dma_start3A_388 = tpu.memref_slice %arg6[%dma_start3A_387] : memref<20000xi32, #tpu.memory_space<vmem>> -> memref<128xi32, #tpu.memory_space<vmem>>
    %dma_start3A_389 = arith.constant 0 : i32
    %dma_start3A_390 = arith.constant 0 : i32
    %dma_start3A_391 = tpu.memref_slice %arg5[%arg0, %dma_start3A_389, %dma_start3A_390] : memref<2x10000x64xf32, #tpu.memory_space<hbm>> -> memref<1x10000x64xf32, #tpu.memory_space<hbm>>
    %dma_start3A_392 = tpu.memref_squeeze %dma_start3A_391 : memref<1x10000x64xf32, #tpu.memory_space<hbm>> -> memref<10000x64xf32, #tpu.memory_space<hbm>>
    %dma_start3A_393 = arith.constant 0 : i32
    %dma_start3A_394 = arith.constant 0 : i32
    %dma_start3A_395 = tpu.memref_slice %dma_start3A_392[%dma_start3A_393, %dma_start3A_394] : memref<10000x64xf32, #tpu.memory_space<hbm>> -> memref<10000x64xf32, #tpu.memory_space<hbm>>
    tpu.enqueue_indirect_dma source(%dma_start3A_395 : memref<10000x64xf32, #tpu.memory_space<hbm>>) target(%arg9 : memref<128x64xf32, #tpu.memory_space<vmem>>) offsets(%dma_start3A_388 : memref<128xi32, #tpu.memory_space<vmem>>) semaphore(%arg16 : memref<!tpu.dma_semaphore, #tpu.memory_space<semaphore_mem>>)
    %dma_start3A_396 = arith.constant 256 : i32
    %dma_start3A_397 = tpu.memref_slice %arg6[%dma_start3A_396] : memref<20000xi32, #tpu.memory_space<vmem>> -> memref<128xi32, #tpu.memory_space<vmem>>
    %dma_start3A_398 = arith.constant 0 : i32
    %dma_start3A_399 = arith.constant 0 : i32
    %dma_start3A_400 = tpu.memref_slice %arg5[%arg0, %dma_start3A_398, %dma_start3A_399] : memref<2x10000x64xf32, #tpu.memory_space<hbm>> -> memref<1x10000x64xf32, #tpu.memory_space<hbm>>
    %dma_start3A_401 = tpu.memref_squeeze %dma_start3A_400 : memref<1x10000x64xf32, #tpu.memory_space<hbm>> -> memref<10000x64xf32, #tpu.memory_space<hbm>>
    %dma_start3A_402 = arith.constant 0 : i32
    %dma_start3A_403 = arith.constant 0 : i32
    %dma_start3A_404 = tpu.memref_slice %dma_start3A_401[%dma_start3A_402, %dma_start3A_403] : memref<10000x64xf32, #tpu.memory_space<hbm>> -> memref<10000x64xf32, #tpu.memory_space<hbm>>
    tpu.enqueue_indirect_dma source(%dma_start3A_404 : memref<10000x64xf32, #tpu.memory_space<hbm>>) target(%arg10 : memref<128x64xf32, #tpu.memory_space<vmem>>) offsets(%dma_start3A_397 : memref<128xi32, #tpu.memory_space<vmem>>) semaphore(%arg17 : memref<!tpu.dma_semaphore, #tpu.memory_space<semaphore_mem>>)
    %dma_start3A_405 = arith.constant 384 : i32
    %dma_start3A_406 = tpu.memref_slice %arg6[%dma_start3A_405] : memref<20000xi32, #tpu.memory_space<vmem>> -> memref<128xi32, #tpu.memory_space<vmem>>
    %dma_start3A_407 = arith.constant 0 : i32
    %dma_start3A_408 = arith.constant 0 : i32
    %dma_start3A_409 = tpu.memref_slice %arg5[%arg0, %dma_start3A_407, %dma_start3A_408] : memref<2x10000x64xf32, #tpu.memory_space<hbm>> -> memref<1x10000x64xf32, #tpu.memory_space<hbm>>
    %dma_start3A_410 = tpu.memref_squeeze %dma_start3A_409 : memref<1x10000x64xf32, #tpu.memory_space<hbm>> -> memref<10000x64xf32, #tpu.memory_space<hbm>>
    %dma_start3A_411 = arith.constant 0 : i32
    %dma_start3A_412 = arith.constant 0 : i32
    %dma_start3A_413 = tpu.memref_slice %dma_start3A_410[%dma_start3A_411, %dma_start3A_412] : memref<10000x64xf32, #tpu.memory_space<hbm>> -> memref<10000x64xf32, #tpu.memory_space<hbm>>
    tpu.enqueue_indirect_dma source(%dma_start3A_413 : memref<10000x64xf32, #tpu.memory_space<hbm>>) target(%arg11 : memref<128x64xf32, #tpu.memory_space<vmem>>) offsets(%dma_start3A_406 : memref<128xi32, #tpu.memory_space<vmem>>) semaphore(%arg18 : memref<!tpu.dma_semaphore, #tpu.memory_space<semaphore_mem>>)
    %dma_wait3A_414 = arith.constant 0 : i32
    %dma_wait3A_415 = tpu.memref_slice %arg6[%dma_wait3A_414] : memref<20000xi32, #tpu.memory_space<vmem>> -> memref<128xi32, #tpu.memory_space<vmem>>
    %dma_wait3A_416 = arith.constant 0 : i32
    %dma_wait3A_417 = arith.constant 0 : i32
    %dma_wait3A_418 = tpu.memref_slice %arg5[%arg0, %dma_wait3A_416, %dma_wait3A_417] : memref<2x10000x64xf32, #tpu.memory_space<hbm>> -> memref<1x10000x64xf32, #tpu.memory_space<hbm>>
    %dma_wait3A_419 = tpu.memref_squeeze %dma_wait3A_418 : memref<1x10000x64xf32, #tpu.memory_space<hbm>> -> memref<10000x64xf32, #tpu.memory_space<hbm>>
    %dma_wait3A_420 = arith.constant 0 : i32
    %dma_wait3A_421 = arith.constant 0 : i32
    %dma_wait3A_422 = tpu.memref_slice %dma_wait3A_419[%dma_wait3A_420, %dma_wait3A_421] : memref<10000x64xf32, #tpu.memory_space<hbm>> -> memref<10000x64xf32, #tpu.memory_space<hbm>>
    tpu.wait_indirect_dma semaphore(%arg15 : memref<!tpu.dma_semaphore, #tpu.memory_space<semaphore_mem>>) src(%dma_wait3A_422 : memref<10000x64xf32, #tpu.memory_space<hbm>>) dst(%arg8 : memref<128x64xf32, #tpu.memory_space<vmem>>)
    %dma_start3A_423 = arith.constant 0 : i32
    %dma_start3A_424 = tpu.memref_slice %arg7[%dma_start3A_423] : memref<20000xi32, #tpu.memory_space<vmem>> -> memref<128xi32, #tpu.memory_space<vmem>>
    %dma_start3A_425 = arith.constant 0 : i32
    %dma_start3A_426 = arith.constant 0 : i32
    %dma_start3A_427 = tpu.memref_slice %arg14[%dma_start3A_425, %dma_start3A_426] : memref<10000x64xf32, #tpu.memory_space<vmem_shared>> -> memref<10000x64xf32, #tpu.memory_space<vmem_shared>>
    tpu.enqueue_indirect_dma source(%arg8 : memref<128x64xf32, #tpu.memory_space<vmem>>) target(%dma_start3A_427 : memref<10000x64xf32, #tpu.memory_space<vmem_shared>>) offsets(%dma_start3A_424 : memref<128xi32, #tpu.memory_space<vmem>>) semaphore(%arg21 : memref<!tpu.dma_semaphore, #tpu.memory_space<semaphore_mem>>) {add = true}
    %dma_start3A_428 = arith.constant 512 : i32
    %dma_start3A_429 = tpu.memref_slice %arg6[%dma_start3A_428] : memref<20000xi32, #tpu.memory_space<vmem>> -> memref<128xi32, #tpu.memory_space<vmem>>
    %dma_start3A_430 = arith.constant 0 : i32
    %dma_start3A_431 = arith.constant 0 : i32
    %dma_start3A_432 = tpu.memref_slice %arg5[%arg0, %dma_start3A_430, %dma_start3A_431] : memref<2x10000x64xf32, #tpu.memory_space<hbm>> -> memref<1x10000x64xf32, #tpu.memory_space<hbm>>
    %dma_start3A_433 = tpu.memref_squeeze %dma_start3A_432 : memref<1x10000x64xf32, #tpu.memory_space<hbm>> -> memref<10000x64xf32, #tpu.memory_space<hbm>>
    %dma_start3A_434 = arith.constant 0 : i32
    %dma_start3A_435 = arith.constant 0 : i32
    %dma_start3A_436 = tpu.memref_slice %dma_start3A_433[%dma_start3A_434, %dma_start3A_435] : memref<10000x64xf32, #tpu.memory_space<hbm>> -> memref<10000x64xf32, #tpu.memory_space<hbm>>
    tpu.enqueue_indirect_dma source(%dma_start3A_436 : memref<10000x64xf32, #tpu.memory_space<hbm>>) target(%arg12 : memref<128x64xf32, #tpu.memory_space<vmem>>) offsets(%dma_start3A_429 : memref<128xi32, #tpu.memory_space<vmem>>) semaphore(%arg19 : memref<!tpu.dma_semaphore, #tpu.memory_space<semaphore_mem>>)
    %dma_wait3A_437 = arith.constant 128 : i32
    %dma_wait3A_438 = tpu.memref_slice %arg6[%dma_wait3A_437] : memref<20000xi32, #tpu.memory_space<vmem>> -> memref<128xi32, #tpu.memory_space<vmem>>
    %dma_wait3A_439 = arith.constant 0 : i32
    %dma_wait3A_440 = arith.constant 0 : i32
    %dma_wait3A_441 = tpu.memref_slice %arg5[%arg0, %dma_wait3A_439, %dma_wait3A_440] : memref<2x10000x64xf32, #tpu.memory_space<hbm>> -> memref<1x10000x64xf32, #tpu.memory_space<hbm>>
    %dma_wait3A_442 = tpu.memref_squeeze %dma_wait3A_441 : memref<1x10000x64xf32, #tpu.memory_space<hbm>> -> memref<10000x64xf32, #tpu.memory_space<hbm>>
    %dma_wait3A_443 = arith.constant 0 : i32
    %dma_wait3A_444 = arith.constant 0 : i32
    %dma_wait3A_445 = tpu.memref_slice %dma_wait3A_442[%dma_wait3A_443, %dma_wait3A_444] : memref<10000x64xf32, #tpu.memory_space<hbm>> -> memref<10000x64xf32, #tpu.memory_space<hbm>>
    tpu.wait_indirect_dma semaphore(%arg16 : memref<!tpu.dma_semaphore, #tpu.memory_space<semaphore_mem>>) src(%dma_wait3A_445 : memref<10000x64xf32, #tpu.memory_space<hbm>>) dst(%arg9 : memref<128x64xf32, #tpu.memory_space<vmem>>)
    %dma_start3A_446 = arith.constant 128 : i32
    %dma_start3A_447 = tpu.memref_slice %arg7[%dma_start3A_446] : memref<20000xi32, #tpu.memory_space<vmem>> -> memref<128xi32, #tpu.memory_space<vmem>>
    %dma_start3A_448 = arith.constant 0 : i32
    %dma_start3A_449 = arith.constant 0 : i32
    %dma_start3A_450 = tpu.memref_slice %arg14[%dma_start3A_448, %dma_start3A_449] : memref<10000x64xf32, #tpu.memory_space<vmem_shared>> -> memref<10000x64xf32, #tpu.memory_space<vmem_shared>>
    tpu.enqueue_indirect_dma source(%arg9 : memref<128x64xf32, #tpu.memory_space<vmem>>) target(%dma_start3A_450 : memref<10000x64xf32, #tpu.memory_space<vmem_shared>>) offsets(%dma_start3A_447 : memref<128xi32, #tpu.memory_space<vmem>>) semaphore(%arg22 : memref<!tpu.dma_semaphore, #tpu.memory_space<semaphore_mem>>) {add = true}
    %dma_start3A_451 = arith.constant 640 : i32
    %dma_start3A_452 = tpu.memref_slice %arg6[%dma_start3A_451] : memref<20000xi32, #tpu.memory_space<vmem>> -> memref<128xi32, #tpu.memory_space<vmem>>
    %dma_start3A_453 = arith.constant 0 : i32
    %dma_start3A_454 = arith.constant 0 : i32
    %dma_start3A_455 = tpu.memref_slice %arg5[%arg0, %dma_start3A_453, %dma_start3A_454] : memref<2x10000x64xf32, #tpu.memory_space<hbm>> -> memref<1x10000x64xf32, #tpu.memory_space<hbm>>
    %dma_start3A_456 = tpu.memref_squeeze %dma_start3A_455 : memref<1x10000x64xf32, #tpu.memory_space<hbm>> -> memref<10000x64xf32, #tpu.memory_space<hbm>>
    %dma_start3A_457 = arith.constant 0 : i32
    %dma_start3A_458 = arith.constant 0 : i32
    %dma_start3A_459 = tpu.memref_slice %dma_start3A_456[%dma_start3A_457, %dma_start3A_458] : memref<10000x64xf32, #tpu.memory_space<hbm>> -> memref<10000x64xf32, #tpu.memory_space<hbm>>
    tpu.enqueue_indirect_dma source(%dma_start3A_459 : memref<10000x64xf32, #tpu.memory_space<hbm>>) target(%arg13 : memref<128x64xf32, #tpu.memory_space<vmem>>) offsets(%dma_start3A_452 : memref<128xi32, #tpu.memory_space<vmem>>) semaphore(%arg20 : memref<!tpu.dma_semaphore, #tpu.memory_space<semaphore_mem>>)
    %scan3A_460 = arith.constant 0 : i32
    %scan3A_461 = arith.constant 25 : i32
    %scan3A_462 = arith.addi %scan3A_460, %scan3A_461 : i32
    %scan3A_463 = arith.constant 1 : i32
    scf.for %scan3A_594 = %scan3A_460 to %scan3A_462 step %scan3A_463  : i32 {
      %mul3A_595 = arith.constant 1 : i32
      %mul3A_596 = arith.muli %scan3A_594, %mul3A_595 : i32
      %add3A_597 = arith.constant 0 : i32
      %add3A_598 = arith.addi %add3A_597, %mul3A_596 : i32
      %mul3A_599 = arith.constant 6 : i32
      %mul3A_600 = arith.muli %mul3A_599, %add3A_598 : i32
      %add3A_601 = arith.constant 2 : i32
      %add3A_602 = arith.addi %mul3A_600, %add3A_601 : i32
      %mul3A_603 = arith.constant 128 : i32
      %mul3A_604 = arith.muli %add3A_602, %mul3A_603 : i32
      %dma_wait3A_605 = tpu.memref_slice %arg6[%mul3A_604] : memref<20000xi32, #tpu.memory_space<vmem>> -> memref<128xi32, #tpu.memory_space<vmem>>
      %dma_wait3A_606 = arith.constant 0 : i32
      %dma_wait3A_607 = arith.constant 0 : i32
      %dma_wait3A_608 = tpu.memref_slice %arg5[%arg0, %dma_wait3A_606, %dma_wait3A_607] : memref<2x10000x64xf32, #tpu.memory_space<hbm>> -> memref<1x10000x64xf32, #tpu.memory_space<hbm>>
      %dma_wait3A_609 = tpu.memref_squeeze %dma_wait3A_608 : memref<1x10000x64xf32, #tpu.memory_space<hbm>> -> memref<10000x64xf32, #tpu.memory_space<hbm>>
      %dma_wait3A_610 = arith.constant 0 : i32
      %dma_wait3A_611 = arith.constant 0 : i32
      %dma_wait3A_612 = tpu.memref_slice %dma_wait3A_609[%dma_wait3A_610, %dma_wait3A_611] : memref<10000x64xf32, #tpu.memory_space<hbm>> -> memref<10000x64xf32, #tpu.memory_space<hbm>>
      tpu.wait_indirect_dma semaphore(%arg17 : memref<!tpu.dma_semaphore, #tpu.memory_space<semaphore_mem>>) src(%dma_wait3A_612 : memref<10000x64xf32, #tpu.memory_space<hbm>>) dst(%arg10 : memref<128x64xf32, #tpu.memory_space<vmem>>)
      %add3A_613 = arith.constant 2 : i32
      %add3A_614 = arith.addi %mul3A_600, %add3A_613 : i32
      %mul3A_615 = arith.constant 128 : i32
      %mul3A_616 = arith.muli %add3A_614, %mul3A_615 : i32
      %dma_start3A_617 = tpu.memref_slice %arg7[%mul3A_616] : memref<20000xi32, #tpu.memory_space<vmem>> -> memref<128xi32, #tpu.memory_space<vmem>>
      %dma_start3A_618 = arith.constant 0 : i32
      %dma_start3A_619 = arith.constant 0 : i32
      %dma_start3A_620 = tpu.memref_slice %arg14[%dma_start3A_618, %dma_start3A_619] : memref<10000x64xf32, #tpu.memory_space<vmem_shared>> -> memref<10000x64xf32, #tpu.memory_space<vmem_shared>>
      tpu.enqueue_indirect_dma source(%arg10 : memref<128x64xf32, #tpu.memory_space<vmem>>) target(%dma_start3A_620 : memref<10000x64xf32, #tpu.memory_space<vmem_shared>>) offsets(%dma_start3A_617 : memref<128xi32, #tpu.memory_space<vmem>>) semaphore(%arg23 : memref<!tpu.dma_semaphore, #tpu.memory_space<semaphore_mem>>) {add = true}
      %add3A_621 = arith.constant 2 : i32
      %add3A_622 = arith.addi %mul3A_600, %add3A_621 : i32
      %sub3A = arith.constant 2 : i32
      %sub3A_623 = arith.subi %add3A_622, %sub3A : i32
      %mul3A_624 = arith.constant 128 : i32
      %mul3A_625 = arith.muli %sub3A_623, %mul3A_624 : i32
      %dma_wait3A_626 = tpu.memref_slice %arg7[%mul3A_625] : memref<20000xi32, #tpu.memory_space<vmem>> -> memref<128xi32, #tpu.memory_space<vmem>>
      %dma_wait3A_627 = arith.constant 0 : i32
      %dma_wait3A_628 = arith.constant 0 : i32
      %dma_wait3A_629 = tpu.memref_slice %arg14[%dma_wait3A_627, %dma_wait3A_628] : memref<10000x64xf32, #tpu.memory_space<vmem_shared>> -> memref<10000x64xf32, #tpu.memory_space<vmem_shared>>
      tpu.wait_indirect_dma semaphore(%arg21 : memref<!tpu.dma_semaphore, #tpu.memory_space<semaphore_mem>>) src(%arg8 : memref<128x64xf32, #tpu.memory_space<vmem>>) dst(%dma_wait3A_629 : memref<10000x64xf32, #tpu.memory_space<vmem_shared>>)
      %add3A_630 = arith.constant 2 : i32
      %add3A_631 = arith.addi %mul3A_600, %add3A_630 : i32
      %add3A_632 = arith.constant 4 : i32
      %add3A_633 = arith.addi %add3A_631, %add3A_632 : i32
      %mul3A_634 = arith.constant 128 : i32
      %mul3A_635 = arith.muli %add3A_633, %mul3A_634 : i32
      %dma_start3A_636 = tpu.memref_slice %arg6[%mul3A_635] : memref<20000xi32, #tpu.memory_space<vmem>> -> memref<128xi32, #tpu.memory_space<vmem>>
      %dma_start3A_637 = arith.constant 0 : i32
      %dma_start3A_638 = arith.constant 0 : i32
      %dma_start3A_639 = tpu.memref_slice %arg5[%arg0, %dma_start3A_637, %dma_start3A_638] : memref<2x10000x64xf32, #tpu.memory_space<hbm>> -> memref<1x10000x64xf32, #tpu.memory_space<hbm>>
      %dma_start3A_640 = tpu.memref_squeeze %dma_start3A_639 : memref<1x10000x64xf32, #tpu.memory_space<hbm>> -> memref<10000x64xf32, #tpu.memory_space<hbm>>
      %dma_start3A_641 = arith.constant 0 : i32
      %dma_start3A_642 = arith.constant 0 : i32
      %dma_start3A_643 = tpu.memref_slice %dma_start3A_640[%dma_start3A_641, %dma_start3A_642] : memref<10000x64xf32, #tpu.memory_space<hbm>> -> memref<10000x64xf32, #tpu.memory_space<hbm>>
      tpu.enqueue_indirect_dma source(%dma_start3A_643 : memref<10000x64xf32, #tpu.memory_space<hbm>>) target(%arg8 : memref<128x64xf32, #tpu.memory_space<vmem>>) offsets(%dma_start3A_636 : memref<128xi32, #tpu.memory_space<vmem>>) semaphore(%arg15 : memref<!tpu.dma_semaphore, #tpu.memory_space<semaphore_mem>>)
      %add3A_644 = arith.constant 3 : i32
      %add3A_645 = arith.addi %mul3A_600, %add3A_644 : i32
      %mul3A_646 = arith.constant 128 : i32
      %mul3A_647 = arith.muli %add3A_645, %mul3A_646 : i32
      %dma_wait3A_648 = tpu.memref_slice %arg6[%mul3A_647] : memref<20000xi32, #tpu.memory_space<vmem>> -> memref<128xi32, #tpu.memory_space<vmem>>
      %dma_wait3A_649 = arith.constant 0 : i32
      %dma_wait3A_650 = arith.constant 0 : i32
      %dma_wait3A_651 = tpu.memref_slice %arg5[%arg0, %dma_wait3A_649, %dma_wait3A_650] : memref<2x10000x64xf32, #tpu.memory_space<hbm>> -> memref<1x10000x64xf32, #tpu.memory_space<hbm>>
      %dma_wait3A_652 = tpu.memref_squeeze %dma_wait3A_651 : memref<1x10000x64xf32, #tpu.memory_space<hbm>> -> memref<10000x64xf32, #tpu.memory_space<hbm>>
      %dma_wait3A_653 = arith.constant 0 : i32
      %dma_wait3A_654 = arith.constant 0 : i32
      %dma_wait3A_655 = tpu.memref_slice %dma_wait3A_652[%dma_wait3A_653, %dma_wait3A_654] : memref<10000x64xf32, #tpu.memory_space<hbm>> -> memref<10000x64xf32, #tpu.memory_space<hbm>>
      tpu.wait_indirect_dma semaphore(%arg18 : memref<!tpu.dma_semaphore, #tpu.memory_space<semaphore_mem>>) src(%dma_wait3A_655 : memref<10000x64xf32, #tpu.memory_space<hbm>>) dst(%arg11 : memref<128x64xf32, #tpu.memory_space<vmem>>)
      %add3A_656 = arith.constant 3 : i32
      %add3A_657 = arith.addi %mul3A_600, %add3A_656 : i32
      %mul3A_658 = arith.constant 128 : i32
      %mul3A_659 = arith.muli %add3A_657, %mul3A_658 : i32
      %dma_start3A_660 = tpu.memref_slice %arg7[%mul3A_659] : memref<20000xi32, #tpu.memory_space<vmem>> -> memref<128xi32, #tpu.memory_space<vmem>>
      %dma_start3A_661 = arith.constant 0 : i32
      %dma_start3A_662 = arith.constant 0 : i32
      %dma_start3A_663 = tpu.memref_slice %arg14[%dma_start3A_661, %dma_start3A_662] : memref<10000x64xf32, #tpu.memory_space<vmem_shared>> -> memref<10000x64xf32, #tpu.memory_space<vmem_shared>>
      tpu.enqueue_indirect_dma source(%arg11 : memref<128x64xf32, #tpu.memory_space<vmem>>) target(%dma_start3A_663 : memref<10000x64xf32, #tpu.memory_space<vmem_shared>>) offsets(%dma_start3A_660 : memref<128xi32, #tpu.memory_space<vmem>>) semaphore(%arg24 : memref<!tpu.dma_semaphore, #tpu.memory_space<semaphore_mem>>) {add = true}
      %add3A_664 = arith.constant 3 : i32
      %add3A_665 = arith.addi %mul3A_600, %add3A_664 : i32
      %sub3A_666 = arith.constant 2 : i32
      %sub3A_667 = arith.subi %add3A_665, %sub3A_666 : i32
      %mul3A_668 = arith.constant 128 : i32
      %mul3A_669 = arith.muli %sub3A_667, %mul3A_668 : i32
      %dma_wait3A_670 = tpu.memref_slice %arg7[%mul3A_669] : memref<20000xi32, #tpu.memory_space<vmem>> -> memref<128xi32, #tpu.memory_space<vmem>>
      %dma_wait3A_671 = arith.constant 0 : i32
      %dma_wait3A_672 = arith.constant 0 : i32
      %dma_wait3A_673 = tpu.memref_slice %arg14[%dma_wait3A_671, %dma_wait3A_672] : memref<10000x64xf32, #tpu.memory_space<vmem_shared>> -> memref<10000x64xf32, #tpu.memory_space<vmem_shared>>
      tpu.wait_indirect_dma semaphore(%arg22 : memref<!tpu.dma_semaphore, #tpu.memory_space<semaphore_mem>>) src(%arg9 : memref<128x64xf32, #tpu.memory_space<vmem>>) dst(%dma_wait3A_673 : memref<10000x64xf32, #tpu.memory_space<vmem_shared>>)
      %add3A_674 = arith.constant 3 : i32
      %add3A_675 = arith.addi %mul3A_600, %add3A_674 : i32
      %add3A_676 = arith.constant 4 : i32
      %add3A_677 = arith.addi %add3A_675, %add3A_676 : i32
      %mul3A_678 = arith.constant 128 : i32
      %mul3A_679 = arith.muli %add3A_677, %mul3A_678 : i32
      %dma_start3A_680 = tpu.memref_slice %arg6[%mul3A_679] : memref<20000xi32, #tpu.memory_space<vmem>> -> memref<128xi32, #tpu.memory_space<vmem>>
      %dma_start3A_681 = arith.constant 0 : i32
      %dma_start3A_682 = arith.constant 0 : i32
      %dma_start3A_683 = tpu.memref_slice %arg5[%arg0, %dma_start3A_681, %dma_start3A_682] : memref<2x10000x64xf32, #tpu.memory_space<hbm>> -> memref<1x10000x64xf32, #tpu.memory_space<hbm>>
      %dma_start3A_684 = tpu.memref_squeeze %dma_start3A_683 : memref<1x10000x64xf32, #tpu.memory_space<hbm>> -> memref<10000x64xf32, #tpu.memory_space<hbm>>
      %dma_start3A_685 = arith.constant 0 : i32
      %dma_start3A_686 = arith.constant 0 : i32
      %dma_start3A_687 = tpu.memref_slice %dma_start3A_684[%dma_start3A_685, %dma_start3A_686] : memref<10000x64xf32, #tpu.memory_space<hbm>> -> memref<10000x64xf32, #tpu.memory_space<hbm>>
      tpu.enqueue_indirect_dma source(%dma_start3A_687 : memref<10000x64xf32, #tpu.memory_space<hbm>>) target(%arg9 : memref<128x64xf32, #tpu.memory_space<vmem>>) offsets(%dma_start3A_680 : memref<128xi32, #tpu.memory_space<vmem>>) semaphore(%arg16 : memref<!tpu.dma_semaphore, #tpu.memory_space<semaphore_mem>>)
      %add3A_688 = arith.constant 4 : i32
      %add3A_689 = arith.addi %mul3A_600, %add3A_688 : i32
      %mul3A_690 = arith.constant 128 : i32
      %mul3A_691 = arith.muli %add3A_689, %mul3A_690 : i32
      %dma_wait3A_692 = tpu.memref_slice %arg6[%mul3A_691] : memref<20000xi32, #tpu.memory_space<vmem>> -> memref<128xi32, #tpu.memory_space<vmem>>
      %dma_wait3A_693 = arith.constant 0 : i32
      %dma_wait3A_694 = arith.constant 0 : i32
      %dma_wait3A_695 = tpu.memref_slice %arg5[%arg0, %dma_wait3A_693, %dma_wait3A_694] : memref<2x10000x64xf32, #tpu.memory_space<hbm>> -> memref<1x10000x64xf32, #tpu.memory_space<hbm>>
      %dma_wait3A_696 = tpu.memref_squeeze %dma_wait3A_695 : memref<1x10000x64xf32, #tpu.memory_space<hbm>> -> memref<10000x64xf32, #tpu.memory_space<hbm>>
      %dma_wait3A_697 = arith.constant 0 : i32
      %dma_wait3A_698 = arith.constant 0 : i32
      %dma_wait3A_699 = tpu.memref_slice %dma_wait3A_696[%dma_wait3A_697, %dma_wait3A_698] : memref<10000x64xf32, #tpu.memory_space<hbm>> -> memref<10000x64xf32, #tpu.memory_space<hbm>>
      tpu.wait_indirect_dma semaphore(%arg19 : memref<!tpu.dma_semaphore, #tpu.memory_space<semaphore_mem>>) src(%dma_wait3A_699 : memref<10000x64xf32, #tpu.memory_space<hbm>>) dst(%arg12 : memref<128x64xf32, #tpu.memory_space<vmem>>)
      %add3A_700 = arith.constant 4 : i32
      %add3A_701 = arith.addi %mul3A_600, %add3A_700 : i32
      %mul3A_702 = arith.constant 128 : i32
      %mul3A_703 = arith.muli %add3A_701, %mul3A_702 : i32
      %dma_start3A_704 = tpu.memref_slice %arg7[%mul3A_703] : memref<20000xi32, #tpu.memory_space<vmem>> -> memref<128xi32, #tpu.memory_space<vmem>>
      %dma_start3A_705 = arith.constant 0 : i32
      %dma_start3A_706 = arith.constant 0 : i32
      %dma_start3A_707 = tpu.memref_slice %arg14[%dma_start3A_705, %dma_start3A_706] : memref<10000x64xf32, #tpu.memory_space<vmem_shared>> -> memref<10000x64xf32, #tpu.memory_space<vmem_shared>>
      tpu.enqueue_indirect_dma source(%arg12 : memref<128x64xf32, #tpu.memory_space<vmem>>) target(%dma_start3A_707 : memref<10000x64xf32, #tpu.memory_space<vmem_shared>>) offsets(%dma_start3A_704 : memref<128xi32, #tpu.memory_space<vmem>>) semaphore(%arg25 : memref<!tpu.dma_semaphore, #tpu.memory_space<semaphore_mem>>) {add = true}
      %add3A_708 = arith.constant 4 : i32
      %add3A_709 = arith.addi %mul3A_600, %add3A_708 : i32
      %sub3A_710 = arith.constant 2 : i32
      %sub3A_711 = arith.subi %add3A_709, %sub3A_710 : i32
      %mul3A_712 = arith.constant 128 : i32
      %mul3A_713 = arith.muli %sub3A_711, %mul3A_712 : i32
      %dma_wait3A_714 = tpu.memref_slice %arg7[%mul3A_713] : memref<20000xi32, #tpu.memory_space<vmem>> -> memref<128xi32, #tpu.memory_space<vmem>>
      %dma_wait3A_715 = arith.constant 0 : i32
      %dma_wait3A_716 = arith.constant 0 : i32
      %dma_wait3A_717 = tpu.memref_slice %arg14[%dma_wait3A_715, %dma_wait3A_716] : memref<10000x64xf32, #tpu.memory_space<vmem_shared>> -> memref<10000x64xf32, #tpu.memory_space<vmem_shared>>
      tpu.wait_indirect_dma semaphore(%arg23 : memref<!tpu.dma_semaphore, #tpu.memory_space<semaphore_mem>>) src(%arg10 : memref<128x64xf32, #tpu.memory_space<vmem>>) dst(%dma_wait3A_717 : memref<10000x64xf32, #tpu.memory_space<vmem_shared>>)
      %add3A_718 = arith.constant 4 : i32
      %add3A_719 = arith.addi %mul3A_600, %add3A_718 : i32
      %add3A_720 = arith.constant 4 : i32
      %add3A_721 = arith.addi %add3A_719, %add3A_720 : i32
      %mul3A_722 = arith.constant 128 : i32
      %mul3A_723 = arith.muli %add3A_721, %mul3A_722 : i32
      %dma_start3A_724 = tpu.memref_slice %arg6[%mul3A_723] : memref<20000xi32, #tpu.memory_space<vmem>> -> memref<128xi32, #tpu.memory_space<vmem>>
      %dma_start3A_725 = arith.constant 0 : i32
      %dma_start3A_726 = arith.constant 0 : i32
      %dma_start3A_727 = tpu.memref_slice %arg5[%arg0, %dma_start3A_725, %dma_start3A_726] : memref<2x10000x64xf32, #tpu.memory_space<hbm>> -> memref<1x10000x64xf32, #tpu.memory_space<hbm>>
      %dma_start3A_728 = tpu.memref_squeeze %dma_start3A_727 : memref<1x10000x64xf32, #tpu.memory_space<hbm>> -> memref<10000x64xf32, #tpu.memory_space<hbm>>
      %dma_start3A_729 = arith.constant 0 : i32
      %dma_start3A_730 = arith.constant 0 : i32
      %dma_start3A_731 = tpu.memref_slice %dma_start3A_728[%dma_start3A_729, %dma_start3A_730] : memref<10000x64xf32, #tpu.memory_space<hbm>> -> memref<10000x64xf32, #tpu.memory_space<hbm>>
      tpu.enqueue_indirect_dma source(%dma_start3A_731 : memref<10000x64xf32, #tpu.memory_space<hbm>>) target(%arg10 : memref<128x64xf32, #tpu.memory_space<vmem>>) offsets(%dma_start3A_724 : memref<128xi32, #tpu.memory_space<vmem>>) semaphore(%arg17 : memref<!tpu.dma_semaphore, #tpu.memory_space<semaphore_mem>>)
      %add3A_732 = arith.constant 5 : i32
      %add3A_733 = arith.addi %mul3A_600, %add3A_732 : i32
      %mul3A_734 = arith.constant 128 : i32
      %mul3A_735 = arith.muli %add3A_733, %mul3A_734 : i32
      %dma_wait3A_736 = tpu.memref_slice %arg6[%mul3A_735] : memref<20000xi32, #tpu.memory_space<vmem>> -> memref<128xi32, #tpu.memory_space<vmem>>
      %dma_wait3A_737 = arith.constant 0 : i32
      %dma_wait3A_738 = arith.constant 0 : i32
      %dma_wait3A_739 = tpu.memref_slice %arg5[%arg0, %dma_wait3A_737, %dma_wait3A_738] : memref<2x10000x64xf32, #tpu.memory_space<hbm>> -> memref<1x10000x64xf32, #tpu.memory_space<hbm>>
      %dma_wait3A_740 = tpu.memref_squeeze %dma_wait3A_739 : memref<1x10000x64xf32, #tpu.memory_space<hbm>> -> memref<10000x64xf32, #tpu.memory_space<hbm>>
      %dma_wait3A_741 = arith.constant 0 : i32
      %dma_wait3A_742 = arith.constant 0 : i32
      %dma_wait3A_743 = tpu.memref_slice %dma_wait3A_740[%dma_wait3A_741, %dma_wait3A_742] : memref<10000x64xf32, #tpu.memory_space<hbm>> -> memref<10000x64xf32, #tpu.memory_space<hbm>>
      tpu.wait_indirect_dma semaphore(%arg20 : memref<!tpu.dma_semaphore, #tpu.memory_space<semaphore_mem>>) src(%dma_wait3A_743 : memref<10000x64xf32, #tpu.memory_space<hbm>>) dst(%arg13 : memref<128x64xf32, #tpu.memory_space<vmem>>)
      %add3A_744 = arith.constant 5 : i32
      %add3A_745 = arith.addi %mul3A_600, %add3A_744 : i32
      %mul3A_746 = arith.constant 128 : i32
      %mul3A_747 = arith.muli %add3A_745, %mul3A_746 : i32
      %dma_start3A_748 = tpu.memref_slice %arg7[%mul3A_747] : memref<20000xi32, #tpu.memory_space<vmem>> -> memref<128xi32, #tpu.memory_space<vmem>>
      %dma_start3A_749 = arith.constant 0 : i32
      %dma_start3A_750 = arith.constant 0 : i32
      %dma_start3A_751 = tpu.memref_slice %arg14[%dma_start3A_749, %dma_start3A_750] : memref<10000x64xf32, #tpu.memory_space<vmem_shared>> -> memref<10000x64xf32, #tpu.memory_space<vmem_shared>>
      tpu.enqueue_indirect_dma source(%arg13 : memref<128x64xf32, #tpu.memory_space<vmem>>) target(%dma_start3A_751 : memref<10000x64xf32, #tpu.memory_space<vmem_shared>>) offsets(%dma_start3A_748 : memref<128xi32, #tpu.memory_space<vmem>>) semaphore(%arg26 : memref<!tpu.dma_semaphore, #tpu.memory_space<semaphore_mem>>) {add = true}
      %add3A_752 = arith.constant 5 : i32
      %add3A_753 = arith.addi %mul3A_600, %add3A_752 : i32
      %sub3A_754 = arith.constant 2 : i32
      %sub3A_755 = arith.subi %add3A_753, %sub3A_754 : i32
      %mul3A_756 = arith.constant 128 : i32
      %mul3A_757 = arith.muli %sub3A_755, %mul3A_756 : i32
      %dma_wait3A_758 = tpu.memref_slice %arg7[%mul3A_757] : memref<20000xi32, #tpu.memory_space<vmem>> -> memref<128xi32, #tpu.memory_space<vmem>>
      %dma_wait3A_759 = arith.constant 0 : i32
      %dma_wait3A_760 = arith.constant 0 : i32
      %dma_wait3A_761 = tpu.memref_slice %arg14[%dma_wait3A_759, %dma_wait3A_760] : memref<10000x64xf32, #tpu.memory_space<vmem_shared>> -> memref<10000x64xf32, #tpu.memory_space<vmem_shared>>
      tpu.wait_indirect_dma semaphore(%arg24 : memref<!tpu.dma_semaphore, #tpu.memory_space<semaphore_mem>>) src(%arg11 : memref<128x64xf32, #tpu.memory_space<vmem>>) dst(%dma_wait3A_761 : memref<10000x64xf32, #tpu.memory_space<vmem_shared>>)
      %add3A_762 = arith.constant 5 : i32
      %add3A_763 = arith.addi %mul3A_600, %add3A_762 : i32
      %add3A_764 = arith.constant 4 : i32
      %add3A_765 = arith.addi %add3A_763, %add3A_764 : i32
      %mul3A_766 = arith.constant 128 : i32
      %mul3A_767 = arith.muli %add3A_765, %mul3A_766 : i32
      %dma_start3A_768 = tpu.memref_slice %arg6[%mul3A_767] : memref<20000xi32, #tpu.memory_space<vmem>> -> memref<128xi32, #tpu.memory_space<vmem>>
      %dma_start3A_769 = arith.constant 0 : i32
      %dma_start3A_770 = arith.constant 0 : i32
      %dma_start3A_771 = tpu.memref_slice %arg5[%arg0, %dma_start3A_769, %dma_start3A_770] : memref<2x10000x64xf32, #tpu.memory_space<hbm>> -> memref<1x10000x64xf32, #tpu.memory_space<hbm>>
      %dma_start3A_772 = tpu.memref_squeeze %dma_start3A_771 : memref<1x10000x64xf32, #tpu.memory_space<hbm>> -> memref<10000x64xf32, #tpu.memory_space<hbm>>
      %dma_start3A_773 = arith.constant 0 : i32
      %dma_start3A_774 = arith.constant 0 : i32
      %dma_start3A_775 = tpu.memref_slice %dma_start3A_772[%dma_start3A_773, %dma_start3A_774] : memref<10000x64xf32, #tpu.memory_space<hbm>> -> memref<10000x64xf32, #tpu.memory_space<hbm>>
      tpu.enqueue_indirect_dma source(%dma_start3A_775 : memref<10000x64xf32, #tpu.memory_space<hbm>>) target(%arg11 : memref<128x64xf32, #tpu.memory_space<vmem>>) offsets(%dma_start3A_768 : memref<128xi32, #tpu.memory_space<vmem>>) semaphore(%arg18 : memref<!tpu.dma_semaphore, #tpu.memory_space<semaphore_mem>>)
      %add3A_776 = arith.constant 6 : i32
      %add3A_777 = arith.addi %mul3A_600, %add3A_776 : i32
      %mul3A_778 = arith.constant 128 : i32
      %mul3A_779 = arith.muli %add3A_777, %mul3A_778 : i32
      %dma_wait3A_780 = tpu.memref_slice %arg6[%mul3A_779] : memref<20000xi32, #tpu.memory_space<vmem>> -> memref<128xi32, #tpu.memory_space<vmem>>
      %dma_wait3A_781 = arith.constant 0 : i32
      %dma_wait3A_782 = arith.constant 0 : i32
      %dma_wait3A_783 = tpu.memref_slice %arg5[%arg0, %dma_wait3A_781, %dma_wait3A_782] : memref<2x10000x64xf32, #tpu.memory_space<hbm>> -> memref<1x10000x64xf32, #tpu.memory_space<hbm>>
      %dma_wait3A_784 = tpu.memref_squeeze %dma_wait3A_783 : memref<1x10000x64xf32, #tpu.memory_space<hbm>> -> memref<10000x64xf32, #tpu.memory_space<hbm>>
      %dma_wait3A_785 = arith.constant 0 : i32
      %dma_wait3A_786 = arith.constant 0 : i32
      %dma_wait3A_787 = tpu.memref_slice %dma_wait3A_784[%dma_wait3A_785, %dma_wait3A_786] : memref<10000x64xf32, #tpu.memory_space<hbm>> -> memref<10000x64xf32, #tpu.memory_space<hbm>>
      tpu.wait_indirect_dma semaphore(%arg15 : memref<!tpu.dma_semaphore, #tpu.memory_space<semaphore_mem>>) src(%dma_wait3A_787 : memref<10000x64xf32, #tpu.memory_space<hbm>>) dst(%arg8 : memref<128x64xf32, #tpu.memory_space<vmem>>)
      %add3A_788 = arith.constant 6 : i32
      %add3A_789 = arith.addi %mul3A_600, %add3A_788 : i32
      %mul3A_790 = arith.constant 128 : i32
      %mul3A_791 = arith.muli %add3A_789, %mul3A_790 : i32
      %dma_start3A_792 = tpu.memref_slice %arg7[%mul3A_791] : memref<20000xi32, #tpu.memory_space<vmem>> -> memref<128xi32, #tpu.memory_space<vmem>>
      %dma_start3A_793 = arith.constant 0 : i32
      %dma_start3A_794 = arith.constant 0 : i32
      %dma_start3A_795 = tpu.memref_slice %arg14[%dma_start3A_793, %dma_start3A_794] : memref<10000x64xf32, #tpu.memory_space<vmem_shared>> -> memref<10000x64xf32, #tpu.memory_space<vmem_shared>>
      tpu.enqueue_indirect_dma source(%arg8 : memref<128x64xf32, #tpu.memory_space<vmem>>) target(%dma_start3A_795 : memref<10000x64xf32, #tpu.memory_space<vmem_shared>>) offsets(%dma_start3A_792 : memref<128xi32, #tpu.memory_space<vmem>>) semaphore(%arg21 : memref<!tpu.dma_semaphore, #tpu.memory_space<semaphore_mem>>) {add = true}
      %add3A_796 = arith.constant 6 : i32
      %add3A_797 = arith.addi %mul3A_600, %add3A_796 : i32
      %sub3A_798 = arith.constant 2 : i32
      %sub3A_799 = arith.subi %add3A_797, %sub3A_798 : i32
      %mul3A_800 = arith.constant 128 : i32
      %mul3A_801 = arith.muli %sub3A_799, %mul3A_800 : i32
      %dma_wait3A_802 = tpu.memref_slice %arg7[%mul3A_801] : memref<20000xi32, #tpu.memory_space<vmem>> -> memref<128xi32, #tpu.memory_space<vmem>>
      %dma_wait3A_803 = arith.constant 0 : i32
      %dma_wait3A_804 = arith.constant 0 : i32
      %dma_wait3A_805 = tpu.memref_slice %arg14[%dma_wait3A_803, %dma_wait3A_804] : memref<10000x64xf32, #tpu.memory_space<vmem_shared>> -> memref<10000x64xf32, #tpu.memory_space<vmem_shared>>
      tpu.wait_indirect_dma semaphore(%arg25 : memref<!tpu.dma_semaphore, #tpu.memory_space<semaphore_mem>>) src(%arg12 : memref<128x64xf32, #tpu.memory_space<vmem>>) dst(%dma_wait3A_805 : memref<10000x64xf32, #tpu.memory_space<vmem_shared>>)
      %add3A_806 = arith.constant 6 : i32
      %add3A_807 = arith.addi %mul3A_600, %add3A_806 : i32
      %add3A_808 = arith.constant 4 : i32
      %add3A_809 = arith.addi %add3A_807, %add3A_808 : i32
      %mul3A_810 = arith.constant 128 : i32
      %mul3A_811 = arith.muli %add3A_809, %mul3A_810 : i32
      %dma_start3A_812 = tpu.memref_slice %arg6[%mul3A_811] : memref<20000xi32, #tpu.memory_space<vmem>> -> memref<128xi32, #tpu.memory_space<vmem>>
      %dma_start3A_813 = arith.constant 0 : i32
      %dma_start3A_814 = arith.constant 0 : i32
      %dma_start3A_815 = tpu.memref_slice %arg5[%arg0, %dma_start3A_813, %dma_start3A_814] : memref<2x10000x64xf32, #tpu.memory_space<hbm>> -> memref<1x10000x64xf32, #tpu.memory_space<hbm>>
      %dma_start3A_816 = tpu.memref_squeeze %dma_start3A_815 : memref<1x10000x64xf32, #tpu.memory_space<hbm>> -> memref<10000x64xf32, #tpu.memory_space<hbm>>
      %dma_start3A_817 = arith.constant 0 : i32
      %dma_start3A_818 = arith.constant 0 : i32
      %dma_start3A_819 = tpu.memref_slice %dma_start3A_816[%dma_start3A_817, %dma_start3A_818] : memref<10000x64xf32, #tpu.memory_space<hbm>> -> memref<10000x64xf32, #tpu.memory_space<hbm>>
      tpu.enqueue_indirect_dma source(%dma_start3A_819 : memref<10000x64xf32, #tpu.memory_space<hbm>>) target(%arg12 : memref<128x64xf32, #tpu.memory_space<vmem>>) offsets(%dma_start3A_812 : memref<128xi32, #tpu.memory_space<vmem>>) semaphore(%arg19 : memref<!tpu.dma_semaphore, #tpu.memory_space<semaphore_mem>>)
      %add3A_820 = arith.constant 7 : i32
      %add3A_821 = arith.addi %mul3A_600, %add3A_820 : i32
      %mul3A_822 = arith.constant 128 : i32
      %mul3A_823 = arith.muli %add3A_821, %mul3A_822 : i32
      %dma_wait3A_824 = tpu.memref_slice %arg6[%mul3A_823] : memref<20000xi32, #tpu.memory_space<vmem>> -> memref<128xi32, #tpu.memory_space<vmem>>
      %dma_wait3A_825 = arith.constant 0 : i32
      %dma_wait3A_826 = arith.constant 0 : i32
      %dma_wait3A_827 = tpu.memref_slice %arg5[%arg0, %dma_wait3A_825, %dma_wait3A_826] : memref<2x10000x64xf32, #tpu.memory_space<hbm>> -> memref<1x10000x64xf32, #tpu.memory_space<hbm>>
      %dma_wait3A_828 = tpu.memref_squeeze %dma_wait3A_827 : memref<1x10000x64xf32, #tpu.memory_space<hbm>> -> memref<10000x64xf32, #tpu.memory_space<hbm>>
      %dma_wait3A_829 = arith.constant 0 : i32
      %dma_wait3A_830 = arith.constant 0 : i32
      %dma_wait3A_831 = tpu.memref_slice %dma_wait3A_828[%dma_wait3A_829, %dma_wait3A_830] : memref<10000x64xf32, #tpu.memory_space<hbm>> -> memref<10000x64xf32, #tpu.memory_space<hbm>>
      tpu.wait_indirect_dma semaphore(%arg16 : memref<!tpu.dma_semaphore, #tpu.memory_space<semaphore_mem>>) src(%dma_wait3A_831 : memref<10000x64xf32, #tpu.memory_space<hbm>>) dst(%arg9 : memref<128x64xf32, #tpu.memory_space<vmem>>)
      %add3A_832 = arith.constant 7 : i32
      %add3A_833 = arith.addi %mul3A_600, %add3A_832 : i32
      %mul3A_834 = arith.constant 128 : i32
      %mul3A_835 = arith.muli %add3A_833, %mul3A_834 : i32
      %dma_start3A_836 = tpu.memref_slice %arg7[%mul3A_835] : memref<20000xi32, #tpu.memory_space<vmem>> -> memref<128xi32, #tpu.memory_space<vmem>>
      %dma_start3A_837 = arith.constant 0 : i32
      %dma_start3A_838 = arith.constant 0 : i32
      %dma_start3A_839 = tpu.memref_slice %arg14[%dma_start3A_837, %dma_start3A_838] : memref<10000x64xf32, #tpu.memory_space<vmem_shared>> -> memref<10000x64xf32, #tpu.memory_space<vmem_shared>>
      tpu.enqueue_indirect_dma source(%arg9 : memref<128x64xf32, #tpu.memory_space<vmem>>) target(%dma_start3A_839 : memref<10000x64xf32, #tpu.memory_space<vmem_shared>>) offsets(%dma_start3A_836 : memref<128xi32, #tpu.memory_space<vmem>>) semaphore(%arg22 : memref<!tpu.dma_semaphore, #tpu.memory_space<semaphore_mem>>) {add = true}
      %add3A_840 = arith.constant 7 : i32
      %add3A_841 = arith.addi %mul3A_600, %add3A_840 : i32
      %sub3A_842 = arith.constant 2 : i32
      %sub3A_843 = arith.subi %add3A_841, %sub3A_842 : i32
      %mul3A_844 = arith.constant 128 : i32
      %mul3A_845 = arith.muli %sub3A_843, %mul3A_844 : i32
      %dma_wait3A_846 = tpu.memref_slice %arg7[%mul3A_845] : memref<20000xi32, #tpu.memory_space<vmem>> -> memref<128xi32, #tpu.memory_space<vmem>>
      %dma_wait3A_847 = arith.constant 0 : i32
      %dma_wait3A_848 = arith.constant 0 : i32
      %dma_wait3A_849 = tpu.memref_slice %arg14[%dma_wait3A_847, %dma_wait3A_848] : memref<10000x64xf32, #tpu.memory_space<vmem_shared>> -> memref<10000x64xf32, #tpu.memory_space<vmem_shared>>
      tpu.wait_indirect_dma semaphore(%arg26 : memref<!tpu.dma_semaphore, #tpu.memory_space<semaphore_mem>>) src(%arg13 : memref<128x64xf32, #tpu.memory_space<vmem>>) dst(%dma_wait3A_849 : memref<10000x64xf32, #tpu.memory_space<vmem_shared>>)
      %add3A_850 = arith.constant 7 : i32
      %add3A_851 = arith.addi %mul3A_600, %add3A_850 : i32
      %add3A_852 = arith.constant 4 : i32
      %add3A_853 = arith.addi %add3A_851, %add3A_852 : i32
      %mul3A_854 = arith.constant 128 : i32
      %mul3A_855 = arith.muli %add3A_853, %mul3A_854 : i32
      %dma_start3A_856 = tpu.memref_slice %arg6[%mul3A_855] : memref<20000xi32, #tpu.memory_space<vmem>> -> memref<128xi32, #tpu.memory_space<vmem>>
      %dma_start3A_857 = arith.constant 0 : i32
      %dma_start3A_858 = arith.constant 0 : i32
      %dma_start3A_859 = tpu.memref_slice %arg5[%arg0, %dma_start3A_857, %dma_start3A_858] : memref<2x10000x64xf32, #tpu.memory_space<hbm>> -> memref<1x10000x64xf32, #tpu.memory_space<hbm>>
      %dma_start3A_860 = tpu.memref_squeeze %dma_start3A_859 : memref<1x10000x64xf32, #tpu.memory_space<hbm>> -> memref<10000x64xf32, #tpu.memory_space<hbm>>
      %dma_start3A_861 = arith.constant 0 : i32
      %dma_start3A_862 = arith.constant 0 : i32
      %dma_start3A_863 = tpu.memref_slice %dma_start3A_860[%dma_start3A_861, %dma_start3A_862] : memref<10000x64xf32, #tpu.memory_space<hbm>> -> memref<10000x64xf32, #tpu.memory_space<hbm>>
      tpu.enqueue_indirect_dma source(%dma_start3A_863 : memref<10000x64xf32, #tpu.memory_space<hbm>>) target(%arg13 : memref<128x64xf32, #tpu.memory_space<vmem>>) offsets(%dma_start3A_856 : memref<128xi32, #tpu.memory_space<vmem>>) semaphore(%arg20 : memref<!tpu.dma_semaphore, #tpu.memory_space<semaphore_mem>>)
    }
    %scan3A_464 = arith.constant 25 : i32
    %dma_wait3A_465 = arith.constant 19456 : i32
    %dma_wait3A_466 = tpu.memref_slice %arg6[%dma_wait3A_465] : memref<20000xi32, #tpu.memory_space<vmem>> -> memref<128xi32, #tpu.memory_space<vmem>>
    %dma_wait3A_467 = arith.constant 0 : i32
    %dma_wait3A_468 = arith.constant 0 : i32
    %dma_wait3A_469 = tpu.memref_slice %arg5[%arg0, %dma_wait3A_467, %dma_wait3A_468] : memref<2x10000x64xf32, #tpu.memory_space<hbm>> -> memref<1x10000x64xf32, #tpu.memory_space<hbm>>
    %dma_wait3A_470 = tpu.memref_squeeze %dma_wait3A_469 : memref<1x10000x64xf32, #tpu.memory_space<hbm>> -> memref<10000x64xf32, #tpu.memory_space<hbm>>
    %dma_wait3A_471 = arith.constant 0 : i32
    %dma_wait3A_472 = arith.constant 0 : i32
    %dma_wait3A_473 = tpu.memref_slice %dma_wait3A_470[%dma_wait3A_471, %dma_wait3A_472] : memref<10000x64xf32, #tpu.memory_space<hbm>> -> memref<10000x64xf32, #tpu.memory_space<hbm>>
    tpu.wait_indirect_dma semaphore(%arg17 : memref<!tpu.dma_semaphore, #tpu.memory_space<semaphore_mem>>) src(%dma_wait3A_473 : memref<10000x64xf32, #tpu.memory_space<hbm>>) dst(%arg10 : memref<128x64xf32, #tpu.memory_space<vmem>>)
    %dma_start3A_474 = arith.constant 19456 : i32
    %dma_start3A_475 = tpu.memref_slice %arg7[%dma_start3A_474] : memref<20000xi32, #tpu.memory_space<vmem>> -> memref<128xi32, #tpu.memory_space<vmem>>
    %dma_start3A_476 = arith.constant 0 : i32
    %dma_start3A_477 = arith.constant 0 : i32
    %dma_start3A_478 = tpu.memref_slice %arg14[%dma_start3A_476, %dma_start3A_477] : memref<10000x64xf32, #tpu.memory_space<vmem_shared>> -> memref<10000x64xf32, #tpu.memory_space<vmem_shared>>
    tpu.enqueue_indirect_dma source(%arg10 : memref<128x64xf32, #tpu.memory_space<vmem>>) target(%dma_start3A_478 : memref<10000x64xf32, #tpu.memory_space<vmem_shared>>) offsets(%dma_start3A_475 : memref<128xi32, #tpu.memory_space<vmem>>) semaphore(%arg23 : memref<!tpu.dma_semaphore, #tpu.memory_space<semaphore_mem>>) {add = true}
    %dma_wait3A_479 = arith.constant 19200 : i32
    %dma_wait3A_480 = tpu.memref_slice %arg7[%dma_wait3A_479] : memref<20000xi32, #tpu.memory_space<vmem>> -> memref<128xi32, #tpu.memory_space<vmem>>
    %dma_wait3A_481 = arith.constant 0 : i32
    %dma_wait3A_482 = arith.constant 0 : i32
    %dma_wait3A_483 = tpu.memref_slice %arg14[%dma_wait3A_481, %dma_wait3A_482] : memref<10000x64xf32, #tpu.memory_space<vmem_shared>> -> memref<10000x64xf32, #tpu.memory_space<vmem_shared>>
    tpu.wait_indirect_dma semaphore(%arg21 : memref<!tpu.dma_semaphore, #tpu.memory_space<semaphore_mem>>) src(%arg8 : memref<128x64xf32, #tpu.memory_space<vmem>>) dst(%dma_wait3A_483 : memref<10000x64xf32, #tpu.memory_space<vmem_shared>>)
    %dma_wait3A_484 = arith.constant 19584 : i32
    %dma_wait3A_485 = tpu.memref_slice %arg6[%dma_wait3A_484] : memref<20000xi32, #tpu.memory_space<vmem>> -> memref<128xi32, #tpu.memory_space<vmem>>
    %dma_wait3A_486 = arith.constant 0 : i32
    %dma_wait3A_487 = arith.constant 0 : i32
    %dma_wait3A_488 = tpu.memref_slice %arg5[%arg0, %dma_wait3A_486, %dma_wait3A_487] : memref<2x10000x64xf32, #tpu.memory_space<hbm>> -> memref<1x10000x64xf32, #tpu.memory_space<hbm>>
    %dma_wait3A_489 = tpu.memref_squeeze %dma_wait3A_488 : memref<1x10000x64xf32, #tpu.memory_space<hbm>> -> memref<10000x64xf32, #tpu.memory_space<hbm>>
    %dma_wait3A_490 = arith.constant 0 : i32
    %dma_wait3A_491 = arith.constant 0 : i32
    %dma_wait3A_492 = tpu.memref_slice %dma_wait3A_489[%dma_wait3A_490, %dma_wait3A_491] : memref<10000x64xf32, #tpu.memory_space<hbm>> -> memref<10000x64xf32, #tpu.memory_space<hbm>>
    tpu.wait_indirect_dma semaphore(%arg18 : memref<!tpu.dma_semaphore, #tpu.memory_space<semaphore_mem>>) src(%dma_wait3A_492 : memref<10000x64xf32, #tpu.memory_space<hbm>>) dst(%arg11 : memref<128x64xf32, #tpu.memory_space<vmem>>)
    %dma_start3A_493 = arith.constant 19584 : i32
    %dma_start3A_494 = tpu.memref_slice %arg7[%dma_start3A_493] : memref<20000xi32, #tpu.memory_space<vmem>> -> memref<128xi32, #tpu.memory_space<vmem>>
    %dma_start3A_495 = arith.constant 0 : i32
    %dma_start3A_496 = arith.constant 0 : i32
    %dma_start3A_497 = tpu.memref_slice %arg14[%dma_start3A_495, %dma_start3A_496] : memref<10000x64xf32, #tpu.memory_space<vmem_shared>> -> memref<10000x64xf32, #tpu.memory_space<vmem_shared>>
    tpu.enqueue_indirect_dma source(%arg11 : memref<128x64xf32, #tpu.memory_space<vmem>>) target(%dma_start3A_497 : memref<10000x64xf32, #tpu.memory_space<vmem_shared>>) offsets(%dma_start3A_494 : memref<128xi32, #tpu.memory_space<vmem>>) semaphore(%arg24 : memref<!tpu.dma_semaphore, #tpu.memory_space<semaphore_mem>>) {add = true}
    %dma_wait3A_498 = arith.constant 19328 : i32
    %dma_wait3A_499 = tpu.memref_slice %arg7[%dma_wait3A_498] : memref<20000xi32, #tpu.memory_space<vmem>> -> memref<128xi32, #tpu.memory_space<vmem>>
    %dma_wait3A_500 = arith.constant 0 : i32
    %dma_wait3A_501 = arith.constant 0 : i32
    %dma_wait3A_502 = tpu.memref_slice %arg14[%dma_wait3A_500, %dma_wait3A_501] : memref<10000x64xf32, #tpu.memory_space<vmem_shared>> -> memref<10000x64xf32, #tpu.memory_space<vmem_shared>>
    tpu.wait_indirect_dma semaphore(%arg22 : memref<!tpu.dma_semaphore, #tpu.memory_space<semaphore_mem>>) src(%arg9 : memref<128x64xf32, #tpu.memory_space<vmem>>) dst(%dma_wait3A_502 : memref<10000x64xf32, #tpu.memory_space<vmem_shared>>)
    %dma_wait3A_503 = arith.constant 19712 : i32
    %dma_wait3A_504 = tpu.memref_slice %arg6[%dma_wait3A_503] : memref<20000xi32, #tpu.memory_space<vmem>> -> memref<128xi32, #tpu.memory_space<vmem>>
    %dma_wait3A_505 = arith.constant 0 : i32
    %dma_wait3A_506 = arith.constant 0 : i32
    %dma_wait3A_507 = tpu.memref_slice %arg5[%arg0, %dma_wait3A_505, %dma_wait3A_506] : memref<2x10000x64xf32, #tpu.memory_space<hbm>> -> memref<1x10000x64xf32, #tpu.memory_space<hbm>>
    %dma_wait3A_508 = tpu.memref_squeeze %dma_wait3A_507 : memref<1x10000x64xf32, #tpu.memory_space<hbm>> -> memref<10000x64xf32, #tpu.memory_space<hbm>>
    %dma_wait3A_509 = arith.constant 0 : i32
    %dma_wait3A_510 = arith.constant 0 : i32
    %dma_wait3A_511 = tpu.memref_slice %dma_wait3A_508[%dma_wait3A_509, %dma_wait3A_510] : memref<10000x64xf32, #tpu.memory_space<hbm>> -> memref<10000x64xf32, #tpu.memory_space<hbm>>
    tpu.wait_indirect_dma semaphore(%arg19 : memref<!tpu.dma_semaphore, #tpu.memory_space<semaphore_mem>>) src(%dma_wait3A_511 : memref<10000x64xf32, #tpu.memory_space<hbm>>) dst(%arg12 : memref<128x64xf32, #tpu.memory_space<vmem>>)
    %dma_start3A_512 = arith.constant 19712 : i32
    %dma_start3A_513 = tpu.memref_slice %arg7[%dma_start3A_512] : memref<20000xi32, #tpu.memory_space<vmem>> -> memref<128xi32, #tpu.memory_space<vmem>>
    %dma_start3A_514 = arith.constant 0 : i32
    %dma_start3A_515 = arith.constant 0 : i32
    %dma_start3A_516 = tpu.memref_slice %arg14[%dma_start3A_514, %dma_start3A_515] : memref<10000x64xf32, #tpu.memory_space<vmem_shared>> -> memref<10000x64xf32, #tpu.memory_space<vmem_shared>>
    tpu.enqueue_indirect_dma source(%arg12 : memref<128x64xf32, #tpu.memory_space<vmem>>) target(%dma_start3A_516 : memref<10000x64xf32, #tpu.memory_space<vmem_shared>>) offsets(%dma_start3A_513 : memref<128xi32, #tpu.memory_space<vmem>>) semaphore(%arg25 : memref<!tpu.dma_semaphore, #tpu.memory_space<semaphore_mem>>) {add = true}
    %dma_wait3A_517 = arith.constant 19456 : i32
    %dma_wait3A_518 = tpu.memref_slice %arg7[%dma_wait3A_517] : memref<20000xi32, #tpu.memory_space<vmem>> -> memref<128xi32, #tpu.memory_space<vmem>>
    %dma_wait3A_519 = arith.constant 0 : i32
    %dma_wait3A_520 = arith.constant 0 : i32
    %dma_wait3A_521 = tpu.memref_slice %arg14[%dma_wait3A_519, %dma_wait3A_520] : memref<10000x64xf32, #tpu.memory_space<vmem_shared>> -> memref<10000x64xf32, #tpu.memory_space<vmem_shared>>
    tpu.wait_indirect_dma semaphore(%arg23 : memref<!tpu.dma_semaphore, #tpu.memory_space<semaphore_mem>>) src(%arg10 : memref<128x64xf32, #tpu.memory_space<vmem>>) dst(%dma_wait3A_521 : memref<10000x64xf32, #tpu.memory_space<vmem_shared>>)
    %dma_wait3A_522 = arith.constant 19840 : i32
    %dma_wait3A_523 = tpu.memref_slice %arg6[%dma_wait3A_522] : memref<20000xi32, #tpu.memory_space<vmem>> -> memref<128xi32, #tpu.memory_space<vmem>>
    %dma_wait3A_524 = arith.constant 0 : i32
    %dma_wait3A_525 = arith.constant 0 : i32
    %dma_wait3A_526 = tpu.memref_slice %arg5[%arg0, %dma_wait3A_524, %dma_wait3A_525] : memref<2x10000x64xf32, #tpu.memory_space<hbm>> -> memref<1x10000x64xf32, #tpu.memory_space<hbm>>
    %dma_wait3A_527 = tpu.memref_squeeze %dma_wait3A_526 : memref<1x10000x64xf32, #tpu.memory_space<hbm>> -> memref<10000x64xf32, #tpu.memory_space<hbm>>
    %dma_wait3A_528 = arith.constant 0 : i32
    %dma_wait3A_529 = arith.constant 0 : i32
    %dma_wait3A_530 = tpu.memref_slice %dma_wait3A_527[%dma_wait3A_528, %dma_wait3A_529] : memref<10000x64xf32, #tpu.memory_space<hbm>> -> memref<10000x64xf32, #tpu.memory_space<hbm>>
    tpu.wait_indirect_dma semaphore(%arg20 : memref<!tpu.dma_semaphore, #tpu.memory_space<semaphore_mem>>) src(%dma_wait3A_530 : memref<10000x64xf32, #tpu.memory_space<hbm>>) dst(%arg13 : memref<128x64xf32, #tpu.memory_space<vmem>>)
    %dma_start3A_531 = arith.constant 19840 : i32
    %dma_start3A_532 = tpu.memref_slice %arg7[%dma_start3A_531] : memref<20000xi32, #tpu.memory_space<vmem>> -> memref<128xi32, #tpu.memory_space<vmem>>
    %dma_start3A_533 = arith.constant 0 : i32
    %dma_start3A_534 = arith.constant 0 : i32
    %dma_start3A_535 = tpu.memref_slice %arg14[%dma_start3A_533, %dma_start3A_534] : memref<10000x64xf32, #tpu.memory_space<vmem_shared>> -> memref<10000x64xf32, #tpu.memory_space<vmem_shared>>
    tpu.enqueue_indirect_dma source(%arg13 : memref<128x64xf32, #tpu.memory_space<vmem>>) target(%dma_start3A_535 : memref<10000x64xf32, #tpu.memory_space<vmem_shared>>) offsets(%dma_start3A_532 : memref<128xi32, #tpu.memory_space<vmem>>) semaphore(%arg26 : memref<!tpu.dma_semaphore, #tpu.memory_space<semaphore_mem>>) {add = true}
    %dma_wait3A_536 = arith.constant 19584 : i32
    %dma_wait3A_537 = tpu.memref_slice %arg7[%dma_wait3A_536] : memref<20000xi32, #tpu.memory_space<vmem>> -> memref<128xi32, #tpu.memory_space<vmem>>
    %dma_wait3A_538 = arith.constant 0 : i32
    %dma_wait3A_539 = arith.constant 0 : i32
    %dma_wait3A_540 = tpu.memref_slice %arg14[%dma_wait3A_538, %dma_wait3A_539] : memref<10000x64xf32, #tpu.memory_space<vmem_shared>> -> memref<10000x64xf32, #tpu.memory_space<vmem_shared>>
    tpu.wait_indirect_dma semaphore(%arg24 : memref<!tpu.dma_semaphore, #tpu.memory_space<semaphore_mem>>) src(%arg11 : memref<128x64xf32, #tpu.memory_space<vmem>>) dst(%dma_wait3A_540 : memref<10000x64xf32, #tpu.memory_space<vmem_shared>>)
    %dma_wait3A_541 = arith.constant 19712 : i32
    %dma_wait3A_542 = tpu.memref_slice %arg7[%dma_wait3A_541] : memref<20000xi32, #tpu.memory_space<vmem>> -> memref<128xi32, #tpu.memory_space<vmem>>
    %dma_wait3A_543 = arith.constant 0 : i32
    %dma_wait3A_544 = arith.constant 0 : i32
    %dma_wait3A_545 = tpu.memref_slice %arg14[%dma_wait3A_543, %dma_wait3A_544] : memref<10000x64xf32, #tpu.memory_space<vmem_shared>> -> memref<10000x64xf32, #tpu.memory_space<vmem_shared>>
    tpu.wait_indirect_dma semaphore(%arg25 : memref<!tpu.dma_semaphore, #tpu.memory_space<semaphore_mem>>) src(%arg12 : memref<128x64xf32, #tpu.memory_space<vmem>>) dst(%dma_wait3A_545 : memref<10000x64xf32, #tpu.memory_space<vmem_shared>>)
    %dma_wait3A_546 = arith.constant 19840 : i32
    %dma_wait3A_547 = tpu.memref_slice %arg7[%dma_wait3A_546] : memref<20000xi32, #tpu.memory_space<vmem>> -> memref<128xi32, #tpu.memory_space<vmem>>
    %dma_wait3A_548 = arith.constant 0 : i32
    %dma_wait3A_549 = arith.constant 0 : i32
    %dma_wait3A_550 = tpu.memref_slice %arg14[%dma_wait3A_548, %dma_wait3A_549] : memref<10000x64xf32, #tpu.memory_space<vmem_shared>> -> memref<10000x64xf32, #tpu.memory_space<vmem_shared>>
    tpu.wait_indirect_dma semaphore(%arg26 : memref<!tpu.dma_semaphore, #tpu.memory_space<semaphore_mem>>) src(%arg13 : memref<128x64xf32, #tpu.memory_space<vmem>>) dst(%dma_wait3A_550 : memref<10000x64xf32, #tpu.memory_space<vmem_shared>>)
    %dma_start3A_551 = arith.constant 0 : i32
    %dma_start3A_552 = arith.constant 0 : i32
    %dma_start3A_553 = tpu.memref_slice %arg8[%dma_start3A_551, %dma_start3A_552] : memref<128x64xf32, #tpu.memory_space<vmem>> -> memref<32x64xf32, #tpu.memory_space<vmem>>
    %dma_start3A_554 = arith.constant 19968 : i32
    %dma_start3A_555 = tpu.memref_slice %arg6[%dma_start3A_554] : memref<20000xi32, #tpu.memory_space<vmem>> -> memref<32xi32, #tpu.memory_space<vmem>>
    %dma_start3A_556 = arith.constant 0 : i32
    %dma_start3A_557 = arith.constant 0 : i32
    %dma_start3A_558 = tpu.memref_slice %arg5[%arg0, %dma_start3A_556, %dma_start3A_557] : memref<2x10000x64xf32, #tpu.memory_space<hbm>> -> memref<1x10000x64xf32, #tpu.memory_space<hbm>>
    %dma_start3A_559 = tpu.memref_squeeze %dma_start3A_558 : memref<1x10000x64xf32, #tpu.memory_space<hbm>> -> memref<10000x64xf32, #tpu.memory_space<hbm>>
    %dma_start3A_560 = arith.constant 0 : i32
    %dma_start3A_561 = arith.constant 0 : i32
    %dma_start3A_562 = tpu.memref_slice %dma_start3A_559[%dma_start3A_560, %dma_start3A_561] : memref<10000x64xf32, #tpu.memory_space<hbm>> -> memref<10000x64xf32, #tpu.memory_space<hbm>>
    tpu.enqueue_indirect_dma source(%dma_start3A_562 : memref<10000x64xf32, #tpu.memory_space<hbm>>) target(%dma_start3A_553 : memref<32x64xf32, #tpu.memory_space<vmem>>) offsets(%dma_start3A_555 : memref<32xi32, #tpu.memory_space<vmem>>) semaphore(%arg15 : memref<!tpu.dma_semaphore, #tpu.memory_space<semaphore_mem>>)
    %dma_wait3A_563 = arith.constant 0 : i32
    %dma_wait3A_564 = arith.constant 0 : i32
    %dma_wait3A_565 = tpu.memref_slice %arg8[%dma_wait3A_563, %dma_wait3A_564] : memref<128x64xf32, #tpu.memory_space<vmem>> -> memref<32x64xf32, #tpu.memory_space<vmem>>
    %dma_wait3A_566 = arith.constant 19968 : i32
    %dma_wait3A_567 = tpu.memref_slice %arg6[%dma_wait3A_566] : memref<20000xi32, #tpu.memory_space<vmem>> -> memref<32xi32, #tpu.memory_space<vmem>>
    %dma_wait3A_568 = arith.constant 0 : i32
    %dma_wait3A_569 = arith.constant 0 : i32
    %dma_wait3A_570 = tpu.memref_slice %arg5[%arg0, %dma_wait3A_568, %dma_wait3A_569] : memref<2x10000x64xf32, #tpu.memory_space<hbm>> -> memref<1x10000x64xf32, #tpu.memory_space<hbm>>
    %dma_wait3A_571 = tpu.memref_squeeze %dma_wait3A_570 : memref<1x10000x64xf32, #tpu.memory_space<hbm>> -> memref<10000x64xf32, #tpu.memory_space<hbm>>
    %dma_wait3A_572 = arith.constant 0 : i32
    %dma_wait3A_573 = arith.constant 0 : i32
    %dma_wait3A_574 = tpu.memref_slice %dma_wait3A_571[%dma_wait3A_572, %dma_wait3A_573] : memref<10000x64xf32, #tpu.memory_space<hbm>> -> memref<10000x64xf32, #tpu.memory_space<hbm>>
    tpu.wait_indirect_dma semaphore(%arg15 : memref<!tpu.dma_semaphore, #tpu.memory_space<semaphore_mem>>) src(%dma_wait3A_574 : memref<10000x64xf32, #tpu.memory_space<hbm>>) dst(%dma_wait3A_565 : memref<32x64xf32, #tpu.memory_space<vmem>>)
    %dma_start3A_575 = arith.constant 0 : i32
    %dma_start3A_576 = arith.constant 0 : i32
    %dma_start3A_577 = tpu.memref_slice %arg8[%dma_start3A_575, %dma_start3A_576] : memref<128x64xf32, #tpu.memory_space<vmem>> -> memref<32x64xf32, #tpu.memory_space<vmem>>
    %dma_start3A_578 = arith.constant 19968 : i32
    %dma_start3A_579 = tpu.memref_slice %arg7[%dma_start3A_578] : memref<20000xi32, #tpu.memory_space<vmem>> -> memref<32xi32, #tpu.memory_space<vmem>>
    %dma_start3A_580 = arith.constant 0 : i32
    %dma_start3A_581 = arith.constant 0 : i32
    %dma_start3A_582 = tpu.memref_slice %arg14[%dma_start3A_580, %dma_start3A_581] : memref<10000x64xf32, #tpu.memory_space<vmem_shared>> -> memref<10000x64xf32, #tpu.memory_space<vmem_shared>>
    tpu.enqueue_indirect_dma source(%dma_start3A_577 : memref<32x64xf32, #tpu.memory_space<vmem>>) target(%dma_start3A_582 : memref<10000x64xf32, #tpu.memory_space<vmem_shared>>) offsets(%dma_start3A_579 : memref<32xi32, #tpu.memory_space<vmem>>) semaphore(%arg21 : memref<!tpu.dma_semaphore, #tpu.memory_space<semaphore_mem>>) {add = true}
    %dma_wait3A_583 = arith.constant 0 : i32
    %dma_wait3A_584 = arith.constant 0 : i32
    %dma_wait3A_585 = tpu.memref_slice %arg8[%dma_wait3A_583, %dma_wait3A_584] : memref<128x64xf32, #tpu.memory_space<vmem>> -> memref<32x64xf32, #tpu.memory_space<vmem>>
    %dma_wait3A_586 = arith.constant 19968 : i32
    %dma_wait3A_587 = tpu.memref_slice %arg7[%dma_wait3A_586] : memref<20000xi32, #tpu.memory_space<vmem>> -> memref<32xi32, #tpu.memory_space<vmem>>
    %dma_wait3A_588 = arith.constant 0 : i32
    %dma_wait3A_589 = arith.constant 0 : i32
    %dma_wait3A_590 = tpu.memref_slice %arg14[%dma_wait3A_588, %dma_wait3A_589] : memref<10000x64xf32, #tpu.memory_space<vmem_shared>> -> memref<10000x64xf32, #tpu.memory_space<vmem_shared>>
    tpu.wait_indirect_dma semaphore(%arg21 : memref<!tpu.dma_semaphore, #tpu.memory_space<semaphore_mem>>) src(%dma_wait3A_585 : memref<32x64xf32, #tpu.memory_space<vmem>>) dst(%dma_wait3A_590 : memref<10000x64xf32, #tpu.memory_space<vmem_shared>>)
    %barrier3A_591 = arith.constant 0 : index
    tpu.barrier barrier_id(%barrier3A_591)
    %mul3A_592 = arith.constant 64 : i32
    %mul3A_593 = arith.muli %arg0, %mul3A_592 : i32
    "tpu.region"() ({
      %run_scoped3A = tpu.sem_alloc : memref<!tpu.dma_semaphore, #tpu.memory_space<semaphore_mem>>
      %dma_start3A_594 = tpu.memref_slice %arg4[%mul3A_0, %mul3A_593] : memref<10000x128xf32, #tpu.memory_space<hbm>> -> memref<625x64xf32, #tpu.memory_space<hbm>>
      %dma_start3A_595 = arith.constant 0 : i32
      %dma_start3A_596 = tpu.memref_slice %arg14[%mul3A_0, %dma_start3A_595] : memref<10000x64xf32, #tpu.memory_space<vmem_shared>> -> memref<625x64xf32, #tpu.memory_space<vmem_shared>>
      tpu.enqueue_dma source(%dma_start3A_596 : memref<625x64xf32, #tpu.memory_space<vmem_shared>>) target(%dma_start3A_594 : memref<625x64xf32, #tpu.memory_space<hbm>>) target_semaphore(%run_scoped3A : memref<!tpu.dma_semaphore, #tpu.memory_space<semaphore_mem>>)
      %dma_wait3A_597 = tpu.memref_slice %arg4[%mul3A_0, %mul3A_593] : memref<10000x128xf32, #tpu.memory_space<hbm>> -> memref<625x64xf32, #tpu.memory_space<hbm>>
      %dma_wait3A_598 = arith.constant 0 : i32
      %dma_wait3A_599 = tpu.memref_slice %arg14[%mul3A_0, %dma_wait3A_598] : memref<10000x64xf32, #tpu.memory_space<vmem_shared>> -> memref<625x64xf32, #tpu.memory_space<vmem_shared>>
      tpu.wait_dma2 semaphore(%run_scoped3A : memref<!tpu.dma_semaphore, #tpu.memory_space<semaphore_mem>>) src(%dma_wait3A_599 : memref<625x64xf32, #tpu.memory_space<vmem_shared>>) dst(%dma_wait3A_597 : memref<625x64xf32, #tpu.memory_space<hbm>>)
      tpu.yield
    }) : () -> ()
    return
  }
}

#map = affine_map<(d0, d1) -> (0, 0)>
#map1 = affine_map<(d0, d1) -> (0, 0, 0)>
module attributes {stable_mosaic.version = 14 : i64} {
  func.func @scatter_k(%arg0: i32, %arg1: i32, %arg2: memref<10000x128xf32, #tpu.memory_space<hbm>>, %arg3: memref<2x320000xi32, #tpu.memory_space<hbm>>, %arg4: memref<10000x128xf32, #tpu.memory_space<hbm>>, %arg5: memref<2x10000x64xf32, #tpu.memory_space<hbm>>, %arg6: memref<20000xi32, #tpu.memory_space<vmem>>, %arg7: memref<20000xi32, #tpu.memory_space<vmem>>, %arg8: memref<128x64xf32, #tpu.memory_space<vmem>>, %arg9: memref<128x64xf32, #tpu.memory_space<vmem>>, %arg10: memref<128x64xf32, #tpu.memory_space<vmem>>, %arg11: memref<128x64xf32, #tpu.memory_space<vmem>>, %arg12: memref<128x64xf32, #tpu.memory_space<vmem>>, %arg13: memref<128x64xf32, #tpu.memory_space<vmem>>, %arg14: memref<10000x64xf32, #tpu.memory_space<vmem_shared>>, %arg15: memref<!tpu.dma_semaphore, #tpu.memory_space<semaphore_mem>>, %arg16: memref<!tpu.dma_semaphore, #tpu.memory_space<semaphore_mem>>, %arg17: memref<!tpu.dma_semaphore, #tpu.memory_space<semaphore_mem>>, %arg18: memref<!tpu.dma_semaphore, #tpu.memory_space<semaphore_mem>>, %arg19: memref<!tpu.dma_semaphore, #tpu.memory_space<semaphore_mem>>, %arg20: memref<!tpu.dma_semaphore, #tpu.memory_space<semaphore_mem>>, %arg21: memref<!tpu.dma_semaphore, #tpu.memory_space<semaphore_mem>>, %arg22: memref<!tpu.dma_semaphore, #tpu.memory_space<semaphore_mem>>, %arg23: memref<!tpu.dma_semaphore, #tpu.memory_space<semaphore_mem>>, %arg24: memref<!tpu.dma_semaphore, #tpu.memory_space<semaphore_mem>>, %arg25: memref<!tpu.dma_semaphore, #tpu.memory_space<semaphore_mem>>, %arg26: memref<!tpu.dma_semaphore, #tpu.memory_space<semaphore_mem>>) attributes {dimension_semantics = [#tpu.dimension_semantics<core_parallel>, #tpu.dimension_semantics<subcore_parallel>], iteration_bounds = array<i64: 2, 16>, scalar_prefetch = 0 : i64, scratch_operands = 21 : i64, tpu.core_type = #tpu.core_type<sc_vector_subcore>, window_params = [{transform_indices = #map}, {transform_indices = #map}, {transform_indices = #map}, {transform_indices = #map1}]} {
    %mul3A = arith.constant 625 : i32
    %mul3A_0 = arith.muli %arg1, %mul3A : i32
    %mul3A_1 = arith.constant 20000 : i32
    %mul3A_2 = arith.muli %arg1, %mul3A_1 : i32
    %dma_start3A = arith.constant 0 : i32
    %dma_start3A_3 = tpu.memref_slice %arg3[%dma_start3A, %mul3A_2] : memref<2x320000xi32, #tpu.memory_space<hbm>> -> memref<1x20000xi32, #tpu.memory_space<hbm>>
    %dma_start3A_4 = tpu.memref_squeeze %dma_start3A_3 : memref<1x20000xi32, #tpu.memory_space<hbm>> -> memref<20000xi32, #tpu.memory_space<hbm>>
    %dma_start3A_5 = tpu.memref_slice %arg3[%dma_start3A, %mul3A_2] : memref<2x320000xi32, #tpu.memory_space<hbm>> -> memref<1x20000xi32, #tpu.memory_space<hbm>>
    %dma_start3A_6 = tpu.memref_squeeze %dma_start3A_5 : memref<1x20000xi32, #tpu.memory_space<hbm>> -> memref<20000xi32, #tpu.memory_space<hbm>>
    tpu.enqueue_dma source(%dma_start3A_6 : memref<20000xi32, #tpu.memory_space<hbm>>) target(%arg6 : memref<20000xi32, #tpu.memory_space<vmem>>) target_semaphore(%arg15 : memref<!tpu.dma_semaphore, #tpu.memory_space<semaphore_mem>>)
    %mul3A_7 = arith.constant 20000 : i32
    %mul3A_8 = arith.muli %arg1, %mul3A_7 : i32
    %dma_start3A_9 = arith.constant 1 : i32
    %dma_start3A_10 = tpu.memref_slice %arg3[%dma_start3A_9, %mul3A_8] : memref<2x320000xi32, #tpu.memory_space<hbm>> -> memref<1x20000xi32, #tpu.memory_space<hbm>>
    %dma_start3A_11 = tpu.memref_squeeze %dma_start3A_10 : memref<1x20000xi32, #tpu.memory_space<hbm>> -> memref<20000xi32, #tpu.memory_space<hbm>>
    %dma_start3A_12 = tpu.memref_slice %arg3[%dma_start3A_9, %mul3A_8] : memref<2x320000xi32, #tpu.memory_space<hbm>> -> memref<1x20000xi32, #tpu.memory_space<hbm>>
    %dma_start3A_13 = tpu.memref_squeeze %dma_start3A_12 : memref<1x20000xi32, #tpu.memory_space<hbm>> -> memref<20000xi32, #tpu.memory_space<hbm>>
    tpu.enqueue_dma source(%dma_start3A_13 : memref<20000xi32, #tpu.memory_space<hbm>>) target(%arg7 : memref<20000xi32, #tpu.memory_space<vmem>>) target_semaphore(%arg16 : memref<!tpu.dma_semaphore, #tpu.memory_space<semaphore_mem>>)
    %scan3A = arith.constant 0 : i32
    %scan3A_14 = arith.constant 128 : i32
    %scan3A_15 = arith.addi %scan3A, %scan3A_14 : i32
    %scan3A_16 = arith.constant 1 : i32
    scf.for %scan3A_594 = %scan3A to %scan3A_15 step %scan3A_16  : i32 {
      %mul3A_595 = arith.constant 1 : i32
      %mul3A_596 = arith.muli %scan3A_594, %mul3A_595 : i32
      %add3A_597 = arith.constant 0 : i32
      %add3A_598 = arith.addi %add3A_597, %mul3A_596 : i32
      %scan3A_599 = arith.constant 0 : i32
      %scan3A_600 = arith.constant 4 : i32
      %scan3A_601 = arith.addi %scan3A_599, %scan3A_600 : i32
      %scan3A_602 = arith.constant 1 : i32
      scf.for %scan3A_604 = %scan3A_599 to %scan3A_601 step %scan3A_602  : i32 {
        %mul3A_605 = arith.constant 1 : i32
        %mul3A_606 = arith.muli %scan3A_604, %mul3A_605 : i32
        %add3A_607 = arith.constant 0 : i32
        %add3A_608 = arith.addi %add3A_607, %mul3A_606 : i32
        %broadcast_in_dim3A = arith.constant 0.000000e+00 : f32
        %broadcast_in_dim3A_609 = vector.broadcast %broadcast_in_dim3A : f32 to vector<16xf32>
        %mul3A_610 = arith.constant 16 : i32
        %mul3A_611 = arith.muli %add3A_608, %mul3A_610 : i32
        %swap3A = arith.index_cast %add3A_598 : i32 to index
        %swap3A_612 = arith.index_cast %mul3A_611 : i32 to index
        %swap3A_613 = tpu.vector_load %arg9[%swap3A, %swap3A_612] {strides = array<i32>} : memref<128x64xf32, #tpu.memory_space<vmem>>, vector<1x16xf32>,
        %swap3A_614 = vector.shape_cast %swap3A_613 : vector<1x16xf32> to vector<16xf32>
        %swap3A_615 = vector.shape_cast %broadcast_in_dim3A_609 : vector<16xf32> to vector<1x16xf32>
        tpu.vector_store %arg9[%swap3A, %swap3A_612], %swap3A_615 {strides = array<i32>} : memref<128x64xf32, #tpu.memory_space<vmem>>, vector<1x16xf32>,
      }
      %scan3A_603 = arith.constant 4 : i32
    }
    %scan3A_17 = arith.constant 128 : i32
    %add3A = arith.constant 0 : i32
    %add3A_18 = arith.addi %mul3A_0, %add3A : i32
    %dma_start3A_19 = arith.constant 0 : i32
    %dma_start3A_20 = tpu.memref_slice %arg14[%add3A_18, %dma_start3A_19] : memref<10000x64xf32, #tpu.memory_space<vmem_shared>> -> memref<128x64xf32, #tpu.memory_space<vmem_shared>>
    %dma_start3A_21 = arith.constant 0 : i32
    %dma_start3A_22 = tpu.memref_slice %arg14[%add3A_18, %dma_start3A_21] : memref<10000x64xf32, #tpu.memory_space<vmem_shared>> -> memref<128x64xf32, #tpu.memory_space<vmem_shared>>
    tpu.enqueue_dma source(%arg9 : memref<128x64xf32, #tpu.memory_space<vmem>>) target(%dma_start3A_22 : memref<128x64xf32, #tpu.memory_space<vmem_shared>>) target_semaphore(%arg22 : memref<!tpu.dma_semaphore, #tpu.memory_space<semaphore_mem>>)
    %add3A_23 = arith.constant 0 : i32
    %add3A_24 = arith.addi %mul3A_0, %add3A_23 : i32
    %mul3A_25 = arith.constant 64 : i32
    %mul3A_26 = arith.muli %arg0, %mul3A_25 : i32
    %dma_start3A_27 = arith.constant 0 : i32
    %dma_start3A_28 = arith.constant 0 : i32
    %dma_start3A_29 = tpu.memref_slice %arg8[%dma_start3A_27, %dma_start3A_28] : memref<128x64xf32, #tpu.memory_space<vmem>> -> memref<128x64xf32, #tpu.memory_space<vmem>>
    %dma_start3A_30 = tpu.memref_slice %arg2[%add3A_24, %mul3A_26] : memref<10000x128xf32, #tpu.memory_space<hbm>> -> memref<128x64xf32, #tpu.memory_space<hbm>>
    %dma_start3A_31 = arith.constant 0 : i32
    %dma_start3A_32 = arith.constant 0 : i32
    %dma_start3A_33 = tpu.memref_slice %arg8[%dma_start3A_31, %dma_start3A_32] : memref<128x64xf32, #tpu.memory_space<vmem>> -> memref<128x64xf32, #tpu.memory_space<vmem>>
    %dma_start3A_34 = tpu.memref_slice %arg2[%add3A_24, %mul3A_26] : memref<10000x128xf32, #tpu.memory_space<hbm>> -> memref<128x64xf32, #tpu.memory_space<hbm>>
    tpu.enqueue_dma source(%dma_start3A_34 : memref<128x64xf32, #tpu.memory_space<hbm>>) target(%dma_start3A_33 : memref<128x64xf32, #tpu.memory_space<vmem>>) target_semaphore(%arg17 : memref<!tpu.dma_semaphore, #tpu.memory_space<semaphore_mem>>)
    %add3A_35 = arith.constant 128 : i32
    %add3A_36 = arith.addi %mul3A_0, %add3A_35 : i32
    %mul3A_37 = arith.constant 64 : i32
    %mul3A_38 = arith.muli %arg0, %mul3A_37 : i32
    %dma_start3A_39 = arith.constant 0 : i32
    %dma_start3A_40 = arith.constant 0 : i32
    %dma_start3A_41 = tpu.memref_slice %arg10[%dma_start3A_39, %dma_start3A_40] : memref<128x64xf32, #tpu.memory_space<vmem>> -> memref<128x64xf32, #tpu.memory_space<vmem>>
    %dma_start3A_42 = tpu.memref_slice %arg2[%add3A_36, %mul3A_38] : memref<10000x128xf32, #tpu.memory_space<hbm>> -> memref<128x64xf32, #tpu.memory_space<hbm>>
    %dma_start3A_43 = arith.constant 0 : i32
    %dma_start3A_44 = arith.constant 0 : i32
    %dma_start3A_45 = tpu.memref_slice %arg10[%dma_start3A_43, %dma_start3A_44] : memref<128x64xf32, #tpu.memory_space<vmem>> -> memref<128x64xf32, #tpu.memory_space<vmem>>
    %dma_start3A_46 = tpu.memref_slice %arg2[%add3A_36, %mul3A_38] : memref<10000x128xf32, #tpu.memory_space<hbm>> -> memref<128x64xf32, #tpu.memory_space<hbm>>
    tpu.enqueue_dma source(%dma_start3A_46 : memref<128x64xf32, #tpu.memory_space<hbm>>) target(%dma_start3A_45 : memref<128x64xf32, #tpu.memory_space<vmem>>) target_semaphore(%arg18 : memref<!tpu.dma_semaphore, #tpu.memory_space<semaphore_mem>>)
    %dma_wait3A = arith.constant 0 : i32
    %dma_wait3A_47 = arith.constant 0 : i32
    %dma_wait3A_48 = tpu.memref_slice %arg8[%dma_wait3A, %dma_wait3A_47] : memref<128x64xf32, #tpu.memory_space<vmem>> -> memref<128x64xf32, #tpu.memory_space<vmem>>
    %dma_wait3A_49 = tpu.memref_slice %arg2[%add3A_24, %mul3A_26] : memref<10000x128xf32, #tpu.memory_space<hbm>> -> memref<128x64xf32, #tpu.memory_space<hbm>>
    %dma_wait3A_50 = arith.constant 0 : i32
    %dma_wait3A_51 = arith.constant 0 : i32
    %dma_wait3A_52 = tpu.memref_slice %arg8[%dma_wait3A_50, %dma_wait3A_51] : memref<128x64xf32, #tpu.memory_space<vmem>> -> memref<128x64xf32, #tpu.memory_space<vmem>>
    %dma_wait3A_53 = tpu.memref_slice %arg2[%add3A_24, %mul3A_26] : memref<10000x128xf32, #tpu.memory_space<hbm>> -> memref<128x64xf32, #tpu.memory_space<hbm>>
    tpu.wait_dma2 semaphore(%arg17 : memref<!tpu.dma_semaphore, #tpu.memory_space<semaphore_mem>>) src(%dma_wait3A_53 : memref<128x64xf32, #tpu.memory_space<hbm>>) dst(%dma_wait3A_52 : memref<128x64xf32, #tpu.memory_space<vmem>>)
    %add3A_54 = arith.constant 0 : i32
    %add3A_55 = arith.addi %mul3A_0, %add3A_54 : i32
    %dma_start3A_56 = arith.constant 0 : i32
    %dma_start3A_57 = arith.constant 0 : i32
    %dma_start3A_58 = tpu.memref_slice %arg8[%dma_start3A_56, %dma_start3A_57] : memref<128x64xf32, #tpu.memory_space<vmem>> -> memref<128x64xf32, #tpu.memory_space<vmem>>
    %dma_start3A_59 = arith.constant 0 : i32
    %dma_start3A_60 = arith.constant 0 : i32
    %dma_start3A_61 = tpu.memref_slice %arg5[%arg0, %dma_start3A_59, %dma_start3A_60] : memref<2x10000x64xf32, #tpu.memory_space<hbm>> -> memref<1x10000x64xf32, #tpu.memory_space<hbm>>
    %dma_start3A_62 = tpu.memref_squeeze %dma_start3A_61 : memref<1x10000x64xf32, #tpu.memory_space<hbm>> -> memref<10000x64xf32, #tpu.memory_space<hbm>>
    %dma_start3A_63 = arith.constant 0 : i32
    %dma_start3A_64 = tpu.memref_slice %dma_start3A_62[%add3A_55, %dma_start3A_63] : memref<10000x64xf32, #tpu.memory_space<hbm>> -> memref<128x64xf32, #tpu.memory_space<hbm>>
    %dma_start3A_65 = arith.constant 0 : i32
    %dma_start3A_66 = arith.constant 0 : i32
    %dma_start3A_67 = tpu.memref_slice %arg5[%arg0, %dma_start3A_65, %dma_start3A_66] : memref<2x10000x64xf32, #tpu.memory_space<hbm>> -> memref<1x10000x64xf32, #tpu.memory_space<hbm>>
    %dma_start3A_68 = tpu.memref_squeeze %dma_start3A_67 : memref<1x10000x64xf32, #tpu.memory_space<hbm>> -> memref<10000x64xf32, #tpu.memory_space<hbm>>
    %dma_start3A_69 = arith.constant 0 : i32
    %dma_start3A_70 = tpu.memref_slice %dma_start3A_68[%add3A_55, %dma_start3A_69] : memref<10000x64xf32, #tpu.memory_space<hbm>> -> memref<128x64xf32, #tpu.memory_space<hbm>>
    %dma_start3A_71 = arith.constant 0 : i32
    %dma_start3A_72 = arith.constant 0 : i32
    %dma_start3A_73 = tpu.memref_slice %arg8[%dma_start3A_71, %dma_start3A_72] : memref<128x64xf32, #tpu.memory_space<vmem>> -> memref<128x64xf32, #tpu.memory_space<vmem>>
    tpu.enqueue_dma source(%dma_start3A_73 : memref<128x64xf32, #tpu.memory_space<vmem>>) target(%dma_start3A_70 : memref<128x64xf32, #tpu.memory_space<hbm>>) target_semaphore(%arg21 : memref<!tpu.dma_semaphore, #tpu.memory_space<semaphore_mem>>)
    %dma_wait3A_74 = arith.constant 0 : i32
    %dma_wait3A_75 = arith.constant 0 : i32
    %dma_wait3A_76 = tpu.memref_slice %arg10[%dma_wait3A_74, %dma_wait3A_75] : memref<128x64xf32, #tpu.memory_space<vmem>> -> memref<128x64xf32, #tpu.memory_space<vmem>>
    %dma_wait3A_77 = tpu.memref_slice %arg2[%add3A_36, %mul3A_38] : memref<10000x128xf32, #tpu.memory_space<hbm>> -> memref<128x64xf32, #tpu.memory_space<hbm>>
    %dma_wait3A_78 = arith.constant 0 : i32
    %dma_wait3A_79 = arith.constant 0 : i32
    %dma_wait3A_80 = tpu.memref_slice %arg10[%dma_wait3A_78, %dma_wait3A_79] : memref<128x64xf32, #tpu.memory_space<vmem>> -> memref<128x64xf32, #tpu.memory_space<vmem>>
    %dma_wait3A_81 = tpu.memref_slice %arg2[%add3A_36, %mul3A_38] : memref<10000x128xf32, #tpu.memory_space<hbm>> -> memref<128x64xf32, #tpu.memory_space<hbm>>
    tpu.wait_dma2 semaphore(%arg18 : memref<!tpu.dma_semaphore, #tpu.memory_space<semaphore_mem>>) src(%dma_wait3A_81 : memref<128x64xf32, #tpu.memory_space<hbm>>) dst(%dma_wait3A_80 : memref<128x64xf32, #tpu.memory_space<vmem>>)
    %add3A_82 = arith.constant 128 : i32
    %add3A_83 = arith.addi %mul3A_0, %add3A_82 : i32
    %dma_start3A_84 = arith.constant 0 : i32
    %dma_start3A_85 = arith.constant 0 : i32
    %dma_start3A_86 = tpu.memref_slice %arg10[%dma_start3A_84, %dma_start3A_85] : memref<128x64xf32, #tpu.memory_space<vmem>> -> memref<128x64xf32, #tpu.memory_space<vmem>>
    %dma_start3A_87 = arith.constant 0 : i32
    %dma_start3A_88 = arith.constant 0 : i32
    %dma_start3A_89 = tpu.memref_slice %arg5[%arg0, %dma_start3A_87, %dma_start3A_88] : memref<2x10000x64xf32, #tpu.memory_space<hbm>> -> memref<1x10000x64xf32, #tpu.memory_space<hbm>>
    %dma_start3A_90 = tpu.memref_squeeze %dma_start3A_89 : memref<1x10000x64xf32, #tpu.memory_space<hbm>> -> memref<10000x64xf32, #tpu.memory_space<hbm>>
    %dma_start3A_91 = arith.constant 0 : i32
    %dma_start3A_92 = tpu.memref_slice %dma_start3A_90[%add3A_83, %dma_start3A_91] : memref<10000x64xf32, #tpu.memory_space<hbm>> -> memref<128x64xf32, #tpu.memory_space<hbm>>
    %dma_start3A_93 = arith.constant 0 : i32
    %dma_start3A_94 = arith.constant 0 : i32
    %dma_start3A_95 = tpu.memref_slice %arg5[%arg0, %dma_start3A_93, %dma_start3A_94] : memref<2x10000x64xf32, #tpu.memory_space<hbm>> -> memref<1x10000x64xf32, #tpu.memory_space<hbm>>
    %dma_start3A_96 = tpu.memref_squeeze %dma_start3A_95 : memref<1x10000x64xf32, #tpu.memory_space<hbm>> -> memref<10000x64xf32, #tpu.memory_space<hbm>>
    %dma_start3A_97 = arith.constant 0 : i32
    %dma_start3A_98 = tpu.memref_slice %dma_start3A_96[%add3A_83, %dma_start3A_97] : memref<10000x64xf32, #tpu.memory_space<hbm>> -> memref<128x64xf32, #tpu.memory_space<hbm>>
    %dma_start3A_99 = arith.constant 0 : i32
    %dma_start3A_100 = arith.constant 0 : i32
    %dma_start3A_101 = tpu.memref_slice %arg10[%dma_start3A_99, %dma_start3A_100] : memref<128x64xf32, #tpu.memory_space<vmem>> -> memref<128x64xf32, #tpu.memory_space<vmem>>
    tpu.enqueue_dma source(%dma_start3A_101 : memref<128x64xf32, #tpu.memory_space<vmem>>) target(%dma_start3A_98 : memref<128x64xf32, #tpu.memory_space<hbm>>) target_semaphore(%arg23 : memref<!tpu.dma_semaphore, #tpu.memory_space<semaphore_mem>>)
    %dma_wait3A_102 = arith.constant 0 : i32
    %dma_wait3A_103 = tpu.memref_slice %arg14[%add3A_18, %dma_wait3A_102] : memref<10000x64xf32, #tpu.memory_space<vmem_shared>> -> memref<128x64xf32, #tpu.memory_space<vmem_shared>>
    %dma_wait3A_104 = arith.constant 0 : i32
    %dma_wait3A_105 = tpu.memref_slice %arg14[%add3A_18, %dma_wait3A_104] : memref<10000x64xf32, #tpu.memory_space<vmem_shared>> -> memref<128x64xf32, #tpu.memory_space<vmem_shared>>
    tpu.wait_dma2 semaphore(%arg22 : memref<!tpu.dma_semaphore, #tpu.memory_space<semaphore_mem>>) src(%arg9 : memref<128x64xf32, #tpu.memory_space<vmem>>) dst(%dma_wait3A_105 : memref<128x64xf32, #tpu.memory_space<vmem_shared>>)
    %add3A_106 = arith.constant 128 : i32
    %add3A_107 = arith.addi %mul3A_0, %add3A_106 : i32
    %dma_start3A_108 = arith.constant 0 : i32
    %dma_start3A_109 = tpu.memref_slice %arg14[%add3A_107, %dma_start3A_108] : memref<10000x64xf32, #tpu.memory_space<vmem_shared>> -> memref<128x64xf32, #tpu.memory_space<vmem_shared>>
    %dma_start3A_110 = arith.constant 0 : i32
    %dma_start3A_111 = tpu.memref_slice %arg14[%add3A_107, %dma_start3A_110] : memref<10000x64xf32, #tpu.memory_space<vmem_shared>> -> memref<128x64xf32, #tpu.memory_space<vmem_shared>>
    tpu.enqueue_dma source(%arg9 : memref<128x64xf32, #tpu.memory_space<vmem>>) target(%dma_start3A_111 : memref<128x64xf32, #tpu.memory_space<vmem_shared>>) target_semaphore(%arg22 : memref<!tpu.dma_semaphore, #tpu.memory_space<semaphore_mem>>)
    %dma_wait3A_112 = arith.constant 0 : i32
    %dma_wait3A_113 = arith.constant 0 : i32
    %dma_wait3A_114 = tpu.memref_slice %arg8[%dma_wait3A_112, %dma_wait3A_113] : memref<128x64xf32, #tpu.memory_space<vmem>> -> memref<128x64xf32, #tpu.memory_space<vmem>>
    %dma_wait3A_115 = arith.constant 0 : i32
    %dma_wait3A_116 = arith.constant 0 : i32
    %dma_wait3A_117 = tpu.memref_slice %arg5[%arg0, %dma_wait3A_115, %dma_wait3A_116] : memref<2x10000x64xf32, #tpu.memory_space<hbm>> -> memref<1x10000x64xf32, #tpu.memory_space<hbm>>
    %dma_wait3A_118 = tpu.memref_squeeze %dma_wait3A_117 : memref<1x10000x64xf32, #tpu.memory_space<hbm>> -> memref<10000x64xf32, #tpu.memory_space<hbm>>
    %dma_wait3A_119 = arith.constant 0 : i32
    %dma_wait3A_120 = tpu.memref_slice %dma_wait3A_118[%add3A_55, %dma_wait3A_119] : memref<10000x64xf32, #tpu.memory_space<hbm>> -> memref<128x64xf32, #tpu.memory_space<hbm>>
    %dma_wait3A_121 = arith.constant 0 : i32
    %dma_wait3A_122 = arith.constant 0 : i32
    %dma_wait3A_123 = tpu.memref_slice %arg5[%arg0, %dma_wait3A_121, %dma_wait3A_122] : memref<2x10000x64xf32, #tpu.memory_space<hbm>> -> memref<1x10000x64xf32, #tpu.memory_space<hbm>>
    %dma_wait3A_124 = tpu.memref_squeeze %dma_wait3A_123 : memref<1x10000x64xf32, #tpu.memory_space<hbm>> -> memref<10000x64xf32, #tpu.memory_space<hbm>>
    %dma_wait3A_125 = arith.constant 0 : i32
    %dma_wait3A_126 = tpu.memref_slice %dma_wait3A_124[%add3A_55, %dma_wait3A_125] : memref<10000x64xf32, #tpu.memory_space<hbm>> -> memref<128x64xf32, #tpu.memory_space<hbm>>
    %dma_wait3A_127 = arith.constant 0 : i32
    %dma_wait3A_128 = arith.constant 0 : i32
    %dma_wait3A_129 = tpu.memref_slice %arg8[%dma_wait3A_127, %dma_wait3A_128] : memref<128x64xf32, #tpu.memory_space<vmem>> -> memref<128x64xf32, #tpu.memory_space<vmem>>
    tpu.wait_dma2 semaphore(%arg21 : memref<!tpu.dma_semaphore, #tpu.memory_space<semaphore_mem>>) src(%dma_wait3A_129 : memref<128x64xf32, #tpu.memory_space<vmem>>) dst(%dma_wait3A_126 : memref<128x64xf32, #tpu.memory_space<hbm>>)
    %add3A_130 = arith.constant 256 : i32
    %add3A_131 = arith.addi %mul3A_0, %add3A_130 : i32
    %mul3A_132 = arith.constant 64 : i32
    %mul3A_133 = arith.muli %arg0, %mul3A_132 : i32
    %dma_start3A_134 = arith.constant 0 : i32
    %dma_start3A_135 = arith.constant 0 : i32
    %dma_start3A_136 = tpu.memref_slice %arg8[%dma_start3A_134, %dma_start3A_135] : memref<128x64xf32, #tpu.memory_space<vmem>> -> memref<128x64xf32, #tpu.memory_space<vmem>>
    %dma_start3A_137 = tpu.memref_slice %arg2[%add3A_131, %mul3A_133] : memref<10000x128xf32, #tpu.memory_space<hbm>> -> memref<128x64xf32, #tpu.memory_space<hbm>>
    %dma_start3A_138 = arith.constant 0 : i32
    %dma_start3A_139 = arith.constant 0 : i32
    %dma_start3A_140 = tpu.memref_slice %arg8[%dma_start3A_138, %dma_start3A_139] : memref<128x64xf32, #tpu.memory_space<vmem>> -> memref<128x64xf32, #tpu.memory_space<vmem>>
    %dma_start3A_141 = tpu.memref_slice %arg2[%add3A_131, %mul3A_133] : memref<10000x128xf32, #tpu.memory_space<hbm>> -> memref<128x64xf32, #tpu.memory_space<hbm>>
    tpu.enqueue_dma source(%dma_start3A_141 : memref<128x64xf32, #tpu.memory_space<hbm>>) target(%dma_start3A_140 : memref<128x64xf32, #tpu.memory_space<vmem>>) target_semaphore(%arg17 : memref<!tpu.dma_semaphore, #tpu.memory_space<semaphore_mem>>)
    %dma_wait3A_142 = arith.constant 0 : i32
    %dma_wait3A_143 = arith.constant 0 : i32
    %dma_wait3A_144 = tpu.memref_slice %arg10[%dma_wait3A_142, %dma_wait3A_143] : memref<128x64xf32, #tpu.memory_space<vmem>> -> memref<128x64xf32, #tpu.memory_space<vmem>>
    %dma_wait3A_145 = arith.constant 0 : i32
    %dma_wait3A_146 = arith.constant 0 : i32
    %dma_wait3A_147 = tpu.memref_slice %arg5[%arg0, %dma_wait3A_145, %dma_wait3A_146] : memref<2x10000x64xf32, #tpu.memory_space<hbm>> -> memref<1x10000x64xf32, #tpu.memory_space<hbm>>
    %dma_wait3A_148 = tpu.memref_squeeze %dma_wait3A_147 : memref<1x10000x64xf32, #tpu.memory_space<hbm>> -> memref<10000x64xf32, #tpu.memory_space<hbm>>
    %dma_wait3A_149 = arith.constant 0 : i32
    %dma_wait3A_150 = tpu.memref_slice %dma_wait3A_148[%add3A_83, %dma_wait3A_149] : memref<10000x64xf32, #tpu.memory_space<hbm>> -> memref<128x64xf32, #tpu.memory_space<hbm>>
    %dma_wait3A_151 = arith.constant 0 : i32
    %dma_wait3A_152 = arith.constant 0 : i32
    %dma_wait3A_153 = tpu.memref_slice %arg5[%arg0, %dma_wait3A_151, %dma_wait3A_152] : memref<2x10000x64xf32, #tpu.memory_space<hbm>> -> memref<1x10000x64xf32, #tpu.memory_space<hbm>>
    %dma_wait3A_154 = tpu.memref_squeeze %dma_wait3A_153 : memref<1x10000x64xf32, #tpu.memory_space<hbm>> -> memref<10000x64xf32, #tpu.memory_space<hbm>>
    %dma_wait3A_155 = arith.constant 0 : i32
    %dma_wait3A_156 = tpu.memref_slice %dma_wait3A_154[%add3A_83, %dma_wait3A_155] : memref<10000x64xf32, #tpu.memory_space<hbm>> -> memref<128x64xf32, #tpu.memory_space<hbm>>
    %dma_wait3A_157 = arith.constant 0 : i32
    %dma_wait3A_158 = arith.constant 0 : i32
    %dma_wait3A_159 = tpu.memref_slice %arg10[%dma_wait3A_157, %dma_wait3A_158] : memref<128x64xf32, #tpu.memory_space<vmem>> -> memref<128x64xf32, #tpu.memory_space<vmem>>
    tpu.wait_dma2 semaphore(%arg23 : memref<!tpu.dma_semaphore, #tpu.memory_space<semaphore_mem>>) src(%dma_wait3A_159 : memref<128x64xf32, #tpu.memory_space<vmem>>) dst(%dma_wait3A_156 : memref<128x64xf32, #tpu.memory_space<hbm>>)
    %add3A_160 = arith.constant 384 : i32
    %add3A_161 = arith.addi %mul3A_0, %add3A_160 : i32
    %mul3A_162 = arith.constant 64 : i32
    %mul3A_163 = arith.muli %arg0, %mul3A_162 : i32
    %dma_start3A_164 = arith.constant 0 : i32
    %dma_start3A_165 = arith.constant 0 : i32
    %dma_start3A_166 = tpu.memref_slice %arg10[%dma_start3A_164, %dma_start3A_165] : memref<128x64xf32, #tpu.memory_space<vmem>> -> memref<128x64xf32, #tpu.memory_space<vmem>>
    %dma_start3A_167 = tpu.memref_slice %arg2[%add3A_161, %mul3A_163] : memref<10000x128xf32, #tpu.memory_space<hbm>> -> memref<128x64xf32, #tpu.memory_space<hbm>>
    %dma_start3A_168 = arith.constant 0 : i32
    %dma_start3A_169 = arith.constant 0 : i32
    %dma_start3A_170 = tpu.memref_slice %arg10[%dma_start3A_168, %dma_start3A_169] : memref<128x64xf32, #tpu.memory_space<vmem>> -> memref<128x64xf32, #tpu.memory_space<vmem>>
    %dma_start3A_171 = tpu.memref_slice %arg2[%add3A_161, %mul3A_163] : memref<10000x128xf32, #tpu.memory_space<hbm>> -> memref<128x64xf32, #tpu.memory_space<hbm>>
    tpu.enqueue_dma source(%dma_start3A_171 : memref<128x64xf32, #tpu.memory_space<hbm>>) target(%dma_start3A_170 : memref<128x64xf32, #tpu.memory_space<vmem>>) target_semaphore(%arg18 : memref<!tpu.dma_semaphore, #tpu.memory_space<semaphore_mem>>)
    %dma_wait3A_172 = arith.constant 0 : i32
    %dma_wait3A_173 = tpu.memref_slice %arg14[%add3A_107, %dma_wait3A_172] : memref<10000x64xf32, #tpu.memory_space<vmem_shared>> -> memref<128x64xf32, #tpu.memory_space<vmem_shared>>
    %dma_wait3A_174 = arith.constant 0 : i32
    %dma_wait3A_175 = tpu.memref_slice %arg14[%add3A_107, %dma_wait3A_174] : memref<10000x64xf32, #tpu.memory_space<vmem_shared>> -> memref<128x64xf32, #tpu.memory_space<vmem_shared>>
    tpu.wait_dma2 semaphore(%arg22 : memref<!tpu.dma_semaphore, #tpu.memory_space<semaphore_mem>>) src(%arg9 : memref<128x64xf32, #tpu.memory_space<vmem>>) dst(%dma_wait3A_175 : memref<128x64xf32, #tpu.memory_space<vmem_shared>>)
    %add3A_176 = arith.constant 256 : i32
    %add3A_177 = arith.addi %mul3A_0, %add3A_176 : i32
    %dma_start3A_178 = arith.constant 0 : i32
    %dma_start3A_179 = tpu.memref_slice %arg14[%add3A_177, %dma_start3A_178] : memref<10000x64xf32, #tpu.memory_space<vmem_shared>> -> memref<128x64xf32, #tpu.memory_space<vmem_shared>>
    %dma_start3A_180 = arith.constant 0 : i32
    %dma_start3A_181 = tpu.memref_slice %arg14[%add3A_177, %dma_start3A_180] : memref<10000x64xf32, #tpu.memory_space<vmem_shared>> -> memref<128x64xf32, #tpu.memory_space<vmem_shared>>
    tpu.enqueue_dma source(%arg9 : memref<128x64xf32, #tpu.memory_space<vmem>>) target(%dma_start3A_181 : memref<128x64xf32, #tpu.memory_space<vmem_shared>>) target_semaphore(%arg22 : memref<!tpu.dma_semaphore, #tpu.memory_space<semaphore_mem>>)
    %dma_wait3A_182 = arith.constant 0 : i32
    %dma_wait3A_183 = arith.constant 0 : i32
    %dma_wait3A_184 = tpu.memref_slice %arg8[%dma_wait3A_182, %dma_wait3A_183] : memref<128x64xf32, #tpu.memory_space<vmem>> -> memref<128x64xf32, #tpu.memory_space<vmem>>
    %dma_wait3A_185 = tpu.memref_slice %arg2[%add3A_131, %mul3A_133] : memref<10000x128xf32, #tpu.memory_space<hbm>> -> memref<128x64xf32, #tpu.memory_space<hbm>>
    %dma_wait3A_186 = arith.constant 0 : i32
    %dma_wait3A_187 = arith.constant 0 : i32
    %dma_wait3A_188 = tpu.memref_slice %arg8[%dma_wait3A_186, %dma_wait3A_187] : memref<128x64xf32, #tpu.memory_space<vmem>> -> memref<128x64xf32, #tpu.memory_space<vmem>>
    %dma_wait3A_189 = tpu.memref_slice %arg2[%add3A_131, %mul3A_133] : memref<10000x128xf32, #tpu.memory_space<hbm>> -> memref<128x64xf32, #tpu.memory_space<hbm>>
    tpu.wait_dma2 semaphore(%arg17 : memref<!tpu.dma_semaphore, #tpu.memory_space<semaphore_mem>>) src(%dma_wait3A_189 : memref<128x64xf32, #tpu.memory_space<hbm>>) dst(%dma_wait3A_188 : memref<128x64xf32, #tpu.memory_space<vmem>>)
    %add3A_190 = arith.constant 256 : i32
    %add3A_191 = arith.addi %mul3A_0, %add3A_190 : i32
    %dma_start3A_192 = arith.constant 0 : i32
    %dma_start3A_193 = arith.constant 0 : i32
    %dma_start3A_194 = tpu.memref_slice %arg8[%dma_start3A_192, %dma_start3A_193] : memref<128x64xf32, #tpu.memory_space<vmem>> -> memref<128x64xf32, #tpu.memory_space<vmem>>
    %dma_start3A_195 = arith.constant 0 : i32
    %dma_start3A_196 = arith.constant 0 : i32
    %dma_start3A_197 = tpu.memref_slice %arg5[%arg0, %dma_start3A_195, %dma_start3A_196] : memref<2x10000x64xf32, #tpu.memory_space<hbm>> -> memref<1x10000x64xf32, #tpu.memory_space<hbm>>
    %dma_start3A_198 = tpu.memref_squeeze %dma_start3A_197 : memref<1x10000x64xf32, #tpu.memory_space<hbm>> -> memref<10000x64xf32, #tpu.memory_space<hbm>>
    %dma_start3A_199 = arith.constant 0 : i32
    %dma_start3A_200 = tpu.memref_slice %dma_start3A_198[%add3A_191, %dma_start3A_199] : memref<10000x64xf32, #tpu.memory_space<hbm>> -> memref<128x64xf32, #tpu.memory_space<hbm>>
    %dma_start3A_201 = arith.constant 0 : i32
    %dma_start3A_202 = arith.constant 0 : i32
    %dma_start3A_203 = tpu.memref_slice %arg5[%arg0, %dma_start3A_201, %dma_start3A_202] : memref<2x10000x64xf32, #tpu.memory_space<hbm>> -> memref<1x10000x64xf32, #tpu.memory_space<hbm>>
    %dma_start3A_204 = tpu.memref_squeeze %dma_start3A_203 : memref<1x10000x64xf32, #tpu.memory_space<hbm>> -> memref<10000x64xf32, #tpu.memory_space<hbm>>
    %dma_start3A_205 = arith.constant 0 : i32
    %dma_start3A_206 = tpu.memref_slice %dma_start3A_204[%add3A_191, %dma_start3A_205] : memref<10000x64xf32, #tpu.memory_space<hbm>> -> memref<128x64xf32, #tpu.memory_space<hbm>>
    %dma_start3A_207 = arith.constant 0 : i32
    %dma_start3A_208 = arith.constant 0 : i32
    %dma_start3A_209 = tpu.memref_slice %arg8[%dma_start3A_207, %dma_start3A_208] : memref<128x64xf32, #tpu.memory_space<vmem>> -> memref<128x64xf32, #tpu.memory_space<vmem>>
    tpu.enqueue_dma source(%dma_start3A_209 : memref<128x64xf32, #tpu.memory_space<vmem>>) target(%dma_start3A_206 : memref<128x64xf32, #tpu.memory_space<hbm>>) target_semaphore(%arg21 : memref<!tpu.dma_semaphore, #tpu.memory_space<semaphore_mem>>)
    %dma_wait3A_210 = arith.constant 0 : i32
    %dma_wait3A_211 = arith.constant 0 : i32
    %dma_wait3A_212 = tpu.memref_slice %arg10[%dma_wait3A_210, %dma_wait3A_211] : memref<128x64xf32, #tpu.memory_space<vmem>> -> memref<128x64xf32, #tpu.memory_space<vmem>>
    %dma_wait3A_213 = tpu.memref_slice %arg2[%add3A_161, %mul3A_163] : memref<10000x128xf32, #tpu.memory_space<hbm>> -> memref<128x64xf32, #tpu.memory_space<hbm>>
    %dma_wait3A_214 = arith.constant 0 : i32
    %dma_wait3A_215 = arith.constant 0 : i32
    %dma_wait3A_216 = tpu.memref_slice %arg10[%dma_wait3A_214, %dma_wait3A_215] : memref<128x64xf32, #tpu.memory_space<vmem>> -> memref<128x64xf32, #tpu.memory_space<vmem>>
    %dma_wait3A_217 = tpu.memref_slice %arg2[%add3A_161, %mul3A_163] : memref<10000x128xf32, #tpu.memory_space<hbm>> -> memref<128x64xf32, #tpu.memory_space<hbm>>
    tpu.wait_dma2 semaphore(%arg18 : memref<!tpu.dma_semaphore, #tpu.memory_space<semaphore_mem>>) src(%dma_wait3A_217 : memref<128x64xf32, #tpu.memory_space<hbm>>) dst(%dma_wait3A_216 : memref<128x64xf32, #tpu.memory_space<vmem>>)
    %add3A_218 = arith.constant 384 : i32
    %add3A_219 = arith.addi %mul3A_0, %add3A_218 : i32
    %dma_start3A_220 = arith.constant 0 : i32
    %dma_start3A_221 = arith.constant 0 : i32
    %dma_start3A_222 = tpu.memref_slice %arg10[%dma_start3A_220, %dma_start3A_221] : memref<128x64xf32, #tpu.memory_space<vmem>> -> memref<128x64xf32, #tpu.memory_space<vmem>>
    %dma_start3A_223 = arith.constant 0 : i32
    %dma_start3A_224 = arith.constant 0 : i32
    %dma_start3A_225 = tpu.memref_slice %arg5[%arg0, %dma_start3A_223, %dma_start3A_224] : memref<2x10000x64xf32, #tpu.memory_space<hbm>> -> memref<1x10000x64xf32, #tpu.memory_space<hbm>>
    %dma_start3A_226 = tpu.memref_squeeze %dma_start3A_225 : memref<1x10000x64xf32, #tpu.memory_space<hbm>> -> memref<10000x64xf32, #tpu.memory_space<hbm>>
    %dma_start3A_227 = arith.constant 0 : i32
    %dma_start3A_228 = tpu.memref_slice %dma_start3A_226[%add3A_219, %dma_start3A_227] : memref<10000x64xf32, #tpu.memory_space<hbm>> -> memref<128x64xf32, #tpu.memory_space<hbm>>
    %dma_start3A_229 = arith.constant 0 : i32
    %dma_start3A_230 = arith.constant 0 : i32
    %dma_start3A_231 = tpu.memref_slice %arg5[%arg0, %dma_start3A_229, %dma_start3A_230] : memref<2x10000x64xf32, #tpu.memory_space<hbm>> -> memref<1x10000x64xf32, #tpu.memory_space<hbm>>
    %dma_start3A_232 = tpu.memref_squeeze %dma_start3A_231 : memref<1x10000x64xf32, #tpu.memory_space<hbm>> -> memref<10000x64xf32, #tpu.memory_space<hbm>>
    %dma_start3A_233 = arith.constant 0 : i32
    %dma_start3A_234 = tpu.memref_slice %dma_start3A_232[%add3A_219, %dma_start3A_233] : memref<10000x64xf32, #tpu.memory_space<hbm>> -> memref<128x64xf32, #tpu.memory_space<hbm>>
    %dma_start3A_235 = arith.constant 0 : i32
    %dma_start3A_236 = arith.constant 0 : i32
    %dma_start3A_237 = tpu.memref_slice %arg10[%dma_start3A_235, %dma_start3A_236] : memref<128x64xf32, #tpu.memory_space<vmem>> -> memref<128x64xf32, #tpu.memory_space<vmem>>
    tpu.enqueue_dma source(%dma_start3A_237 : memref<128x64xf32, #tpu.memory_space<vmem>>) target(%dma_start3A_234 : memref<128x64xf32, #tpu.memory_space<hbm>>) target_semaphore(%arg23 : memref<!tpu.dma_semaphore, #tpu.memory_space<semaphore_mem>>)
    %dma_wait3A_238 = arith.constant 0 : i32
    %dma_wait3A_239 = tpu.memref_slice %arg14[%add3A_177, %dma_wait3A_238] : memref<10000x64xf32, #tpu.memory_space<vmem_shared>> -> memref<128x64xf32, #tpu.memory_space<vmem_shared>>
    %dma_wait3A_240 = arith.constant 0 : i32
    %dma_wait3A_241 = tpu.memref_slice %arg14[%add3A_177, %dma_wait3A_240] : memref<10000x64xf32, #tpu.memory_space<vmem_shared>> -> memref<128x64xf32, #tpu.memory_space<vmem_shared>>
    tpu.wait_dma2 semaphore(%arg22 : memref<!tpu.dma_semaphore, #tpu.memory_space<semaphore_mem>>) src(%arg9 : memref<128x64xf32, #tpu.memory_space<vmem>>) dst(%dma_wait3A_241 : memref<128x64xf32, #tpu.memory_space<vmem_shared>>)
    %add3A_242 = arith.constant 384 : i32
    %add3A_243 = arith.addi %mul3A_0, %add3A_242 : i32
    %dma_start3A_244 = arith.constant 0 : i32
    %dma_start3A_245 = tpu.memref_slice %arg14[%add3A_243, %dma_start3A_244] : memref<10000x64xf32, #tpu.memory_space<vmem_shared>> -> memref<128x64xf32, #tpu.memory_space<vmem_shared>>
    %dma_start3A_246 = arith.constant 0 : i32
    %dma_start3A_247 = tpu.memref_slice %arg14[%add3A_243, %dma_start3A_246] : memref<10000x64xf32, #tpu.memory_space<vmem_shared>> -> memref<128x64xf32, #tpu.memory_space<vmem_shared>>
    tpu.enqueue_dma source(%arg9 : memref<128x64xf32, #tpu.memory_space<vmem>>) target(%dma_start3A_247 : memref<128x64xf32, #tpu.memory_space<vmem_shared>>) target_semaphore(%arg22 : memref<!tpu.dma_semaphore, #tpu.memory_space<semaphore_mem>>)
    %dma_wait3A_248 = arith.constant 0 : i32
    %dma_wait3A_249 = arith.constant 0 : i32
    %dma_wait3A_250 = tpu.memref_slice %arg8[%dma_wait3A_248, %dma_wait3A_249] : memref<128x64xf32, #tpu.memory_space<vmem>> -> memref<128x64xf32, #tpu.memory_space<vmem>>
    %dma_wait3A_251 = arith.constant 0 : i32
    %dma_wait3A_252 = arith.constant 0 : i32
    %dma_wait3A_253 = tpu.memref_slice %arg5[%arg0, %dma_wait3A_251, %dma_wait3A_252] : memref<2x10000x64xf32, #tpu.memory_space<hbm>> -> memref<1x10000x64xf32, #tpu.memory_space<hbm>>
    %dma_wait3A_254 = tpu.memref_squeeze %dma_wait3A_253 : memref<1x10000x64xf32, #tpu.memory_space<hbm>> -> memref<10000x64xf32, #tpu.memory_space<hbm>>
    %dma_wait3A_255 = arith.constant 0 : i32
    %dma_wait3A_256 = tpu.memref_slice %dma_wait3A_254[%add3A_191, %dma_wait3A_255] : memref<10000x64xf32, #tpu.memory_space<hbm>> -> memref<128x64xf32, #tpu.memory_space<hbm>>
    %dma_wait3A_257 = arith.constant 0 : i32
    %dma_wait3A_258 = arith.constant 0 : i32
    %dma_wait3A_259 = tpu.memref_slice %arg5[%arg0, %dma_wait3A_257, %dma_wait3A_258] : memref<2x10000x64xf32, #tpu.memory_space<hbm>> -> memref<1x10000x64xf32, #tpu.memory_space<hbm>>
    %dma_wait3A_260 = tpu.memref_squeeze %dma_wait3A_259 : memref<1x10000x64xf32, #tpu.memory_space<hbm>> -> memref<10000x64xf32, #tpu.memory_space<hbm>>
    %dma_wait3A_261 = arith.constant 0 : i32
    %dma_wait3A_262 = tpu.memref_slice %dma_wait3A_260[%add3A_191, %dma_wait3A_261] : memref<10000x64xf32, #tpu.memory_space<hbm>> -> memref<128x64xf32, #tpu.memory_space<hbm>>
    %dma_wait3A_263 = arith.constant 0 : i32
    %dma_wait3A_264 = arith.constant 0 : i32
    %dma_wait3A_265 = tpu.memref_slice %arg8[%dma_wait3A_263, %dma_wait3A_264] : memref<128x64xf32, #tpu.memory_space<vmem>> -> memref<128x64xf32, #tpu.memory_space<vmem>>
    tpu.wait_dma2 semaphore(%arg21 : memref<!tpu.dma_semaphore, #tpu.memory_space<semaphore_mem>>) src(%dma_wait3A_265 : memref<128x64xf32, #tpu.memory_space<vmem>>) dst(%dma_wait3A_262 : memref<128x64xf32, #tpu.memory_space<hbm>>)
    %add3A_266 = arith.constant 512 : i32
    %add3A_267 = arith.addi %mul3A_0, %add3A_266 : i32
    %mul3A_268 = arith.constant 64 : i32
    %mul3A_269 = arith.muli %arg0, %mul3A_268 : i32
    %dma_start3A_270 = arith.constant 0 : i32
    %dma_start3A_271 = arith.constant 0 : i32
    %dma_start3A_272 = tpu.memref_slice %arg8[%dma_start3A_270, %dma_start3A_271] : memref<128x64xf32, #tpu.memory_space<vmem>> -> memref<113x64xf32, #tpu.memory_space<vmem>>
    %dma_start3A_273 = tpu.memref_slice %arg2[%add3A_267, %mul3A_269] : memref<10000x128xf32, #tpu.memory_space<hbm>> -> memref<113x64xf32, #tpu.memory_space<hbm>>
    %dma_start3A_274 = arith.constant 0 : i32
    %dma_start3A_275 = arith.constant 0 : i32
    %dma_start3A_276 = tpu.memref_slice %arg8[%dma_start3A_274, %dma_start3A_275] : memref<128x64xf32, #tpu.memory_space<vmem>> -> memref<113x64xf32, #tpu.memory_space<vmem>>
    %dma_start3A_277 = tpu.memref_slice %arg2[%add3A_267, %mul3A_269] : memref<10000x128xf32, #tpu.memory_space<hbm>> -> memref<113x64xf32, #tpu.memory_space<hbm>>
    tpu.enqueue_dma source(%dma_start3A_277 : memref<113x64xf32, #tpu.memory_space<hbm>>) target(%dma_start3A_276 : memref<113x64xf32, #tpu.memory_space<vmem>>) target_semaphore(%arg17 : memref<!tpu.dma_semaphore, #tpu.memory_space<semaphore_mem>>)
    %dma_wait3A_278 = arith.constant 0 : i32
    %dma_wait3A_279 = tpu.memref_slice %arg14[%add3A_243, %dma_wait3A_278] : memref<10000x64xf32, #tpu.memory_space<vmem_shared>> -> memref<128x64xf32, #tpu.memory_space<vmem_shared>>
    %dma_wait3A_280 = arith.constant 0 : i32
    %dma_wait3A_281 = tpu.memref_slice %arg14[%add3A_243, %dma_wait3A_280] : memref<10000x64xf32, #tpu.memory_space<vmem_shared>> -> memref<128x64xf32, #tpu.memory_space<vmem_shared>>
    tpu.wait_dma2 semaphore(%arg22 : memref<!tpu.dma_semaphore, #tpu.memory_space<semaphore_mem>>) src(%arg9 : memref<128x64xf32, #tpu.memory_space<vmem>>) dst(%dma_wait3A_281 : memref<128x64xf32, #tpu.memory_space<vmem_shared>>)
    %add3A_282 = arith.constant 512 : i32
    %add3A_283 = arith.addi %mul3A_0, %add3A_282 : i32
    %dma_start3A_284 = arith.constant 0 : i32
    %dma_start3A_285 = arith.constant 0 : i32
    %dma_start3A_286 = tpu.memref_slice %arg9[%dma_start3A_284, %dma_start3A_285] : memref<128x64xf32, #tpu.memory_space<vmem>> -> memref<113x64xf32, #tpu.memory_space<vmem>>
    %dma_start3A_287 = arith.constant 0 : i32
    %dma_start3A_288 = tpu.memref_slice %arg14[%add3A_283, %dma_start3A_287] : memref<10000x64xf32, #tpu.memory_space<vmem_shared>> -> memref<113x64xf32, #tpu.memory_space<vmem_shared>>
    %dma_start3A_289 = arith.constant 0 : i32
    %dma_start3A_290 = tpu.memref_slice %arg14[%add3A_283, %dma_start3A_289] : memref<10000x64xf32, #tpu.memory_space<vmem_shared>> -> memref<113x64xf32, #tpu.memory_space<vmem_shared>>
    %dma_start3A_291 = arith.constant 0 : i32
    %dma_start3A_292 = arith.constant 0 : i32
    %dma_start3A_293 = tpu.memref_slice %arg9[%dma_start3A_291, %dma_start3A_292] : memref<128x64xf32, #tpu.memory_space<vmem>> -> memref<113x64xf32, #tpu.memory_space<vmem>>
    tpu.enqueue_dma source(%dma_start3A_293 : memref<113x64xf32, #tpu.memory_space<vmem>>) target(%dma_start3A_290 : memref<113x64xf32, #tpu.memory_space<vmem_shared>>) target_semaphore(%arg22 : memref<!tpu.dma_semaphore, #tpu.memory_space<semaphore_mem>>)
    %dma_wait3A_294 = arith.constant 0 : i32
    %dma_wait3A_295 = arith.constant 0 : i32
    %dma_wait3A_296 = tpu.memref_slice %arg8[%dma_wait3A_294, %dma_wait3A_295] : memref<128x64xf32, #tpu.memory_space<vmem>> -> memref<113x64xf32, #tpu.memory_space<vmem>>
    %dma_wait3A_297 = tpu.memref_slice %arg2[%add3A_267, %mul3A_269] : memref<10000x128xf32, #tpu.memory_space<hbm>> -> memref<113x64xf32, #tpu.memory_space<hbm>>
    %dma_wait3A_298 = arith.constant 0 : i32
    %dma_wait3A_299 = arith.constant 0 : i32
    %dma_wait3A_300 = tpu.memref_slice %arg8[%dma_wait3A_298, %dma_wait3A_299] : memref<128x64xf32, #tpu.memory_space<vmem>> -> memref<113x64xf32, #tpu.memory_space<vmem>>
    %dma_wait3A_301 = tpu.memref_slice %arg2[%add3A_267, %mul3A_269] : memref<10000x128xf32, #tpu.memory_space<hbm>> -> memref<113x64xf32, #tpu.memory_space<hbm>>
    tpu.wait_dma2 semaphore(%arg17 : memref<!tpu.dma_semaphore, #tpu.memory_space<semaphore_mem>>) src(%dma_wait3A_301 : memref<113x64xf32, #tpu.memory_space<hbm>>) dst(%dma_wait3A_300 : memref<113x64xf32, #tpu.memory_space<vmem>>)
    %dma_wait3A_302 = arith.constant 0 : i32
    %dma_wait3A_303 = arith.constant 0 : i32
    %dma_wait3A_304 = tpu.memref_slice %arg10[%dma_wait3A_302, %dma_wait3A_303] : memref<128x64xf32, #tpu.memory_space<vmem>> -> memref<128x64xf32, #tpu.memory_space<vmem>>
    %dma_wait3A_305 = arith.constant 0 : i32
    %dma_wait3A_306 = arith.constant 0 : i32
    %dma_wait3A_307 = tpu.memref_slice %arg5[%arg0, %dma_wait3A_305, %dma_wait3A_306] : memref<2x10000x64xf32, #tpu.memory_space<hbm>> -> memref<1x10000x64xf32, #tpu.memory_space<hbm>>
    %dma_wait3A_308 = tpu.memref_squeeze %dma_wait3A_307 : memref<1x10000x64xf32, #tpu.memory_space<hbm>> -> memref<10000x64xf32, #tpu.memory_space<hbm>>
    %dma_wait3A_309 = arith.constant 0 : i32
    %dma_wait3A_310 = tpu.memref_slice %dma_wait3A_308[%add3A_219, %dma_wait3A_309] : memref<10000x64xf32, #tpu.memory_space<hbm>> -> memref<128x64xf32, #tpu.memory_space<hbm>>
    %dma_wait3A_311 = arith.constant 0 : i32
    %dma_wait3A_312 = arith.constant 0 : i32
    %dma_wait3A_313 = tpu.memref_slice %arg5[%arg0, %dma_wait3A_311, %dma_wait3A_312] : memref<2x10000x64xf32, #tpu.memory_space<hbm>> -> memref<1x10000x64xf32, #tpu.memory_space<hbm>>
    %dma_wait3A_314 = tpu.memref_squeeze %dma_wait3A_313 : memref<1x10000x64xf32, #tpu.memory_space<hbm>> -> memref<10000x64xf32, #tpu.memory_space<hbm>>
    %dma_wait3A_315 = arith.constant 0 : i32
    %dma_wait3A_316 = tpu.memref_slice %dma_wait3A_314[%add3A_219, %dma_wait3A_315] : memref<10000x64xf32, #tpu.memory_space<hbm>> -> memref<128x64xf32, #tpu.memory_space<hbm>>
    %dma_wait3A_317 = arith.constant 0 : i32
    %dma_wait3A_318 = arith.constant 0 : i32
    %dma_wait3A_319 = tpu.memref_slice %arg10[%dma_wait3A_317, %dma_wait3A_318] : memref<128x64xf32, #tpu.memory_space<vmem>> -> memref<128x64xf32, #tpu.memory_space<vmem>>
    tpu.wait_dma2 semaphore(%arg23 : memref<!tpu.dma_semaphore, #tpu.memory_space<semaphore_mem>>) src(%dma_wait3A_319 : memref<128x64xf32, #tpu.memory_space<vmem>>) dst(%dma_wait3A_316 : memref<128x64xf32, #tpu.memory_space<hbm>>)
    %add3A_320 = arith.constant 512 : i32
    %add3A_321 = arith.addi %mul3A_0, %add3A_320 : i32
    %dma_start3A_322 = arith.constant 0 : i32
    %dma_start3A_323 = arith.constant 0 : i32
    %dma_start3A_324 = tpu.memref_slice %arg8[%dma_start3A_322, %dma_start3A_323] : memref<128x64xf32, #tpu.memory_space<vmem>> -> memref<113x64xf32, #tpu.memory_space<vmem>>
    %dma_start3A_325 = arith.constant 0 : i32
    %dma_start3A_326 = arith.constant 0 : i32
    %dma_start3A_327 = tpu.memref_slice %arg5[%arg0, %dma_start3A_325, %dma_start3A_326] : memref<2x10000x64xf32, #tpu.memory_space<hbm>> -> memref<1x10000x64xf32, #tpu.memory_space<hbm>>
    %dma_start3A_328 = tpu.memref_squeeze %dma_start3A_327 : memref<1x10000x64xf32, #tpu.memory_space<hbm>> -> memref<10000x64xf32, #tpu.memory_space<hbm>>
    %dma_start3A_329 = arith.constant 0 : i32
    %dma_start3A_330 = tpu.memref_slice %dma_start3A_328[%add3A_321, %dma_start3A_329] : memref<10000x64xf32, #tpu.memory_space<hbm>> -> memref<113x64xf32, #tpu.memory_space<hbm>>
    %dma_start3A_331 = arith.constant 0 : i32
    %dma_start3A_332 = arith.constant 0 : i32
    %dma_start3A_333 = tpu.memref_slice %arg5[%arg0, %dma_start3A_331, %dma_start3A_332] : memref<2x10000x64xf32, #tpu.memory_space<hbm>> -> memref<1x10000x64xf32, #tpu.memory_space<hbm>>
    %dma_start3A_334 = tpu.memref_squeeze %dma_start3A_333 : memref<1x10000x64xf32, #tpu.memory_space<hbm>> -> memref<10000x64xf32, #tpu.memory_space<hbm>>
    %dma_start3A_335 = arith.constant 0 : i32
    %dma_start3A_336 = tpu.memref_slice %dma_start3A_334[%add3A_321, %dma_start3A_335] : memref<10000x64xf32, #tpu.memory_space<hbm>> -> memref<113x64xf32, #tpu.memory_space<hbm>>
    %dma_start3A_337 = arith.constant 0 : i32
    %dma_start3A_338 = arith.constant 0 : i32
    %dma_start3A_339 = tpu.memref_slice %arg8[%dma_start3A_337, %dma_start3A_338] : memref<128x64xf32, #tpu.memory_space<vmem>> -> memref<113x64xf32, #tpu.memory_space<vmem>>
    tpu.enqueue_dma source(%dma_start3A_339 : memref<113x64xf32, #tpu.memory_space<vmem>>) target(%dma_start3A_336 : memref<113x64xf32, #tpu.memory_space<hbm>>) target_semaphore(%arg21 : memref<!tpu.dma_semaphore, #tpu.memory_space<semaphore_mem>>)
    %dma_wait3A_340 = arith.constant 0 : i32
    %dma_wait3A_341 = arith.constant 0 : i32
    %dma_wait3A_342 = tpu.memref_slice %arg8[%dma_wait3A_340, %dma_wait3A_341] : memref<128x64xf32, #tpu.memory_space<vmem>> -> memref<113x64xf32, #tpu.memory_space<vmem>>
    %dma_wait3A_343 = arith.constant 0 : i32
    %dma_wait3A_344 = arith.constant 0 : i32
    %dma_wait3A_345 = tpu.memref_slice %arg5[%arg0, %dma_wait3A_343, %dma_wait3A_344] : memref<2x10000x64xf32, #tpu.memory_space<hbm>> -> memref<1x10000x64xf32, #tpu.memory_space<hbm>>
    %dma_wait3A_346 = tpu.memref_squeeze %dma_wait3A_345 : memref<1x10000x64xf32, #tpu.memory_space<hbm>> -> memref<10000x64xf32, #tpu.memory_space<hbm>>
    %dma_wait3A_347 = arith.constant 0 : i32
    %dma_wait3A_348 = tpu.memref_slice %dma_wait3A_346[%add3A_321, %dma_wait3A_347] : memref<10000x64xf32, #tpu.memory_space<hbm>> -> memref<113x64xf32, #tpu.memory_space<hbm>>
    %dma_wait3A_349 = arith.constant 0 : i32
    %dma_wait3A_350 = arith.constant 0 : i32
    %dma_wait3A_351 = tpu.memref_slice %arg5[%arg0, %dma_wait3A_349, %dma_wait3A_350] : memref<2x10000x64xf32, #tpu.memory_space<hbm>> -> memref<1x10000x64xf32, #tpu.memory_space<hbm>>
    %dma_wait3A_352 = tpu.memref_squeeze %dma_wait3A_351 : memref<1x10000x64xf32, #tpu.memory_space<hbm>> -> memref<10000x64xf32, #tpu.memory_space<hbm>>
    %dma_wait3A_353 = arith.constant 0 : i32
    %dma_wait3A_354 = tpu.memref_slice %dma_wait3A_352[%add3A_321, %dma_wait3A_353] : memref<10000x64xf32, #tpu.memory_space<hbm>> -> memref<113x64xf32, #tpu.memory_space<hbm>>
    %dma_wait3A_355 = arith.constant 0 : i32
    %dma_wait3A_356 = arith.constant 0 : i32
    %dma_wait3A_357 = tpu.memref_slice %arg8[%dma_wait3A_355, %dma_wait3A_356] : memref<128x64xf32, #tpu.memory_space<vmem>> -> memref<113x64xf32, #tpu.memory_space<vmem>>
    tpu.wait_dma2 semaphore(%arg21 : memref<!tpu.dma_semaphore, #tpu.memory_space<semaphore_mem>>) src(%dma_wait3A_357 : memref<113x64xf32, #tpu.memory_space<vmem>>) dst(%dma_wait3A_354 : memref<113x64xf32, #tpu.memory_space<hbm>>)
    %dma_wait3A_358 = arith.constant 0 : i32
    %dma_wait3A_359 = arith.constant 0 : i32
    %dma_wait3A_360 = tpu.memref_slice %arg9[%dma_wait3A_358, %dma_wait3A_359] : memref<128x64xf32, #tpu.memory_space<vmem>> -> memref<113x64xf32, #tpu.memory_space<vmem>>
    %dma_wait3A_361 = arith.constant 0 : i32
    %dma_wait3A_362 = tpu.memref_slice %arg14[%add3A_283, %dma_wait3A_361] : memref<10000x64xf32, #tpu.memory_space<vmem_shared>> -> memref<113x64xf32, #tpu.memory_space<vmem_shared>>
    %dma_wait3A_363 = arith.constant 0 : i32
    %dma_wait3A_364 = tpu.memref_slice %arg14[%add3A_283, %dma_wait3A_363] : memref<10000x64xf32, #tpu.memory_space<vmem_shared>> -> memref<113x64xf32, #tpu.memory_space<vmem_shared>>
    %dma_wait3A_365 = arith.constant 0 : i32
    %dma_wait3A_366 = arith.constant 0 : i32
    %dma_wait3A_367 = tpu.memref_slice %arg9[%dma_wait3A_365, %dma_wait3A_366] : memref<128x64xf32, #tpu.memory_space<vmem>> -> memref<113x64xf32, #tpu.memory_space<vmem>>
    tpu.wait_dma2 semaphore(%arg22 : memref<!tpu.dma_semaphore, #tpu.memory_space<semaphore_mem>>) src(%dma_wait3A_367 : memref<113x64xf32, #tpu.memory_space<vmem>>) dst(%dma_wait3A_364 : memref<113x64xf32, #tpu.memory_space<vmem_shared>>)
    %dma_wait3A_368 = arith.constant 0 : i32
    %dma_wait3A_369 = tpu.memref_slice %arg3[%dma_wait3A_368, %mul3A_2] : memref<2x320000xi32, #tpu.memory_space<hbm>> -> memref<1x20000xi32, #tpu.memory_space<hbm>>
    %dma_wait3A_370 = tpu.memref_squeeze %dma_wait3A_369 : memref<1x20000xi32, #tpu.memory_space<hbm>> -> memref<20000xi32, #tpu.memory_space<hbm>>
    %dma_wait3A_371 = tpu.memref_slice %arg3[%dma_wait3A_368, %mul3A_2] : memref<2x320000xi32, #tpu.memory_space<hbm>> -> memref<1x20000xi32, #tpu.memory_space<hbm>>
    %dma_wait3A_372 = tpu.memref_squeeze %dma_wait3A_371 : memref<1x20000xi32, #tpu.memory_space<hbm>> -> memref<20000xi32, #tpu.memory_space<hbm>>
    tpu.wait_dma2 semaphore(%arg15 : memref<!tpu.dma_semaphore, #tpu.memory_space<semaphore_mem>>) src(%dma_wait3A_372 : memref<20000xi32, #tpu.memory_space<hbm>>) dst(%arg6 : memref<20000xi32, #tpu.memory_space<vmem>>)
    %dma_wait3A_373 = arith.constant 1 : i32
    %dma_wait3A_374 = tpu.memref_slice %arg3[%dma_wait3A_373, %mul3A_8] : memref<2x320000xi32, #tpu.memory_space<hbm>> -> memref<1x20000xi32, #tpu.memory_space<hbm>>
    %dma_wait3A_375 = tpu.memref_squeeze %dma_wait3A_374 : memref<1x20000xi32, #tpu.memory_space<hbm>> -> memref<20000xi32, #tpu.memory_space<hbm>>
    %dma_wait3A_376 = tpu.memref_slice %arg3[%dma_wait3A_373, %mul3A_8] : memref<2x320000xi32, #tpu.memory_space<hbm>> -> memref<1x20000xi32, #tpu.memory_space<hbm>>
    %dma_wait3A_377 = tpu.memref_squeeze %dma_wait3A_376 : memref<1x20000xi32, #tpu.memory_space<hbm>> -> memref<20000xi32, #tpu.memory_space<hbm>>
    tpu.wait_dma2 semaphore(%arg16 : memref<!tpu.dma_semaphore, #tpu.memory_space<semaphore_mem>>) src(%dma_wait3A_377 : memref<20000xi32, #tpu.memory_space<hbm>>) dst(%arg7 : memref<20000xi32, #tpu.memory_space<vmem>>)
    %barrier3A = arith.constant 0 : index
    tpu.barrier barrier_id(%barrier3A)
    %dma_start3A_378 = arith.constant 0 : i32
    %dma_start3A_379 = tpu.memref_slice %arg6[%dma_start3A_378] : memref<20000xi32, #tpu.memory_space<vmem>> -> memref<128xi32, #tpu.memory_space<vmem>>
    %dma_start3A_380 = arith.constant 0 : i32
    %dma_start3A_381 = arith.constant 0 : i32
    %dma_start3A_382 = tpu.memref_slice %arg5[%arg0, %dma_start3A_380, %dma_start3A_381] : memref<2x10000x64xf32, #tpu.memory_space<hbm>> -> memref<1x10000x64xf32, #tpu.memory_space<hbm>>
    %dma_start3A_383 = tpu.memref_squeeze %dma_start3A_382 : memref<1x10000x64xf32, #tpu.memory_space<hbm>> -> memref<10000x64xf32, #tpu.memory_space<hbm>>
    %dma_start3A_384 = arith.constant 0 : i32
    %dma_start3A_385 = arith.constant 0 : i32
    %dma_start3A_386 = tpu.memref_slice %dma_start3A_383[%dma_start3A_384, %dma_start3A_385] : memref<10000x64xf32, #tpu.memory_space<hbm>> -> memref<10000x64xf32, #tpu.memory_space<hbm>>
    tpu.enqueue_indirect_dma source(%dma_start3A_386 : memref<10000x64xf32, #tpu.memory_space<hbm>>) target(%arg8 : memref<128x64xf32, #tpu.memory_space<vmem>>) offsets(%dma_start3A_379 : memref<128xi32, #tpu.memory_space<vmem>>) semaphore(%arg15 : memref<!tpu.dma_semaphore, #tpu.memory_space<semaphore_mem>>)
    %dma_start3A_387 = arith.constant 128 : i32
    %dma_start3A_388 = tpu.memref_slice %arg6[%dma_start3A_387] : memref<20000xi32, #tpu.memory_space<vmem>> -> memref<128xi32, #tpu.memory_space<vmem>>
    %dma_start3A_389 = arith.constant 0 : i32
    %dma_start3A_390 = arith.constant 0 : i32
    %dma_start3A_391 = tpu.memref_slice %arg5[%arg0, %dma_start3A_389, %dma_start3A_390] : memref<2x10000x64xf32, #tpu.memory_space<hbm>> -> memref<1x10000x64xf32, #tpu.memory_space<hbm>>
    %dma_start3A_392 = tpu.memref_squeeze %dma_start3A_391 : memref<1x10000x64xf32, #tpu.memory_space<hbm>> -> memref<10000x64xf32, #tpu.memory_space<hbm>>
    %dma_start3A_393 = arith.constant 0 : i32
    %dma_start3A_394 = arith.constant 0 : i32
    %dma_start3A_395 = tpu.memref_slice %dma_start3A_392[%dma_start3A_393, %dma_start3A_394] : memref<10000x64xf32, #tpu.memory_space<hbm>> -> memref<10000x64xf32, #tpu.memory_space<hbm>>
    tpu.enqueue_indirect_dma source(%dma_start3A_395 : memref<10000x64xf32, #tpu.memory_space<hbm>>) target(%arg9 : memref<128x64xf32, #tpu.memory_space<vmem>>) offsets(%dma_start3A_388 : memref<128xi32, #tpu.memory_space<vmem>>) semaphore(%arg16 : memref<!tpu.dma_semaphore, #tpu.memory_space<semaphore_mem>>)
    %dma_start3A_396 = arith.constant 256 : i32
    %dma_start3A_397 = tpu.memref_slice %arg6[%dma_start3A_396] : memref<20000xi32, #tpu.memory_space<vmem>> -> memref<128xi32, #tpu.memory_space<vmem>>
    %dma_start3A_398 = arith.constant 0 : i32
    %dma_start3A_399 = arith.constant 0 : i32
    %dma_start3A_400 = tpu.memref_slice %arg5[%arg0, %dma_start3A_398, %dma_start3A_399] : memref<2x10000x64xf32, #tpu.memory_space<hbm>> -> memref<1x10000x64xf32, #tpu.memory_space<hbm>>
    %dma_start3A_401 = tpu.memref_squeeze %dma_start3A_400 : memref<1x10000x64xf32, #tpu.memory_space<hbm>> -> memref<10000x64xf32, #tpu.memory_space<hbm>>
    %dma_start3A_402 = arith.constant 0 : i32
    %dma_start3A_403 = arith.constant 0 : i32
    %dma_start3A_404 = tpu.memref_slice %dma_start3A_401[%dma_start3A_402, %dma_start3A_403] : memref<10000x64xf32, #tpu.memory_space<hbm>> -> memref<10000x64xf32, #tpu.memory_space<hbm>>
    tpu.enqueue_indirect_dma source(%dma_start3A_404 : memref<10000x64xf32, #tpu.memory_space<hbm>>) target(%arg10 : memref<128x64xf32, #tpu.memory_space<vmem>>) offsets(%dma_start3A_397 : memref<128xi32, #tpu.memory_space<vmem>>) semaphore(%arg17 : memref<!tpu.dma_semaphore, #tpu.memory_space<semaphore_mem>>)
    %dma_start3A_405 = arith.constant 384 : i32
    %dma_start3A_406 = tpu.memref_slice %arg6[%dma_start3A_405] : memref<20000xi32, #tpu.memory_space<vmem>> -> memref<128xi32, #tpu.memory_space<vmem>>
    %dma_start3A_407 = arith.constant 0 : i32
    %dma_start3A_408 = arith.constant 0 : i32
    %dma_start3A_409 = tpu.memref_slice %arg5[%arg0, %dma_start3A_407, %dma_start3A_408] : memref<2x10000x64xf32, #tpu.memory_space<hbm>> -> memref<1x10000x64xf32, #tpu.memory_space<hbm>>
    %dma_start3A_410 = tpu.memref_squeeze %dma_start3A_409 : memref<1x10000x64xf32, #tpu.memory_space<hbm>> -> memref<10000x64xf32, #tpu.memory_space<hbm>>
    %dma_start3A_411 = arith.constant 0 : i32
    %dma_start3A_412 = arith.constant 0 : i32
    %dma_start3A_413 = tpu.memref_slice %dma_start3A_410[%dma_start3A_411, %dma_start3A_412] : memref<10000x64xf32, #tpu.memory_space<hbm>> -> memref<10000x64xf32, #tpu.memory_space<hbm>>
    tpu.enqueue_indirect_dma source(%dma_start3A_413 : memref<10000x64xf32, #tpu.memory_space<hbm>>) target(%arg11 : memref<128x64xf32, #tpu.memory_space<vmem>>) offsets(%dma_start3A_406 : memref<128xi32, #tpu.memory_space<vmem>>) semaphore(%arg18 : memref<!tpu.dma_semaphore, #tpu.memory_space<semaphore_mem>>)
    %dma_wait3A_414 = arith.constant 0 : i32
    %dma_wait3A_415 = tpu.memref_slice %arg6[%dma_wait3A_414] : memref<20000xi32, #tpu.memory_space<vmem>> -> memref<128xi32, #tpu.memory_space<vmem>>
    %dma_wait3A_416 = arith.constant 0 : i32
    %dma_wait3A_417 = arith.constant 0 : i32
    %dma_wait3A_418 = tpu.memref_slice %arg5[%arg0, %dma_wait3A_416, %dma_wait3A_417] : memref<2x10000x64xf32, #tpu.memory_space<hbm>> -> memref<1x10000x64xf32, #tpu.memory_space<hbm>>
    %dma_wait3A_419 = tpu.memref_squeeze %dma_wait3A_418 : memref<1x10000x64xf32, #tpu.memory_space<hbm>> -> memref<10000x64xf32, #tpu.memory_space<hbm>>
    %dma_wait3A_420 = arith.constant 0 : i32
    %dma_wait3A_421 = arith.constant 0 : i32
    %dma_wait3A_422 = tpu.memref_slice %dma_wait3A_419[%dma_wait3A_420, %dma_wait3A_421] : memref<10000x64xf32, #tpu.memory_space<hbm>> -> memref<10000x64xf32, #tpu.memory_space<hbm>>
    tpu.wait_indirect_dma semaphore(%arg15 : memref<!tpu.dma_semaphore, #tpu.memory_space<semaphore_mem>>) src(%dma_wait3A_422 : memref<10000x64xf32, #tpu.memory_space<hbm>>) dst(%arg8 : memref<128x64xf32, #tpu.memory_space<vmem>>)
    %dma_start3A_423 = arith.constant 0 : i32
    %dma_start3A_424 = tpu.memref_slice %arg7[%dma_start3A_423] : memref<20000xi32, #tpu.memory_space<vmem>> -> memref<128xi32, #tpu.memory_space<vmem>>
    %dma_start3A_425 = arith.constant 0 : i32
    %dma_start3A_426 = arith.constant 0 : i32
    %dma_start3A_427 = tpu.memref_slice %arg14[%dma_start3A_425, %dma_start3A_426] : memref<10000x64xf32, #tpu.memory_space<vmem_shared>> -> memref<10000x64xf32, #tpu.memory_space<vmem_shared>>
    tpu.enqueue_indirect_dma source(%arg8 : memref<128x64xf32, #tpu.memory_space<vmem>>) target(%dma_start3A_427 : memref<10000x64xf32, #tpu.memory_space<vmem_shared>>) offsets(%dma_start3A_424 : memref<128xi32, #tpu.memory_space<vmem>>) semaphore(%arg21 : memref<!tpu.dma_semaphore, #tpu.memory_space<semaphore_mem>>) {add = true}
    %dma_start3A_428 = arith.constant 512 : i32
    %dma_start3A_429 = tpu.memref_slice %arg6[%dma_start3A_428] : memref<20000xi32, #tpu.memory_space<vmem>> -> memref<128xi32, #tpu.memory_space<vmem>>
    %dma_start3A_430 = arith.constant 0 : i32
    %dma_start3A_431 = arith.constant 0 : i32
    %dma_start3A_432 = tpu.memref_slice %arg5[%arg0, %dma_start3A_430, %dma_start3A_431] : memref<2x10000x64xf32, #tpu.memory_space<hbm>> -> memref<1x10000x64xf32, #tpu.memory_space<hbm>>
    %dma_start3A_433 = tpu.memref_squeeze %dma_start3A_432 : memref<1x10000x64xf32, #tpu.memory_space<hbm>> -> memref<10000x64xf32, #tpu.memory_space<hbm>>
    %dma_start3A_434 = arith.constant 0 : i32
    %dma_start3A_435 = arith.constant 0 : i32
    %dma_start3A_436 = tpu.memref_slice %dma_start3A_433[%dma_start3A_434, %dma_start3A_435] : memref<10000x64xf32, #tpu.memory_space<hbm>> -> memref<10000x64xf32, #tpu.memory_space<hbm>>
    tpu.enqueue_indirect_dma source(%dma_start3A_436 : memref<10000x64xf32, #tpu.memory_space<hbm>>) target(%arg12 : memref<128x64xf32, #tpu.memory_space<vmem>>) offsets(%dma_start3A_429 : memref<128xi32, #tpu.memory_space<vmem>>) semaphore(%arg19 : memref<!tpu.dma_semaphore, #tpu.memory_space<semaphore_mem>>)
    %dma_wait3A_437 = arith.constant 128 : i32
    %dma_wait3A_438 = tpu.memref_slice %arg6[%dma_wait3A_437] : memref<20000xi32, #tpu.memory_space<vmem>> -> memref<128xi32, #tpu.memory_space<vmem>>
    %dma_wait3A_439 = arith.constant 0 : i32
    %dma_wait3A_440 = arith.constant 0 : i32
    %dma_wait3A_441 = tpu.memref_slice %arg5[%arg0, %dma_wait3A_439, %dma_wait3A_440] : memref<2x10000x64xf32, #tpu.memory_space<hbm>> -> memref<1x10000x64xf32, #tpu.memory_space<hbm>>
    %dma_wait3A_442 = tpu.memref_squeeze %dma_wait3A_441 : memref<1x10000x64xf32, #tpu.memory_space<hbm>> -> memref<10000x64xf32, #tpu.memory_space<hbm>>
    %dma_wait3A_443 = arith.constant 0 : i32
    %dma_wait3A_444 = arith.constant 0 : i32
    %dma_wait3A_445 = tpu.memref_slice %dma_wait3A_442[%dma_wait3A_443, %dma_wait3A_444] : memref<10000x64xf32, #tpu.memory_space<hbm>> -> memref<10000x64xf32, #tpu.memory_space<hbm>>
    tpu.wait_indirect_dma semaphore(%arg16 : memref<!tpu.dma_semaphore, #tpu.memory_space<semaphore_mem>>) src(%dma_wait3A_445 : memref<10000x64xf32, #tpu.memory_space<hbm>>) dst(%arg9 : memref<128x64xf32, #tpu.memory_space<vmem>>)
    %dma_start3A_446 = arith.constant 128 : i32
    %dma_start3A_447 = tpu.memref_slice %arg7[%dma_start3A_446] : memref<20000xi32, #tpu.memory_space<vmem>> -> memref<128xi32, #tpu.memory_space<vmem>>
    %dma_start3A_448 = arith.constant 0 : i32
    %dma_start3A_449 = arith.constant 0 : i32
    %dma_start3A_450 = tpu.memref_slice %arg14[%dma_start3A_448, %dma_start3A_449] : memref<10000x64xf32, #tpu.memory_space<vmem_shared>> -> memref<10000x64xf32, #tpu.memory_space<vmem_shared>>
    tpu.enqueue_indirect_dma source(%arg9 : memref<128x64xf32, #tpu.memory_space<vmem>>) target(%dma_start3A_450 : memref<10000x64xf32, #tpu.memory_space<vmem_shared>>) offsets(%dma_start3A_447 : memref<128xi32, #tpu.memory_space<vmem>>) semaphore(%arg22 : memref<!tpu.dma_semaphore, #tpu.memory_space<semaphore_mem>>) {add = true}
    %dma_start3A_451 = arith.constant 640 : i32
    %dma_start3A_452 = tpu.memref_slice %arg6[%dma_start3A_451] : memref<20000xi32, #tpu.memory_space<vmem>> -> memref<128xi32, #tpu.memory_space<vmem>>
    %dma_start3A_453 = arith.constant 0 : i32
    %dma_start3A_454 = arith.constant 0 : i32
    %dma_start3A_455 = tpu.memref_slice %arg5[%arg0, %dma_start3A_453, %dma_start3A_454] : memref<2x10000x64xf32, #tpu.memory_space<hbm>> -> memref<1x10000x64xf32, #tpu.memory_space<hbm>>
    %dma_start3A_456 = tpu.memref_squeeze %dma_start3A_455 : memref<1x10000x64xf32, #tpu.memory_space<hbm>> -> memref<10000x64xf32, #tpu.memory_space<hbm>>
    %dma_start3A_457 = arith.constant 0 : i32
    %dma_start3A_458 = arith.constant 0 : i32
    %dma_start3A_459 = tpu.memref_slice %dma_start3A_456[%dma_start3A_457, %dma_start3A_458] : memref<10000x64xf32, #tpu.memory_space<hbm>> -> memref<10000x64xf32, #tpu.memory_space<hbm>>
    tpu.enqueue_indirect_dma source(%dma_start3A_459 : memref<10000x64xf32, #tpu.memory_space<hbm>>) target(%arg13 : memref<128x64xf32, #tpu.memory_space<vmem>>) offsets(%dma_start3A_452 : memref<128xi32, #tpu.memory_space<vmem>>) semaphore(%arg20 : memref<!tpu.dma_semaphore, #tpu.memory_space<semaphore_mem>>)
    %scan3A_460 = arith.constant 0 : i32
    %scan3A_461 = arith.constant 25 : i32
    %scan3A_462 = arith.addi %scan3A_460, %scan3A_461 : i32
    %scan3A_463 = arith.constant 1 : i32
    scf.for %scan3A_594 = %scan3A_460 to %scan3A_462 step %scan3A_463  : i32 {
      %mul3A_595 = arith.constant 1 : i32
      %mul3A_596 = arith.muli %scan3A_594, %mul3A_595 : i32
      %add3A_597 = arith.constant 0 : i32
      %add3A_598 = arith.addi %add3A_597, %mul3A_596 : i32
      %mul3A_599 = arith.constant 6 : i32
      %mul3A_600 = arith.muli %mul3A_599, %add3A_598 : i32
      %add3A_601 = arith.constant 2 : i32
      %add3A_602 = arith.addi %mul3A_600, %add3A_601 : i32
      %mul3A_603 = arith.constant 128 : i32
      %mul3A_604 = arith.muli %add3A_602, %mul3A_603 : i32
      %dma_wait3A_605 = tpu.memref_slice %arg6[%mul3A_604] : memref<20000xi32, #tpu.memory_space<vmem>> -> memref<128xi32, #tpu.memory_space<vmem>>
      %dma_wait3A_606 = arith.constant 0 : i32
      %dma_wait3A_607 = arith.constant 0 : i32
      %dma_wait3A_608 = tpu.memref_slice %arg5[%arg0, %dma_wait3A_606, %dma_wait3A_607] : memref<2x10000x64xf32, #tpu.memory_space<hbm>> -> memref<1x10000x64xf32, #tpu.memory_space<hbm>>
      %dma_wait3A_609 = tpu.memref_squeeze %dma_wait3A_608 : memref<1x10000x64xf32, #tpu.memory_space<hbm>> -> memref<10000x64xf32, #tpu.memory_space<hbm>>
      %dma_wait3A_610 = arith.constant 0 : i32
      %dma_wait3A_611 = arith.constant 0 : i32
      %dma_wait3A_612 = tpu.memref_slice %dma_wait3A_609[%dma_wait3A_610, %dma_wait3A_611] : memref<10000x64xf32, #tpu.memory_space<hbm>> -> memref<10000x64xf32, #tpu.memory_space<hbm>>
      tpu.wait_indirect_dma semaphore(%arg17 : memref<!tpu.dma_semaphore, #tpu.memory_space<semaphore_mem>>) src(%dma_wait3A_612 : memref<10000x64xf32, #tpu.memory_space<hbm>>) dst(%arg10 : memref<128x64xf32, #tpu.memory_space<vmem>>)
      %add3A_613 = arith.constant 2 : i32
      %add3A_614 = arith.addi %mul3A_600, %add3A_613 : i32
      %mul3A_615 = arith.constant 128 : i32
      %mul3A_616 = arith.muli %add3A_614, %mul3A_615 : i32
      %dma_start3A_617 = tpu.memref_slice %arg7[%mul3A_616] : memref<20000xi32, #tpu.memory_space<vmem>> -> memref<128xi32, #tpu.memory_space<vmem>>
      %dma_start3A_618 = arith.constant 0 : i32
      %dma_start3A_619 = arith.constant 0 : i32
      %dma_start3A_620 = tpu.memref_slice %arg14[%dma_start3A_618, %dma_start3A_619] : memref<10000x64xf32, #tpu.memory_space<vmem_shared>> -> memref<10000x64xf32, #tpu.memory_space<vmem_shared>>
      tpu.enqueue_indirect_dma source(%arg10 : memref<128x64xf32, #tpu.memory_space<vmem>>) target(%dma_start3A_620 : memref<10000x64xf32, #tpu.memory_space<vmem_shared>>) offsets(%dma_start3A_617 : memref<128xi32, #tpu.memory_space<vmem>>) semaphore(%arg23 : memref<!tpu.dma_semaphore, #tpu.memory_space<semaphore_mem>>) {add = true}
      %add3A_621 = arith.constant 2 : i32
      %add3A_622 = arith.addi %mul3A_600, %add3A_621 : i32
      %sub3A = arith.constant 2 : i32
      %sub3A_623 = arith.subi %add3A_622, %sub3A : i32
      %mul3A_624 = arith.constant 128 : i32
      %mul3A_625 = arith.muli %sub3A_623, %mul3A_624 : i32
      %dma_wait3A_626 = tpu.memref_slice %arg7[%mul3A_625] : memref<20000xi32, #tpu.memory_space<vmem>> -> memref<128xi32, #tpu.memory_space<vmem>>
      %dma_wait3A_627 = arith.constant 0 : i32
      %dma_wait3A_628 = arith.constant 0 : i32
      %dma_wait3A_629 = tpu.memref_slice %arg14[%dma_wait3A_627, %dma_wait3A_628] : memref<10000x64xf32, #tpu.memory_space<vmem_shared>> -> memref<10000x64xf32, #tpu.memory_space<vmem_shared>>
      tpu.wait_indirect_dma semaphore(%arg21 : memref<!tpu.dma_semaphore, #tpu.memory_space<semaphore_mem>>) src(%arg8 : memref<128x64xf32, #tpu.memory_space<vmem>>) dst(%dma_wait3A_629 : memref<10000x64xf32, #tpu.memory_space<vmem_shared>>)
      %add3A_630 = arith.constant 2 : i32
      %add3A_631 = arith.addi %mul3A_600, %add3A_630 : i32
      %add3A_632 = arith.constant 4 : i32
      %add3A_633 = arith.addi %add3A_631, %add3A_632 : i32
      %mul3A_634 = arith.constant 128 : i32
      %mul3A_635 = arith.muli %add3A_633, %mul3A_634 : i32
      %dma_start3A_636 = tpu.memref_slice %arg6[%mul3A_635] : memref<20000xi32, #tpu.memory_space<vmem>> -> memref<128xi32, #tpu.memory_space<vmem>>
      %dma_start3A_637 = arith.constant 0 : i32
      %dma_start3A_638 = arith.constant 0 : i32
      %dma_start3A_639 = tpu.memref_slice %arg5[%arg0, %dma_start3A_637, %dma_start3A_638] : memref<2x10000x64xf32, #tpu.memory_space<hbm>> -> memref<1x10000x64xf32, #tpu.memory_space<hbm>>
      %dma_start3A_640 = tpu.memref_squeeze %dma_start3A_639 : memref<1x10000x64xf32, #tpu.memory_space<hbm>> -> memref<10000x64xf32, #tpu.memory_space<hbm>>
      %dma_start3A_641 = arith.constant 0 : i32
      %dma_start3A_642 = arith.constant 0 : i32
      %dma_start3A_643 = tpu.memref_slice %dma_start3A_640[%dma_start3A_641, %dma_start3A_642] : memref<10000x64xf32, #tpu.memory_space<hbm>> -> memref<10000x64xf32, #tpu.memory_space<hbm>>
      tpu.enqueue_indirect_dma source(%dma_start3A_643 : memref<10000x64xf32, #tpu.memory_space<hbm>>) target(%arg8 : memref<128x64xf32, #tpu.memory_space<vmem>>) offsets(%dma_start3A_636 : memref<128xi32, #tpu.memory_space<vmem>>) semaphore(%arg15 : memref<!tpu.dma_semaphore, #tpu.memory_space<semaphore_mem>>)
      %add3A_644 = arith.constant 3 : i32
      %add3A_645 = arith.addi %mul3A_600, %add3A_644 : i32
      %mul3A_646 = arith.constant 128 : i32
      %mul3A_647 = arith.muli %add3A_645, %mul3A_646 : i32
      %dma_wait3A_648 = tpu.memref_slice %arg6[%mul3A_647] : memref<20000xi32, #tpu.memory_space<vmem>> -> memref<128xi32, #tpu.memory_space<vmem>>
      %dma_wait3A_649 = arith.constant 0 : i32
      %dma_wait3A_650 = arith.constant 0 : i32
      %dma_wait3A_651 = tpu.memref_slice %arg5[%arg0, %dma_wait3A_649, %dma_wait3A_650] : memref<2x10000x64xf32, #tpu.memory_space<hbm>> -> memref<1x10000x64xf32, #tpu.memory_space<hbm>>
      %dma_wait3A_652 = tpu.memref_squeeze %dma_wait3A_651 : memref<1x10000x64xf32, #tpu.memory_space<hbm>> -> memref<10000x64xf32, #tpu.memory_space<hbm>>
      %dma_wait3A_653 = arith.constant 0 : i32
      %dma_wait3A_654 = arith.constant 0 : i32
      %dma_wait3A_655 = tpu.memref_slice %dma_wait3A_652[%dma_wait3A_653, %dma_wait3A_654] : memref<10000x64xf32, #tpu.memory_space<hbm>> -> memref<10000x64xf32, #tpu.memory_space<hbm>>
      tpu.wait_indirect_dma semaphore(%arg18 : memref<!tpu.dma_semaphore, #tpu.memory_space<semaphore_mem>>) src(%dma_wait3A_655 : memref<10000x64xf32, #tpu.memory_space<hbm>>) dst(%arg11 : memref<128x64xf32, #tpu.memory_space<vmem>>)
      %add3A_656 = arith.constant 3 : i32
      %add3A_657 = arith.addi %mul3A_600, %add3A_656 : i32
      %mul3A_658 = arith.constant 128 : i32
      %mul3A_659 = arith.muli %add3A_657, %mul3A_658 : i32
      %dma_start3A_660 = tpu.memref_slice %arg7[%mul3A_659] : memref<20000xi32, #tpu.memory_space<vmem>> -> memref<128xi32, #tpu.memory_space<vmem>>
      %dma_start3A_661 = arith.constant 0 : i32
      %dma_start3A_662 = arith.constant 0 : i32
      %dma_start3A_663 = tpu.memref_slice %arg14[%dma_start3A_661, %dma_start3A_662] : memref<10000x64xf32, #tpu.memory_space<vmem_shared>> -> memref<10000x64xf32, #tpu.memory_space<vmem_shared>>
      tpu.enqueue_indirect_dma source(%arg11 : memref<128x64xf32, #tpu.memory_space<vmem>>) target(%dma_start3A_663 : memref<10000x64xf32, #tpu.memory_space<vmem_shared>>) offsets(%dma_start3A_660 : memref<128xi32, #tpu.memory_space<vmem>>) semaphore(%arg24 : memref<!tpu.dma_semaphore, #tpu.memory_space<semaphore_mem>>) {add = true}
      %add3A_664 = arith.constant 3 : i32
      %add3A_665 = arith.addi %mul3A_600, %add3A_664 : i32
      %sub3A_666 = arith.constant 2 : i32
      %sub3A_667 = arith.subi %add3A_665, %sub3A_666 : i32
      %mul3A_668 = arith.constant 128 : i32
      %mul3A_669 = arith.muli %sub3A_667, %mul3A_668 : i32
      %dma_wait3A_670 = tpu.memref_slice %arg7[%mul3A_669] : memref<20000xi32, #tpu.memory_space<vmem>> -> memref<128xi32, #tpu.memory_space<vmem>>
      %dma_wait3A_671 = arith.constant 0 : i32
      %dma_wait3A_672 = arith.constant 0 : i32
      %dma_wait3A_673 = tpu.memref_slice %arg14[%dma_wait3A_671, %dma_wait3A_672] : memref<10000x64xf32, #tpu.memory_space<vmem_shared>> -> memref<10000x64xf32, #tpu.memory_space<vmem_shared>>
      tpu.wait_indirect_dma semaphore(%arg22 : memref<!tpu.dma_semaphore, #tpu.memory_space<semaphore_mem>>) src(%arg9 : memref<128x64xf32, #tpu.memory_space<vmem>>) dst(%dma_wait3A_673 : memref<10000x64xf32, #tpu.memory_space<vmem_shared>>)
      %add3A_674 = arith.constant 3 : i32
      %add3A_675 = arith.addi %mul3A_600, %add3A_674 : i32
      %add3A_676 = arith.constant 4 : i32
      %add3A_677 = arith.addi %add3A_675, %add3A_676 : i32
      %mul3A_678 = arith.constant 128 : i32
      %mul3A_679 = arith.muli %add3A_677, %mul3A_678 : i32
      %dma_start3A_680 = tpu.memref_slice %arg6[%mul3A_679] : memref<20000xi32, #tpu.memory_space<vmem>> -> memref<128xi32, #tpu.memory_space<vmem>>
      %dma_start3A_681 = arith.constant 0 : i32
      %dma_start3A_682 = arith.constant 0 : i32
      %dma_start3A_683 = tpu.memref_slice %arg5[%arg0, %dma_start3A_681, %dma_start3A_682] : memref<2x10000x64xf32, #tpu.memory_space<hbm>> -> memref<1x10000x64xf32, #tpu.memory_space<hbm>>
      %dma_start3A_684 = tpu.memref_squeeze %dma_start3A_683 : memref<1x10000x64xf32, #tpu.memory_space<hbm>> -> memref<10000x64xf32, #tpu.memory_space<hbm>>
      %dma_start3A_685 = arith.constant 0 : i32
      %dma_start3A_686 = arith.constant 0 : i32
      %dma_start3A_687 = tpu.memref_slice %dma_start3A_684[%dma_start3A_685, %dma_start3A_686] : memref<10000x64xf32, #tpu.memory_space<hbm>> -> memref<10000x64xf32, #tpu.memory_space<hbm>>
      tpu.enqueue_indirect_dma source(%dma_start3A_687 : memref<10000x64xf32, #tpu.memory_space<hbm>>) target(%arg9 : memref<128x64xf32, #tpu.memory_space<vmem>>) offsets(%dma_start3A_680 : memref<128xi32, #tpu.memory_space<vmem>>) semaphore(%arg16 : memref<!tpu.dma_semaphore, #tpu.memory_space<semaphore_mem>>)
      %add3A_688 = arith.constant 4 : i32
      %add3A_689 = arith.addi %mul3A_600, %add3A_688 : i32
      %mul3A_690 = arith.constant 128 : i32
      %mul3A_691 = arith.muli %add3A_689, %mul3A_690 : i32
      %dma_wait3A_692 = tpu.memref_slice %arg6[%mul3A_691] : memref<20000xi32, #tpu.memory_space<vmem>> -> memref<128xi32, #tpu.memory_space<vmem>>
      %dma_wait3A_693 = arith.constant 0 : i32
      %dma_wait3A_694 = arith.constant 0 : i32
      %dma_wait3A_695 = tpu.memref_slice %arg5[%arg0, %dma_wait3A_693, %dma_wait3A_694] : memref<2x10000x64xf32, #tpu.memory_space<hbm>> -> memref<1x10000x64xf32, #tpu.memory_space<hbm>>
      %dma_wait3A_696 = tpu.memref_squeeze %dma_wait3A_695 : memref<1x10000x64xf32, #tpu.memory_space<hbm>> -> memref<10000x64xf32, #tpu.memory_space<hbm>>
      %dma_wait3A_697 = arith.constant 0 : i32
      %dma_wait3A_698 = arith.constant 0 : i32
      %dma_wait3A_699 = tpu.memref_slice %dma_wait3A_696[%dma_wait3A_697, %dma_wait3A_698] : memref<10000x64xf32, #tpu.memory_space<hbm>> -> memref<10000x64xf32, #tpu.memory_space<hbm>>
      tpu.wait_indirect_dma semaphore(%arg19 : memref<!tpu.dma_semaphore, #tpu.memory_space<semaphore_mem>>) src(%dma_wait3A_699 : memref<10000x64xf32, #tpu.memory_space<hbm>>) dst(%arg12 : memref<128x64xf32, #tpu.memory_space<vmem>>)
      %add3A_700 = arith.constant 4 : i32
      %add3A_701 = arith.addi %mul3A_600, %add3A_700 : i32
      %mul3A_702 = arith.constant 128 : i32
      %mul3A_703 = arith.muli %add3A_701, %mul3A_702 : i32
      %dma_start3A_704 = tpu.memref_slice %arg7[%mul3A_703] : memref<20000xi32, #tpu.memory_space<vmem>> -> memref<128xi32, #tpu.memory_space<vmem>>
      %dma_start3A_705 = arith.constant 0 : i32
      %dma_start3A_706 = arith.constant 0 : i32
      %dma_start3A_707 = tpu.memref_slice %arg14[%dma_start3A_705, %dma_start3A_706] : memref<10000x64xf32, #tpu.memory_space<vmem_shared>> -> memref<10000x64xf32, #tpu.memory_space<vmem_shared>>
      tpu.enqueue_indirect_dma source(%arg12 : memref<128x64xf32, #tpu.memory_space<vmem>>) target(%dma_start3A_707 : memref<10000x64xf32, #tpu.memory_space<vmem_shared>>) offsets(%dma_start3A_704 : memref<128xi32, #tpu.memory_space<vmem>>) semaphore(%arg25 : memref<!tpu.dma_semaphore, #tpu.memory_space<semaphore_mem>>) {add = true}
      %add3A_708 = arith.constant 4 : i32
      %add3A_709 = arith.addi %mul3A_600, %add3A_708 : i32
      %sub3A_710 = arith.constant 2 : i32
      %sub3A_711 = arith.subi %add3A_709, %sub3A_710 : i32
      %mul3A_712 = arith.constant 128 : i32
      %mul3A_713 = arith.muli %sub3A_711, %mul3A_712 : i32
      %dma_wait3A_714 = tpu.memref_slice %arg7[%mul3A_713] : memref<20000xi32, #tpu.memory_space<vmem>> -> memref<128xi32, #tpu.memory_space<vmem>>
      %dma_wait3A_715 = arith.constant 0 : i32
      %dma_wait3A_716 = arith.constant 0 : i32
      %dma_wait3A_717 = tpu.memref_slice %arg14[%dma_wait3A_715, %dma_wait3A_716] : memref<10000x64xf32, #tpu.memory_space<vmem_shared>> -> memref<10000x64xf32, #tpu.memory_space<vmem_shared>>
      tpu.wait_indirect_dma semaphore(%arg23 : memref<!tpu.dma_semaphore, #tpu.memory_space<semaphore_mem>>) src(%arg10 : memref<128x64xf32, #tpu.memory_space<vmem>>) dst(%dma_wait3A_717 : memref<10000x64xf32, #tpu.memory_space<vmem_shared>>)
      %add3A_718 = arith.constant 4 : i32
      %add3A_719 = arith.addi %mul3A_600, %add3A_718 : i32
      %add3A_720 = arith.constant 4 : i32
      %add3A_721 = arith.addi %add3A_719, %add3A_720 : i32
      %mul3A_722 = arith.constant 128 : i32
      %mul3A_723 = arith.muli %add3A_721, %mul3A_722 : i32
      %dma_start3A_724 = tpu.memref_slice %arg6[%mul3A_723] : memref<20000xi32, #tpu.memory_space<vmem>> -> memref<128xi32, #tpu.memory_space<vmem>>
      %dma_start3A_725 = arith.constant 0 : i32
      %dma_start3A_726 = arith.constant 0 : i32
      %dma_start3A_727 = tpu.memref_slice %arg5[%arg0, %dma_start3A_725, %dma_start3A_726] : memref<2x10000x64xf32, #tpu.memory_space<hbm>> -> memref<1x10000x64xf32, #tpu.memory_space<hbm>>
      %dma_start3A_728 = tpu.memref_squeeze %dma_start3A_727 : memref<1x10000x64xf32, #tpu.memory_space<hbm>> -> memref<10000x64xf32, #tpu.memory_space<hbm>>
      %dma_start3A_729 = arith.constant 0 : i32
      %dma_start3A_730 = arith.constant 0 : i32
      %dma_start3A_731 = tpu.memref_slice %dma_start3A_728[%dma_start3A_729, %dma_start3A_730] : memref<10000x64xf32, #tpu.memory_space<hbm>> -> memref<10000x64xf32, #tpu.memory_space<hbm>>
      tpu.enqueue_indirect_dma source(%dma_start3A_731 : memref<10000x64xf32, #tpu.memory_space<hbm>>) target(%arg10 : memref<128x64xf32, #tpu.memory_space<vmem>>) offsets(%dma_start3A_724 : memref<128xi32, #tpu.memory_space<vmem>>) semaphore(%arg17 : memref<!tpu.dma_semaphore, #tpu.memory_space<semaphore_mem>>)
      %add3A_732 = arith.constant 5 : i32
      %add3A_733 = arith.addi %mul3A_600, %add3A_732 : i32
      %mul3A_734 = arith.constant 128 : i32
      %mul3A_735 = arith.muli %add3A_733, %mul3A_734 : i32
      %dma_wait3A_736 = tpu.memref_slice %arg6[%mul3A_735] : memref<20000xi32, #tpu.memory_space<vmem>> -> memref<128xi32, #tpu.memory_space<vmem>>
      %dma_wait3A_737 = arith.constant 0 : i32
      %dma_wait3A_738 = arith.constant 0 : i32
      %dma_wait3A_739 = tpu.memref_slice %arg5[%arg0, %dma_wait3A_737, %dma_wait3A_738] : memref<2x10000x64xf32, #tpu.memory_space<hbm>> -> memref<1x10000x64xf32, #tpu.memory_space<hbm>>
      %dma_wait3A_740 = tpu.memref_squeeze %dma_wait3A_739 : memref<1x10000x64xf32, #tpu.memory_space<hbm>> -> memref<10000x64xf32, #tpu.memory_space<hbm>>
      %dma_wait3A_741 = arith.constant 0 : i32
      %dma_wait3A_742 = arith.constant 0 : i32
      %dma_wait3A_743 = tpu.memref_slice %dma_wait3A_740[%dma_wait3A_741, %dma_wait3A_742] : memref<10000x64xf32, #tpu.memory_space<hbm>> -> memref<10000x64xf32, #tpu.memory_space<hbm>>
      tpu.wait_indirect_dma semaphore(%arg20 : memref<!tpu.dma_semaphore, #tpu.memory_space<semaphore_mem>>) src(%dma_wait3A_743 : memref<10000x64xf32, #tpu.memory_space<hbm>>) dst(%arg13 : memref<128x64xf32, #tpu.memory_space<vmem>>)
      %add3A_744 = arith.constant 5 : i32
      %add3A_745 = arith.addi %mul3A_600, %add3A_744 : i32
      %mul3A_746 = arith.constant 128 : i32
      %mul3A_747 = arith.muli %add3A_745, %mul3A_746 : i32
      %dma_start3A_748 = tpu.memref_slice %arg7[%mul3A_747] : memref<20000xi32, #tpu.memory_space<vmem>> -> memref<128xi32, #tpu.memory_space<vmem>>
      %dma_start3A_749 = arith.constant 0 : i32
      %dma_start3A_750 = arith.constant 0 : i32
      %dma_start3A_751 = tpu.memref_slice %arg14[%dma_start3A_749, %dma_start3A_750] : memref<10000x64xf32, #tpu.memory_space<vmem_shared>> -> memref<10000x64xf32, #tpu.memory_space<vmem_shared>>
      tpu.enqueue_indirect_dma source(%arg13 : memref<128x64xf32, #tpu.memory_space<vmem>>) target(%dma_start3A_751 : memref<10000x64xf32, #tpu.memory_space<vmem_shared>>) offsets(%dma_start3A_748 : memref<128xi32, #tpu.memory_space<vmem>>) semaphore(%arg26 : memref<!tpu.dma_semaphore, #tpu.memory_space<semaphore_mem>>) {add = true}
      %add3A_752 = arith.constant 5 : i32
      %add3A_753 = arith.addi %mul3A_600, %add3A_752 : i32
      %sub3A_754 = arith.constant 2 : i32
      %sub3A_755 = arith.subi %add3A_753, %sub3A_754 : i32
      %mul3A_756 = arith.constant 128 : i32
      %mul3A_757 = arith.muli %sub3A_755, %mul3A_756 : i32
      %dma_wait3A_758 = tpu.memref_slice %arg7[%mul3A_757] : memref<20000xi32, #tpu.memory_space<vmem>> -> memref<128xi32, #tpu.memory_space<vmem>>
      %dma_wait3A_759 = arith.constant 0 : i32
      %dma_wait3A_760 = arith.constant 0 : i32
      %dma_wait3A_761 = tpu.memref_slice %arg14[%dma_wait3A_759, %dma_wait3A_760] : memref<10000x64xf32, #tpu.memory_space<vmem_shared>> -> memref<10000x64xf32, #tpu.memory_space<vmem_shared>>
      tpu.wait_indirect_dma semaphore(%arg24 : memref<!tpu.dma_semaphore, #tpu.memory_space<semaphore_mem>>) src(%arg11 : memref<128x64xf32, #tpu.memory_space<vmem>>) dst(%dma_wait3A_761 : memref<10000x64xf32, #tpu.memory_space<vmem_shared>>)
      %add3A_762 = arith.constant 5 : i32
      %add3A_763 = arith.addi %mul3A_600, %add3A_762 : i32
      %add3A_764 = arith.constant 4 : i32
      %add3A_765 = arith.addi %add3A_763, %add3A_764 : i32
      %mul3A_766 = arith.constant 128 : i32
      %mul3A_767 = arith.muli %add3A_765, %mul3A_766 : i32
      %dma_start3A_768 = tpu.memref_slice %arg6[%mul3A_767] : memref<20000xi32, #tpu.memory_space<vmem>> -> memref<128xi32, #tpu.memory_space<vmem>>
      %dma_start3A_769 = arith.constant 0 : i32
      %dma_start3A_770 = arith.constant 0 : i32
      %dma_start3A_771 = tpu.memref_slice %arg5[%arg0, %dma_start3A_769, %dma_start3A_770] : memref<2x10000x64xf32, #tpu.memory_space<hbm>> -> memref<1x10000x64xf32, #tpu.memory_space<hbm>>
      %dma_start3A_772 = tpu.memref_squeeze %dma_start3A_771 : memref<1x10000x64xf32, #tpu.memory_space<hbm>> -> memref<10000x64xf32, #tpu.memory_space<hbm>>
      %dma_start3A_773 = arith.constant 0 : i32
      %dma_start3A_774 = arith.constant 0 : i32
      %dma_start3A_775 = tpu.memref_slice %dma_start3A_772[%dma_start3A_773, %dma_start3A_774] : memref<10000x64xf32, #tpu.memory_space<hbm>> -> memref<10000x64xf32, #tpu.memory_space<hbm>>
      tpu.enqueue_indirect_dma source(%dma_start3A_775 : memref<10000x64xf32, #tpu.memory_space<hbm>>) target(%arg11 : memref<128x64xf32, #tpu.memory_space<vmem>>) offsets(%dma_start3A_768 : memref<128xi32, #tpu.memory_space<vmem>>) semaphore(%arg18 : memref<!tpu.dma_semaphore, #tpu.memory_space<semaphore_mem>>)
      %add3A_776 = arith.constant 6 : i32
      %add3A_777 = arith.addi %mul3A_600, %add3A_776 : i32
      %mul3A_778 = arith.constant 128 : i32
      %mul3A_779 = arith.muli %add3A_777, %mul3A_778 : i32
      %dma_wait3A_780 = tpu.memref_slice %arg6[%mul3A_779] : memref<20000xi32, #tpu.memory_space<vmem>> -> memref<128xi32, #tpu.memory_space<vmem>>
      %dma_wait3A_781 = arith.constant 0 : i32
      %dma_wait3A_782 = arith.constant 0 : i32
      %dma_wait3A_783 = tpu.memref_slice %arg5[%arg0, %dma_wait3A_781, %dma_wait3A_782] : memref<2x10000x64xf32, #tpu.memory_space<hbm>> -> memref<1x10000x64xf32, #tpu.memory_space<hbm>>
      %dma_wait3A_784 = tpu.memref_squeeze %dma_wait3A_783 : memref<1x10000x64xf32, #tpu.memory_space<hbm>> -> memref<10000x64xf32, #tpu.memory_space<hbm>>
      %dma_wait3A_785 = arith.constant 0 : i32
      %dma_wait3A_786 = arith.constant 0 : i32
      %dma_wait3A_787 = tpu.memref_slice %dma_wait3A_784[%dma_wait3A_785, %dma_wait3A_786] : memref<10000x64xf32, #tpu.memory_space<hbm>> -> memref<10000x64xf32, #tpu.memory_space<hbm>>
      tpu.wait_indirect_dma semaphore(%arg15 : memref<!tpu.dma_semaphore, #tpu.memory_space<semaphore_mem>>) src(%dma_wait3A_787 : memref<10000x64xf32, #tpu.memory_space<hbm>>) dst(%arg8 : memref<128x64xf32, #tpu.memory_space<vmem>>)
      %add3A_788 = arith.constant 6 : i32
      %add3A_789 = arith.addi %mul3A_600, %add3A_788 : i32
      %mul3A_790 = arith.constant 128 : i32
      %mul3A_791 = arith.muli %add3A_789, %mul3A_790 : i32
      %dma_start3A_792 = tpu.memref_slice %arg7[%mul3A_791] : memref<20000xi32, #tpu.memory_space<vmem>> -> memref<128xi32, #tpu.memory_space<vmem>>
      %dma_start3A_793 = arith.constant 0 : i32
      %dma_start3A_794 = arith.constant 0 : i32
      %dma_start3A_795 = tpu.memref_slice %arg14[%dma_start3A_793, %dma_start3A_794] : memref<10000x64xf32, #tpu.memory_space<vmem_shared>> -> memref<10000x64xf32, #tpu.memory_space<vmem_shared>>
      tpu.enqueue_indirect_dma source(%arg8 : memref<128x64xf32, #tpu.memory_space<vmem>>) target(%dma_start3A_795 : memref<10000x64xf32, #tpu.memory_space<vmem_shared>>) offsets(%dma_start3A_792 : memref<128xi32, #tpu.memory_space<vmem>>) semaphore(%arg21 : memref<!tpu.dma_semaphore, #tpu.memory_space<semaphore_mem>>) {add = true}
      %add3A_796 = arith.constant 6 : i32
      %add3A_797 = arith.addi %mul3A_600, %add3A_796 : i32
      %sub3A_798 = arith.constant 2 : i32
      %sub3A_799 = arith.subi %add3A_797, %sub3A_798 : i32
      %mul3A_800 = arith.constant 128 : i32
      %mul3A_801 = arith.muli %sub3A_799, %mul3A_800 : i32
      %dma_wait3A_802 = tpu.memref_slice %arg7[%mul3A_801] : memref<20000xi32, #tpu.memory_space<vmem>> -> memref<128xi32, #tpu.memory_space<vmem>>
      %dma_wait3A_803 = arith.constant 0 : i32
      %dma_wait3A_804 = arith.constant 0 : i32
      %dma_wait3A_805 = tpu.memref_slice %arg14[%dma_wait3A_803, %dma_wait3A_804] : memref<10000x64xf32, #tpu.memory_space<vmem_shared>> -> memref<10000x64xf32, #tpu.memory_space<vmem_shared>>
      tpu.wait_indirect_dma semaphore(%arg25 : memref<!tpu.dma_semaphore, #tpu.memory_space<semaphore_mem>>) src(%arg12 : memref<128x64xf32, #tpu.memory_space<vmem>>) dst(%dma_wait3A_805 : memref<10000x64xf32, #tpu.memory_space<vmem_shared>>)
      %add3A_806 = arith.constant 6 : i32
      %add3A_807 = arith.addi %mul3A_600, %add3A_806 : i32
      %add3A_808 = arith.constant 4 : i32
      %add3A_809 = arith.addi %add3A_807, %add3A_808 : i32
      %mul3A_810 = arith.constant 128 : i32
      %mul3A_811 = arith.muli %add3A_809, %mul3A_810 : i32
      %dma_start3A_812 = tpu.memref_slice %arg6[%mul3A_811] : memref<20000xi32, #tpu.memory_space<vmem>> -> memref<128xi32, #tpu.memory_space<vmem>>
      %dma_start3A_813 = arith.constant 0 : i32
      %dma_start3A_814 = arith.constant 0 : i32
      %dma_start3A_815 = tpu.memref_slice %arg5[%arg0, %dma_start3A_813, %dma_start3A_814] : memref<2x10000x64xf32, #tpu.memory_space<hbm>> -> memref<1x10000x64xf32, #tpu.memory_space<hbm>>
      %dma_start3A_816 = tpu.memref_squeeze %dma_start3A_815 : memref<1x10000x64xf32, #tpu.memory_space<hbm>> -> memref<10000x64xf32, #tpu.memory_space<hbm>>
      %dma_start3A_817 = arith.constant 0 : i32
      %dma_start3A_818 = arith.constant 0 : i32
      %dma_start3A_819 = tpu.memref_slice %dma_start3A_816[%dma_start3A_817, %dma_start3A_818] : memref<10000x64xf32, #tpu.memory_space<hbm>> -> memref<10000x64xf32, #tpu.memory_space<hbm>>
      tpu.enqueue_indirect_dma source(%dma_start3A_819 : memref<10000x64xf32, #tpu.memory_space<hbm>>) target(%arg12 : memref<128x64xf32, #tpu.memory_space<vmem>>) offsets(%dma_start3A_812 : memref<128xi32, #tpu.memory_space<vmem>>) semaphore(%arg19 : memref<!tpu.dma_semaphore, #tpu.memory_space<semaphore_mem>>)
      %add3A_820 = arith.constant 7 : i32
      %add3A_821 = arith.addi %mul3A_600, %add3A_820 : i32
      %mul3A_822 = arith.constant 128 : i32
      %mul3A_823 = arith.muli %add3A_821, %mul3A_822 : i32
      %dma_wait3A_824 = tpu.memref_slice %arg6[%mul3A_823] : memref<20000xi32, #tpu.memory_space<vmem>> -> memref<128xi32, #tpu.memory_space<vmem>>
      %dma_wait3A_825 = arith.constant 0 : i32
      %dma_wait3A_826 = arith.constant 0 : i32
      %dma_wait3A_827 = tpu.memref_slice %arg5[%arg0, %dma_wait3A_825, %dma_wait3A_826] : memref<2x10000x64xf32, #tpu.memory_space<hbm>> -> memref<1x10000x64xf32, #tpu.memory_space<hbm>>
      %dma_wait3A_828 = tpu.memref_squeeze %dma_wait3A_827 : memref<1x10000x64xf32, #tpu.memory_space<hbm>> -> memref<10000x64xf32, #tpu.memory_space<hbm>>
      %dma_wait3A_829 = arith.constant 0 : i32
      %dma_wait3A_830 = arith.constant 0 : i32
      %dma_wait3A_831 = tpu.memref_slice %dma_wait3A_828[%dma_wait3A_829, %dma_wait3A_830] : memref<10000x64xf32, #tpu.memory_space<hbm>> -> memref<10000x64xf32, #tpu.memory_space<hbm>>
      tpu.wait_indirect_dma semaphore(%arg16 : memref<!tpu.dma_semaphore, #tpu.memory_space<semaphore_mem>>) src(%dma_wait3A_831 : memref<10000x64xf32, #tpu.memory_space<hbm>>) dst(%arg9 : memref<128x64xf32, #tpu.memory_space<vmem>>)
      %add3A_832 = arith.constant 7 : i32
      %add3A_833 = arith.addi %mul3A_600, %add3A_832 : i32
      %mul3A_834 = arith.constant 128 : i32
      %mul3A_835 = arith.muli %add3A_833, %mul3A_834 : i32
      %dma_start3A_836 = tpu.memref_slice %arg7[%mul3A_835] : memref<20000xi32, #tpu.memory_space<vmem>> -> memref<128xi32, #tpu.memory_space<vmem>>
      %dma_start3A_837 = arith.constant 0 : i32
      %dma_start3A_838 = arith.constant 0 : i32
      %dma_start3A_839 = tpu.memref_slice %arg14[%dma_start3A_837, %dma_start3A_838] : memref<10000x64xf32, #tpu.memory_space<vmem_shared>> -> memref<10000x64xf32, #tpu.memory_space<vmem_shared>>
      tpu.enqueue_indirect_dma source(%arg9 : memref<128x64xf32, #tpu.memory_space<vmem>>) target(%dma_start3A_839 : memref<10000x64xf32, #tpu.memory_space<vmem_shared>>) offsets(%dma_start3A_836 : memref<128xi32, #tpu.memory_space<vmem>>) semaphore(%arg22 : memref<!tpu.dma_semaphore, #tpu.memory_space<semaphore_mem>>) {add = true}
      %add3A_840 = arith.constant 7 : i32
      %add3A_841 = arith.addi %mul3A_600, %add3A_840 : i32
      %sub3A_842 = arith.constant 2 : i32
      %sub3A_843 = arith.subi %add3A_841, %sub3A_842 : i32
      %mul3A_844 = arith.constant 128 : i32
      %mul3A_845 = arith.muli %sub3A_843, %mul3A_844 : i32
      %dma_wait3A_846 = tpu.memref_slice %arg7[%mul3A_845] : memref<20000xi32, #tpu.memory_space<vmem>> -> memref<128xi32, #tpu.memory_space<vmem>>
      %dma_wait3A_847 = arith.constant 0 : i32
      %dma_wait3A_848 = arith.constant 0 : i32
      %dma_wait3A_849 = tpu.memref_slice %arg14[%dma_wait3A_847, %dma_wait3A_848] : memref<10000x64xf32, #tpu.memory_space<vmem_shared>> -> memref<10000x64xf32, #tpu.memory_space<vmem_shared>>
      tpu.wait_indirect_dma semaphore(%arg26 : memref<!tpu.dma_semaphore, #tpu.memory_space<semaphore_mem>>) src(%arg13 : memref<128x64xf32, #tpu.memory_space<vmem>>) dst(%dma_wait3A_849 : memref<10000x64xf32, #tpu.memory_space<vmem_shared>>)
      %add3A_850 = arith.constant 7 : i32
      %add3A_851 = arith.addi %mul3A_600, %add3A_850 : i32
      %add3A_852 = arith.constant 4 : i32
      %add3A_853 = arith.addi %add3A_851, %add3A_852 : i32
      %mul3A_854 = arith.constant 128 : i32
      %mul3A_855 = arith.muli %add3A_853, %mul3A_854 : i32
      %dma_start3A_856 = tpu.memref_slice %arg6[%mul3A_855] : memref<20000xi32, #tpu.memory_space<vmem>> -> memref<128xi32, #tpu.memory_space<vmem>>
      %dma_start3A_857 = arith.constant 0 : i32
      %dma_start3A_858 = arith.constant 0 : i32
      %dma_start3A_859 = tpu.memref_slice %arg5[%arg0, %dma_start3A_857, %dma_start3A_858] : memref<2x10000x64xf32, #tpu.memory_space<hbm>> -> memref<1x10000x64xf32, #tpu.memory_space<hbm>>
      %dma_start3A_860 = tpu.memref_squeeze %dma_start3A_859 : memref<1x10000x64xf32, #tpu.memory_space<hbm>> -> memref<10000x64xf32, #tpu.memory_space<hbm>>
      %dma_start3A_861 = arith.constant 0 : i32
      %dma_start3A_862 = arith.constant 0 : i32
      %dma_start3A_863 = tpu.memref_slice %dma_start3A_860[%dma_start3A_861, %dma_start3A_862] : memref<10000x64xf32, #tpu.memory_space<hbm>> -> memref<10000x64xf32, #tpu.memory_space<hbm>>
      tpu.enqueue_indirect_dma source(%dma_start3A_863 : memref<10000x64xf32, #tpu.memory_space<hbm>>) target(%arg13 : memref<128x64xf32, #tpu.memory_space<vmem>>) offsets(%dma_start3A_856 : memref<128xi32, #tpu.memory_space<vmem>>) semaphore(%arg20 : memref<!tpu.dma_semaphore, #tpu.memory_space<semaphore_mem>>)
    }
    %scan3A_464 = arith.constant 25 : i32
    %dma_wait3A_465 = arith.constant 19456 : i32
    %dma_wait3A_466 = tpu.memref_slice %arg6[%dma_wait3A_465] : memref<20000xi32, #tpu.memory_space<vmem>> -> memref<128xi32, #tpu.memory_space<vmem>>
    %dma_wait3A_467 = arith.constant 0 : i32
    %dma_wait3A_468 = arith.constant 0 : i32
    %dma_wait3A_469 = tpu.memref_slice %arg5[%arg0, %dma_wait3A_467, %dma_wait3A_468] : memref<2x10000x64xf32, #tpu.memory_space<hbm>> -> memref<1x10000x64xf32, #tpu.memory_space<hbm>>
    %dma_wait3A_470 = tpu.memref_squeeze %dma_wait3A_469 : memref<1x10000x64xf32, #tpu.memory_space<hbm>> -> memref<10000x64xf32, #tpu.memory_space<hbm>>
    %dma_wait3A_471 = arith.constant 0 : i32
    %dma_wait3A_472 = arith.constant 0 : i32
    %dma_wait3A_473 = tpu.memref_slice %dma_wait3A_470[%dma_wait3A_471, %dma_wait3A_472] : memref<10000x64xf32, #tpu.memory_space<hbm>> -> memref<10000x64xf32, #tpu.memory_space<hbm>>
    tpu.wait_indirect_dma semaphore(%arg17 : memref<!tpu.dma_semaphore, #tpu.memory_space<semaphore_mem>>) src(%dma_wait3A_473 : memref<10000x64xf32, #tpu.memory_space<hbm>>) dst(%arg10 : memref<128x64xf32, #tpu.memory_space<vmem>>)
    %dma_start3A_474 = arith.constant 19456 : i32
    %dma_start3A_475 = tpu.memref_slice %arg7[%dma_start3A_474] : memref<20000xi32, #tpu.memory_space<vmem>> -> memref<128xi32, #tpu.memory_space<vmem>>
    %dma_start3A_476 = arith.constant 0 : i32
    %dma_start3A_477 = arith.constant 0 : i32
    %dma_start3A_478 = tpu.memref_slice %arg14[%dma_start3A_476, %dma_start3A_477] : memref<10000x64xf32, #tpu.memory_space<vmem_shared>> -> memref<10000x64xf32, #tpu.memory_space<vmem_shared>>
    tpu.enqueue_indirect_dma source(%arg10 : memref<128x64xf32, #tpu.memory_space<vmem>>) target(%dma_start3A_478 : memref<10000x64xf32, #tpu.memory_space<vmem_shared>>) offsets(%dma_start3A_475 : memref<128xi32, #tpu.memory_space<vmem>>) semaphore(%arg23 : memref<!tpu.dma_semaphore, #tpu.memory_space<semaphore_mem>>) {add = true}
    %dma_wait3A_479 = arith.constant 19200 : i32
    %dma_wait3A_480 = tpu.memref_slice %arg7[%dma_wait3A_479] : memref<20000xi32, #tpu.memory_space<vmem>> -> memref<128xi32, #tpu.memory_space<vmem>>
    %dma_wait3A_481 = arith.constant 0 : i32
    %dma_wait3A_482 = arith.constant 0 : i32
    %dma_wait3A_483 = tpu.memref_slice %arg14[%dma_wait3A_481, %dma_wait3A_482] : memref<10000x64xf32, #tpu.memory_space<vmem_shared>> -> memref<10000x64xf32, #tpu.memory_space<vmem_shared>>
    tpu.wait_indirect_dma semaphore(%arg21 : memref<!tpu.dma_semaphore, #tpu.memory_space<semaphore_mem>>) src(%arg8 : memref<128x64xf32, #tpu.memory_space<vmem>>) dst(%dma_wait3A_483 : memref<10000x64xf32, #tpu.memory_space<vmem_shared>>)
    %dma_wait3A_484 = arith.constant 19584 : i32
    %dma_wait3A_485 = tpu.memref_slice %arg6[%dma_wait3A_484] : memref<20000xi32, #tpu.memory_space<vmem>> -> memref<128xi32, #tpu.memory_space<vmem>>
    %dma_wait3A_486 = arith.constant 0 : i32
    %dma_wait3A_487 = arith.constant 0 : i32
    %dma_wait3A_488 = tpu.memref_slice %arg5[%arg0, %dma_wait3A_486, %dma_wait3A_487] : memref<2x10000x64xf32, #tpu.memory_space<hbm>> -> memref<1x10000x64xf32, #tpu.memory_space<hbm>>
    %dma_wait3A_489 = tpu.memref_squeeze %dma_wait3A_488 : memref<1x10000x64xf32, #tpu.memory_space<hbm>> -> memref<10000x64xf32, #tpu.memory_space<hbm>>
    %dma_wait3A_490 = arith.constant 0 : i32
    %dma_wait3A_491 = arith.constant 0 : i32
    %dma_wait3A_492 = tpu.memref_slice %dma_wait3A_489[%dma_wait3A_490, %dma_wait3A_491] : memref<10000x64xf32, #tpu.memory_space<hbm>> -> memref<10000x64xf32, #tpu.memory_space<hbm>>
    tpu.wait_indirect_dma semaphore(%arg18 : memref<!tpu.dma_semaphore, #tpu.memory_space<semaphore_mem>>) src(%dma_wait3A_492 : memref<10000x64xf32, #tpu.memory_space<hbm>>) dst(%arg11 : memref<128x64xf32, #tpu.memory_space<vmem>>)
    %dma_start3A_493 = arith.constant 19584 : i32
    %dma_start3A_494 = tpu.memref_slice %arg7[%dma_start3A_493] : memref<20000xi32, #tpu.memory_space<vmem>> -> memref<128xi32, #tpu.memory_space<vmem>>
    %dma_start3A_495 = arith.constant 0 : i32
    %dma_start3A_496 = arith.constant 0 : i32
    %dma_start3A_497 = tpu.memref_slice %arg14[%dma_start3A_495, %dma_start3A_496] : memref<10000x64xf32, #tpu.memory_space<vmem_shared>> -> memref<10000x64xf32, #tpu.memory_space<vmem_shared>>
    tpu.enqueue_indirect_dma source(%arg11 : memref<128x64xf32, #tpu.memory_space<vmem>>) target(%dma_start3A_497 : memref<10000x64xf32, #tpu.memory_space<vmem_shared>>) offsets(%dma_start3A_494 : memref<128xi32, #tpu.memory_space<vmem>>) semaphore(%arg24 : memref<!tpu.dma_semaphore, #tpu.memory_space<semaphore_mem>>) {add = true}
    %dma_wait3A_498 = arith.constant 19328 : i32
    %dma_wait3A_499 = tpu.memref_slice %arg7[%dma_wait3A_498] : memref<20000xi32, #tpu.memory_space<vmem>> -> memref<128xi32, #tpu.memory_space<vmem>>
    %dma_wait3A_500 = arith.constant 0 : i32
    %dma_wait3A_501 = arith.constant 0 : i32
    %dma_wait3A_502 = tpu.memref_slice %arg14[%dma_wait3A_500, %dma_wait3A_501] : memref<10000x64xf32, #tpu.memory_space<vmem_shared>> -> memref<10000x64xf32, #tpu.memory_space<vmem_shared>>
    tpu.wait_indirect_dma semaphore(%arg22 : memref<!tpu.dma_semaphore, #tpu.memory_space<semaphore_mem>>) src(%arg9 : memref<128x64xf32, #tpu.memory_space<vmem>>) dst(%dma_wait3A_502 : memref<10000x64xf32, #tpu.memory_space<vmem_shared>>)
    %dma_wait3A_503 = arith.constant 19712 : i32
    %dma_wait3A_504 = tpu.memref_slice %arg6[%dma_wait3A_503] : memref<20000xi32, #tpu.memory_space<vmem>> -> memref<128xi32, #tpu.memory_space<vmem>>
    %dma_wait3A_505 = arith.constant 0 : i32
    %dma_wait3A_506 = arith.constant 0 : i32
    %dma_wait3A_507 = tpu.memref_slice %arg5[%arg0, %dma_wait3A_505, %dma_wait3A_506] : memref<2x10000x64xf32, #tpu.memory_space<hbm>> -> memref<1x10000x64xf32, #tpu.memory_space<hbm>>
    %dma_wait3A_508 = tpu.memref_squeeze %dma_wait3A_507 : memref<1x10000x64xf32, #tpu.memory_space<hbm>> -> memref<10000x64xf32, #tpu.memory_space<hbm>>
    %dma_wait3A_509 = arith.constant 0 : i32
    %dma_wait3A_510 = arith.constant 0 : i32
    %dma_wait3A_511 = tpu.memref_slice %dma_wait3A_508[%dma_wait3A_509, %dma_wait3A_510] : memref<10000x64xf32, #tpu.memory_space<hbm>> -> memref<10000x64xf32, #tpu.memory_space<hbm>>
    tpu.wait_indirect_dma semaphore(%arg19 : memref<!tpu.dma_semaphore, #tpu.memory_space<semaphore_mem>>) src(%dma_wait3A_511 : memref<10000x64xf32, #tpu.memory_space<hbm>>) dst(%arg12 : memref<128x64xf32, #tpu.memory_space<vmem>>)
    %dma_start3A_512 = arith.constant 19712 : i32
    %dma_start3A_513 = tpu.memref_slice %arg7[%dma_start3A_512] : memref<20000xi32, #tpu.memory_space<vmem>> -> memref<128xi32, #tpu.memory_space<vmem>>
    %dma_start3A_514 = arith.constant 0 : i32
    %dma_start3A_515 = arith.constant 0 : i32
    %dma_start3A_516 = tpu.memref_slice %arg14[%dma_start3A_514, %dma_start3A_515] : memref<10000x64xf32, #tpu.memory_space<vmem_shared>> -> memref<10000x64xf32, #tpu.memory_space<vmem_shared>>
    tpu.enqueue_indirect_dma source(%arg12 : memref<128x64xf32, #tpu.memory_space<vmem>>) target(%dma_start3A_516 : memref<10000x64xf32, #tpu.memory_space<vmem_shared>>) offsets(%dma_start3A_513 : memref<128xi32, #tpu.memory_space<vmem>>) semaphore(%arg25 : memref<!tpu.dma_semaphore, #tpu.memory_space<semaphore_mem>>) {add = true}
    %dma_wait3A_517 = arith.constant 19456 : i32
    %dma_wait3A_518 = tpu.memref_slice %arg7[%dma_wait3A_517] : memref<20000xi32, #tpu.memory_space<vmem>> -> memref<128xi32, #tpu.memory_space<vmem>>
    %dma_wait3A_519 = arith.constant 0 : i32
    %dma_wait3A_520 = arith.constant 0 : i32
    %dma_wait3A_521 = tpu.memref_slice %arg14[%dma_wait3A_519, %dma_wait3A_520] : memref<10000x64xf32, #tpu.memory_space<vmem_shared>> -> memref<10000x64xf32, #tpu.memory_space<vmem_shared>>
    tpu.wait_indirect_dma semaphore(%arg23 : memref<!tpu.dma_semaphore, #tpu.memory_space<semaphore_mem>>) src(%arg10 : memref<128x64xf32, #tpu.memory_space<vmem>>) dst(%dma_wait3A_521 : memref<10000x64xf32, #tpu.memory_space<vmem_shared>>)
    %dma_wait3A_522 = arith.constant 19840 : i32
    %dma_wait3A_523 = tpu.memref_slice %arg6[%dma_wait3A_522] : memref<20000xi32, #tpu.memory_space<vmem>> -> memref<128xi32, #tpu.memory_space<vmem>>
    %dma_wait3A_524 = arith.constant 0 : i32
    %dma_wait3A_525 = arith.constant 0 : i32
    %dma_wait3A_526 = tpu.memref_slice %arg5[%arg0, %dma_wait3A_524, %dma_wait3A_525] : memref<2x10000x64xf32, #tpu.memory_space<hbm>> -> memref<1x10000x64xf32, #tpu.memory_space<hbm>>
    %dma_wait3A_527 = tpu.memref_squeeze %dma_wait3A_526 : memref<1x10000x64xf32, #tpu.memory_space<hbm>> -> memref<10000x64xf32, #tpu.memory_space<hbm>>
    %dma_wait3A_528 = arith.constant 0 : i32
    %dma_wait3A_529 = arith.constant 0 : i32
    %dma_wait3A_530 = tpu.memref_slice %dma_wait3A_527[%dma_wait3A_528, %dma_wait3A_529] : memref<10000x64xf32, #tpu.memory_space<hbm>> -> memref<10000x64xf32, #tpu.memory_space<hbm>>
    tpu.wait_indirect_dma semaphore(%arg20 : memref<!tpu.dma_semaphore, #tpu.memory_space<semaphore_mem>>) src(%dma_wait3A_530 : memref<10000x64xf32, #tpu.memory_space<hbm>>) dst(%arg13 : memref<128x64xf32, #tpu.memory_space<vmem>>)
    %dma_start3A_531 = arith.constant 19840 : i32
    %dma_start3A_532 = tpu.memref_slice %arg7[%dma_start3A_531] : memref<20000xi32, #tpu.memory_space<vmem>> -> memref<128xi32, #tpu.memory_space<vmem>>
    %dma_start3A_533 = arith.constant 0 : i32
    %dma_start3A_534 = arith.constant 0 : i32
    %dma_start3A_535 = tpu.memref_slice %arg14[%dma_start3A_533, %dma_start3A_534] : memref<10000x64xf32, #tpu.memory_space<vmem_shared>> -> memref<10000x64xf32, #tpu.memory_space<vmem_shared>>
    tpu.enqueue_indirect_dma source(%arg13 : memref<128x64xf32, #tpu.memory_space<vmem>>) target(%dma_start3A_535 : memref<10000x64xf32, #tpu.memory_space<vmem_shared>>) offsets(%dma_start3A_532 : memref<128xi32, #tpu.memory_space<vmem>>) semaphore(%arg26 : memref<!tpu.dma_semaphore, #tpu.memory_space<semaphore_mem>>) {add = true}
    %dma_wait3A_536 = arith.constant 19584 : i32
    %dma_wait3A_537 = tpu.memref_slice %arg7[%dma_wait3A_536] : memref<20000xi32, #tpu.memory_space<vmem>> -> memref<128xi32, #tpu.memory_space<vmem>>
    %dma_wait3A_538 = arith.constant 0 : i32
    %dma_wait3A_539 = arith.constant 0 : i32
    %dma_wait3A_540 = tpu.memref_slice %arg14[%dma_wait3A_538, %dma_wait3A_539] : memref<10000x64xf32, #tpu.memory_space<vmem_shared>> -> memref<10000x64xf32, #tpu.memory_space<vmem_shared>>
    tpu.wait_indirect_dma semaphore(%arg24 : memref<!tpu.dma_semaphore, #tpu.memory_space<semaphore_mem>>) src(%arg11 : memref<128x64xf32, #tpu.memory_space<vmem>>) dst(%dma_wait3A_540 : memref<10000x64xf32, #tpu.memory_space<vmem_shared>>)
    %dma_wait3A_541 = arith.constant 19712 : i32
    %dma_wait3A_542 = tpu.memref_slice %arg7[%dma_wait3A_541] : memref<20000xi32, #tpu.memory_space<vmem>> -> memref<128xi32, #tpu.memory_space<vmem>>
    %dma_wait3A_543 = arith.constant 0 : i32
    %dma_wait3A_544 = arith.constant 0 : i32
    %dma_wait3A_545 = tpu.memref_slice %arg14[%dma_wait3A_543, %dma_wait3A_544] : memref<10000x64xf32, #tpu.memory_space<vmem_shared>> -> memref<10000x64xf32, #tpu.memory_space<vmem_shared>>
    tpu.wait_indirect_dma semaphore(%arg25 : memref<!tpu.dma_semaphore, #tpu.memory_space<semaphore_mem>>) src(%arg12 : memref<128x64xf32, #tpu.memory_space<vmem>>) dst(%dma_wait3A_545 : memref<10000x64xf32, #tpu.memory_space<vmem_shared>>)
    %dma_wait3A_546 = arith.constant 19840 : i32
    %dma_wait3A_547 = tpu.memref_slice %arg7[%dma_wait3A_546] : memref<20000xi32, #tpu.memory_space<vmem>> -> memref<128xi32, #tpu.memory_space<vmem>>
    %dma_wait3A_548 = arith.constant 0 : i32
    %dma_wait3A_549 = arith.constant 0 : i32
    %dma_wait3A_550 = tpu.memref_slice %arg14[%dma_wait3A_548, %dma_wait3A_549] : memref<10000x64xf32, #tpu.memory_space<vmem_shared>> -> memref<10000x64xf32, #tpu.memory_space<vmem_shared>>
    tpu.wait_indirect_dma semaphore(%arg26 : memref<!tpu.dma_semaphore, #tpu.memory_space<semaphore_mem>>) src(%arg13 : memref<128x64xf32, #tpu.memory_space<vmem>>) dst(%dma_wait3A_550 : memref<10000x64xf32, #tpu.memory_space<vmem_shared>>)
    %dma_start3A_551 = arith.constant 0 : i32
    %dma_start3A_552 = arith.constant 0 : i32
    %dma_start3A_553 = tpu.memref_slice %arg8[%dma_start3A_551, %dma_start3A_552] : memref<128x64xf32, #tpu.memory_space<vmem>> -> memref<32x64xf32, #tpu.memory_space<vmem>>
    %dma_start3A_554 = arith.constant 19968 : i32
    %dma_start3A_555 = tpu.memref_slice %arg6[%dma_start3A_554] : memref<20000xi32, #tpu.memory_space<vmem>> -> memref<32xi32, #tpu.memory_space<vmem>>
    %dma_start3A_556 = arith.constant 0 : i32
    %dma_start3A_557 = arith.constant 0 : i32
    %dma_start3A_558 = tpu.memref_slice %arg5[%arg0, %dma_start3A_556, %dma_start3A_557] : memref<2x10000x64xf32, #tpu.memory_space<hbm>> -> memref<1x10000x64xf32, #tpu.memory_space<hbm>>
    %dma_start3A_559 = tpu.memref_squeeze %dma_start3A_558 : memref<1x10000x64xf32, #tpu.memory_space<hbm>> -> memref<10000x64xf32, #tpu.memory_space<hbm>>
    %dma_start3A_560 = arith.constant 0 : i32
    %dma_start3A_561 = arith.constant 0 : i32
    %dma_start3A_562 = tpu.memref_slice %dma_start3A_559[%dma_start3A_560, %dma_start3A_561] : memref<10000x64xf32, #tpu.memory_space<hbm>> -> memref<10000x64xf32, #tpu.memory_space<hbm>>
    tpu.enqueue_indirect_dma source(%dma_start3A_562 : memref<10000x64xf32, #tpu.memory_space<hbm>>) target(%dma_start3A_553 : memref<32x64xf32, #tpu.memory_space<vmem>>) offsets(%dma_start3A_555 : memref<32xi32, #tpu.memory_space<vmem>>) semaphore(%arg15 : memref<!tpu.dma_semaphore, #tpu.memory_space<semaphore_mem>>)
    %dma_wait3A_563 = arith.constant 0 : i32
    %dma_wait3A_564 = arith.constant 0 : i32
    %dma_wait3A_565 = tpu.memref_slice %arg8[%dma_wait3A_563, %dma_wait3A_564] : memref<128x64xf32, #tpu.memory_space<vmem>> -> memref<32x64xf32, #tpu.memory_space<vmem>>
    %dma_wait3A_566 = arith.constant 19968 : i32
    %dma_wait3A_567 = tpu.memref_slice %arg6[%dma_wait3A_566] : memref<20000xi32, #tpu.memory_space<vmem>> -> memref<32xi32, #tpu.memory_space<vmem>>
    %dma_wait3A_568 = arith.constant 0 : i32
    %dma_wait3A_569 = arith.constant 0 : i32
    %dma_wait3A_570 = tpu.memref_slice %arg5[%arg0, %dma_wait3A_568, %dma_wait3A_569] : memref<2x10000x64xf32, #tpu.memory_space<hbm>> -> memref<1x10000x64xf32, #tpu.memory_space<hbm>>
    %dma_wait3A_571 = tpu.memref_squeeze %dma_wait3A_570 : memref<1x10000x64xf32, #tpu.memory_space<hbm>> -> memref<10000x64xf32, #tpu.memory_space<hbm>>
    %dma_wait3A_572 = arith.constant 0 : i32
    %dma_wait3A_573 = arith.constant 0 : i32
    %dma_wait3A_574 = tpu.memref_slice %dma_wait3A_571[%dma_wait3A_572, %dma_wait3A_573] : memref<10000x64xf32, #tpu.memory_space<hbm>> -> memref<10000x64xf32, #tpu.memory_space<hbm>>
    tpu.wait_indirect_dma semaphore(%arg15 : memref<!tpu.dma_semaphore, #tpu.memory_space<semaphore_mem>>) src(%dma_wait3A_574 : memref<10000x64xf32, #tpu.memory_space<hbm>>) dst(%dma_wait3A_565 : memref<32x64xf32, #tpu.memory_space<vmem>>)
    %dma_start3A_575 = arith.constant 0 : i32
    %dma_start3A_576 = arith.constant 0 : i32
    %dma_start3A_577 = tpu.memref_slice %arg8[%dma_start3A_575, %dma_start3A_576] : memref<128x64xf32, #tpu.memory_space<vmem>> -> memref<32x64xf32, #tpu.memory_space<vmem>>
    %dma_start3A_578 = arith.constant 19968 : i32
    %dma_start3A_579 = tpu.memref_slice %arg7[%dma_start3A_578] : memref<20000xi32, #tpu.memory_space<vmem>> -> memref<32xi32, #tpu.memory_space<vmem>>
    %dma_start3A_580 = arith.constant 0 : i32
    %dma_start3A_581 = arith.constant 0 : i32
    %dma_start3A_582 = tpu.memref_slice %arg14[%dma_start3A_580, %dma_start3A_581] : memref<10000x64xf32, #tpu.memory_space<vmem_shared>> -> memref<10000x64xf32, #tpu.memory_space<vmem_shared>>
    tpu.enqueue_indirect_dma source(%dma_start3A_577 : memref<32x64xf32, #tpu.memory_space<vmem>>) target(%dma_start3A_582 : memref<10000x64xf32, #tpu.memory_space<vmem_shared>>) offsets(%dma_start3A_579 : memref<32xi32, #tpu.memory_space<vmem>>) semaphore(%arg21 : memref<!tpu.dma_semaphore, #tpu.memory_space<semaphore_mem>>) {add = true}
    %dma_wait3A_583 = arith.constant 0 : i32
    %dma_wait3A_584 = arith.constant 0 : i32
    %dma_wait3A_585 = tpu.memref_slice %arg8[%dma_wait3A_583, %dma_wait3A_584] : memref<128x64xf32, #tpu.memory_space<vmem>> -> memref<32x64xf32, #tpu.memory_space<vmem>>
    %dma_wait3A_586 = arith.constant 19968 : i32
    %dma_wait3A_587 = tpu.memref_slice %arg7[%dma_wait3A_586] : memref<20000xi32, #tpu.memory_space<vmem>> -> memref<32xi32, #tpu.memory_space<vmem>>
    %dma_wait3A_588 = arith.constant 0 : i32
    %dma_wait3A_589 = arith.constant 0 : i32
    %dma_wait3A_590 = tpu.memref_slice %arg14[%dma_wait3A_588, %dma_wait3A_589] : memref<10000x64xf32, #tpu.memory_space<vmem_shared>> -> memref<10000x64xf32, #tpu.memory_space<vmem_shared>>
    tpu.wait_indirect_dma semaphore(%arg21 : memref<!tpu.dma_semaphore, #tpu.memory_space<semaphore_mem>>) src(%dma_wait3A_585 : memref<32x64xf32, #tpu.memory_space<vmem>>) dst(%dma_wait3A_590 : memref<10000x64xf32, #tpu.memory_space<vmem_shared>>)
    %barrier3A_591 = arith.constant 0 : index
    tpu.barrier barrier_id(%barrier3A_591)
    %mul3A_592 = arith.constant 64 : i32
    %mul3A_593 = arith.muli %arg0, %mul3A_592 : i32
    "tpu.region"() ({
      %run_scoped3A = tpu.sem_alloc : memref<!tpu.dma_semaphore, #tpu.memory_space<semaphore_mem>>
      %dma_start3A_594 = tpu.memref_slice %arg4[%mul3A_0, %mul3A_593] : memref<10000x128xf32, #tpu.memory_space<hbm>> -> memref<625x64xf32, #tpu.memory_space<hbm>>
      %dma_start3A_595 = arith.constant 0 : i32
      %dma_start3A_596 = tpu.memref_slice %arg14[%mul3A_0, %dma_start3A_595] : memref<10000x64xf32, #tpu.memory_space<vmem_shared>> -> memref<625x64xf32, #tpu.memory_space<vmem_shared>>
      tpu.enqueue_dma source(%dma_start3A_596 : memref<625x64xf32, #tpu.memory_space<vmem_shared>>) target(%dma_start3A_594 : memref<625x64xf32, #tpu.memory_space<hbm>>) target_semaphore(%run_scoped3A : memref<!tpu.dma_semaphore, #tpu.memory_space<semaphore_mem>>)
      %dma_wait3A_597 = tpu.memref_slice %arg4[%mul3A_0, %mul3A_593] : memref<10000x128xf32, #tpu.memory_space<hbm>> -> memref<625x64xf32, #tpu.memory_space<hbm>>
      %dma_wait3A_598 = arith.constant 0 : i32
      %dma_wait3A_599 = tpu.memref_slice %arg14[%mul3A_0, %dma_wait3A_598] : memref<10000x64xf32, #tpu.memory_space<vmem_shared>> -> memref<625x64xf32, #tpu.memory_space<vmem_shared>>
      tpu.wait_dma2 semaphore(%run_scoped3A : memref<!tpu.dma_semaphore, #tpu.memory_space<semaphore_mem>>) src(%dma_wait3A_599 : memref<625x64xf32, #tpu.memory_space<vmem_shared>>) dst(%dma_wait3A_597 : memref<625x64xf32, #tpu.memory_space<hbm>>)
      tpu.yield
    }) : () -> ()
    return
  }
}

module attributes {stable_mosaic.version = 14 : i64} {
  func.func @_combine_body(%arg0: i32, %arg1: memref<1000x128xf32, #tpu.memory_space<vmem>>, %arg2: memref<1000x128xf32, #tpu.memory_space<vmem>>, %arg3: memref<128x128xf32, #tpu.memory_space<vmem>>, %arg4: memref<128x128xf32, #tpu.memory_space<vmem>>, %arg5: memref<1x128xf32, #tpu.memory_space<vmem>>, %arg6: memref<1000x128xf32, #tpu.memory_space<vmem>>) attributes {dimension_semantics = [#tpu.dimension_semantics<arbitrary>], iteration_bounds = array<i64: 10>, scalar_prefetch = 0 : i64, scratch_operands = 0 : i64, tpu.core_type = #tpu.core_type<tc>, window_params = [{transform_indices = @transform_0, window_bounds = array<i64: 1000, 128>}, {transform_indices = @transform_1, window_bounds = array<i64: 1000, 128>}, {pipeline_mode = #tpu.pipeline_mode<synchronous>, transform_indices = @transform_2, window_bounds = array<i64: 128, 128>}, {pipeline_mode = #tpu.pipeline_mode<synchronous>, transform_indices = @transform_3, window_bounds = array<i64: 128, 128>}, {pipeline_mode = #tpu.pipeline_mode<synchronous>, transform_indices = @transform_4, window_bounds = array<i64: 1, 128>}, {transform_indices = @transform_5, window_bounds = array<i64: 1000, 128>}]} {
    %get3A = arith.constant 0 : index
    %get3A_0 = arith.constant 0 : index
    %get3A_1 = vector.load %arg1[%get3A, %get3A_0] : memref<1000x128xf32, #tpu.memory_space<vmem>>, vector<1000x128xf32>
    %get3A_2 = arith.constant 0 : index
    %get3A_3 = arith.constant 0 : index
    %get3A_4 = vector.load %arg3[%get3A_2, %get3A_3] : memref<128x128xf32, #tpu.memory_space<vmem>>, vector<128x128xf32>
    %dot_general3A = arith.constant dense<0.000000e+00> : vector<1000x128xf32>
    %dot_general3A_5 = tpu.matmul %get3A_1, %get3A_4, %dot_general3A {dimension_numbers = #tpu.dot_dimension_numbers<[1], [0], [0], [1], [0, 0, 1, 1], [], []>, transpose_lhs_hint = false} : vector<1000x128xf32>, vector<128x128xf32>, vector<1000x128xf32> -> vector<1000x128xf32>
    %get3A_6 = arith.constant 0 : index
    %get3A_7 = arith.constant 0 : index
    %get3A_8 = vector.load %arg2[%get3A_6, %get3A_7] : memref<1000x128xf32, #tpu.memory_space<vmem>>, vector<1000x128xf32>
    %get3A_9 = arith.constant 0 : index
    %get3A_10 = arith.constant 0 : index
    %get3A_11 = vector.load %arg4[%get3A_9, %get3A_10] : memref<128x128xf32, #tpu.memory_space<vmem>>, vector<128x128xf32>
    %dot_general3A_12 = arith.constant dense<0.000000e+00> : vector<1000x128xf32>
    %dot_general3A_13 = tpu.matmul %get3A_8, %get3A_11, %dot_general3A_12 {dimension_numbers = #tpu.dot_dimension_numbers<[1], [0], [0], [1], [0, 0, 1, 1], [], []>, transpose_lhs_hint = false} : vector<1000x128xf32>, vector<128x128xf32>, vector<1000x128xf32> -> vector<1000x128xf32>
    %add3A = arith.addf %dot_general3A_5, %dot_general3A_13 : vector<1000x128xf32>
    %get3A_14 = arith.constant 0 : index
    %get3A_15 = arith.constant 0 : index
    %get3A_16 = vector.load %arg5[%get3A_14, %get3A_15] : memref<1x128xf32, #tpu.memory_space<vmem>>, vector<1x128xf32>
    %add3A_17 = vector.broadcast %get3A_16 : vector<1x128xf32> to vector<1000x128xf32>
    %add3A_18 = arith.addf %add3A, %add3A_17 : vector<1000x128xf32>
    %max3A = arith.constant 0.000000e+00 : f32
    %max3A_19 = vector.broadcast %max3A : f32 to vector<1000x128xf32>
    %max3A_20 = arith.maximumf %add3A_18, %max3A_19 : vector<1000x128xf32>
    %swap3A = arith.constant 0 : index
    %swap3A_21 = arith.constant 0 : index
    %swap3A_22 = vector.load %arg6[%swap3A, %swap3A_21] : memref<1000x128xf32, #tpu.memory_space<vmem>>, vector<1000x128xf32>
    tpu.vector_store %arg6[%swap3A, %swap3A_21], %max3A_20 {strides = array<i32>} : memref<1000x128xf32, #tpu.memory_space<vmem>>, vector<1000x128xf32>,
    return
  }
  func.func @transform_0(%arg0: i32) -> (i32, i32) {
    %c0_i32 = arith.constant 0 : i32
    %c0_i32_0 = arith.constant 0 : i32
    return %arg0, %c0_i32 : i32, i32
  }
  func.func @transform_1(%arg0: i32) -> (i32, i32) {
    %c0_i32 = arith.constant 0 : i32
    %c0_i32_0 = arith.constant 0 : i32
    return %arg0, %c0_i32 : i32, i32
  }
  func.func @transform_2(%arg0: i32) -> (i32, i32) {
    %c0_i32 = arith.constant 0 : i32
    %c0_i32_0 = arith.constant 0 : i32
    %c0_i32_1 = arith.constant 0 : i32
    return %c0_i32, %c0_i32_0 : i32, i32
  }
  func.func @transform_3(%arg0: i32) -> (i32, i32) {
    %c0_i32 = arith.constant 0 : i32
    %c0_i32_0 = arith.constant 0 : i32
    %c0_i32_1 = arith.constant 0 : i32
    return %c0_i32, %c0_i32_0 : i32, i32
  }
  func.func @transform_4(%arg0: i32) -> (i32, i32) {
    %c0_i32 = arith.constant 0 : i32
    %c0_i32_0 = arith.constant 0 : i32
    %c0_i32_1 = arith.constant 0 : i32
    return %c0_i32, %c0_i32_0 : i32, i32
  }
  func.func @transform_5(%arg0: i32) -> (i32, i32) {
    %c0_i32 = arith.constant 0 : i32
    %c0_i32_0 = arith.constant 0 : i32
    return %arg0, %c0_i32 : i32, i32
  }
}

module attributes {stable_mosaic.version = 14 : i64} {
  func.func @_combine_body(%arg0: i32, %arg1: memref<1000x128xf32, #tpu.memory_space<vmem>>, %arg2: memref<1000x128xf32, #tpu.memory_space<vmem>>, %arg3: memref<128x128xf32, #tpu.memory_space<vmem>>, %arg4: memref<128x128xf32, #tpu.memory_space<vmem>>, %arg5: memref<1x128xf32, #tpu.memory_space<vmem>>, %arg6: memref<1000x128xf32, #tpu.memory_space<vmem>>) attributes {dimension_semantics = [#tpu.dimension_semantics<arbitrary>], iteration_bounds = array<i64: 10>, scalar_prefetch = 0 : i64, scratch_operands = 0 : i64, tpu.core_type = #tpu.core_type<tc>, window_params = [{transform_indices = @transform_0, window_bounds = array<i64: 1000, 128>}, {transform_indices = @transform_1, window_bounds = array<i64: 1000, 128>}, {pipeline_mode = #tpu.pipeline_mode<synchronous>, transform_indices = @transform_2, window_bounds = array<i64: 128, 128>}, {pipeline_mode = #tpu.pipeline_mode<synchronous>, transform_indices = @transform_3, window_bounds = array<i64: 128, 128>}, {pipeline_mode = #tpu.pipeline_mode<synchronous>, transform_indices = @transform_4, window_bounds = array<i64: 1, 128>}, {transform_indices = @transform_5, window_bounds = array<i64: 1000, 128>}]} {
    %get3A = arith.constant 0 : index
    %get3A_0 = arith.constant 0 : index
    %get3A_1 = vector.load %arg1[%get3A, %get3A_0] : memref<1000x128xf32, #tpu.memory_space<vmem>>, vector<1000x128xf32>
    %get3A_2 = arith.constant 0 : index
    %get3A_3 = arith.constant 0 : index
    %get3A_4 = vector.load %arg3[%get3A_2, %get3A_3] : memref<128x128xf32, #tpu.memory_space<vmem>>, vector<128x128xf32>
    %dot_general3A = arith.constant dense<0.000000e+00> : vector<1000x128xf32>
    %dot_general3A_5 = tpu.matmul %get3A_1, %get3A_4, %dot_general3A {dimension_numbers = #tpu.dot_dimension_numbers<[1], [0], [0], [1], [0, 0, 1, 1], [], []>, transpose_lhs_hint = false} : vector<1000x128xf32>, vector<128x128xf32>, vector<1000x128xf32> -> vector<1000x128xf32>
    %get3A_6 = arith.constant 0 : index
    %get3A_7 = arith.constant 0 : index
    %get3A_8 = vector.load %arg2[%get3A_6, %get3A_7] : memref<1000x128xf32, #tpu.memory_space<vmem>>, vector<1000x128xf32>
    %get3A_9 = arith.constant 0 : index
    %get3A_10 = arith.constant 0 : index
    %get3A_11 = vector.load %arg4[%get3A_9, %get3A_10] : memref<128x128xf32, #tpu.memory_space<vmem>>, vector<128x128xf32>
    %dot_general3A_12 = arith.constant dense<0.000000e+00> : vector<1000x128xf32>
    %dot_general3A_13 = tpu.matmul %get3A_8, %get3A_11, %dot_general3A_12 {dimension_numbers = #tpu.dot_dimension_numbers<[1], [0], [0], [1], [0, 0, 1, 1], [], []>, transpose_lhs_hint = false} : vector<1000x128xf32>, vector<128x128xf32>, vector<1000x128xf32> -> vector<1000x128xf32>
    %add3A = arith.addf %dot_general3A_5, %dot_general3A_13 : vector<1000x128xf32>
    %get3A_14 = arith.constant 0 : index
    %get3A_15 = arith.constant 0 : index
    %get3A_16 = vector.load %arg5[%get3A_14, %get3A_15] : memref<1x128xf32, #tpu.memory_space<vmem>>, vector<1x128xf32>
    %add3A_17 = vector.broadcast %get3A_16 : vector<1x128xf32> to vector<1000x128xf32>
    %add3A_18 = arith.addf %add3A, %add3A_17 : vector<1000x128xf32>
    %max3A = arith.constant 0.000000e+00 : f32
    %max3A_19 = vector.broadcast %max3A : f32 to vector<1000x128xf32>
    %max3A_20 = arith.maximumf %add3A_18, %max3A_19 : vector<1000x128xf32>
    %swap3A = arith.constant 0 : index
    %swap3A_21 = arith.constant 0 : index
    %swap3A_22 = vector.load %arg6[%swap3A, %swap3A_21] : memref<1000x128xf32, #tpu.memory_space<vmem>>, vector<1000x128xf32>
    tpu.vector_store %arg6[%swap3A, %swap3A_21], %max3A_20 {strides = array<i32>} : memref<1000x128xf32, #tpu.memory_space<vmem>>, vector<1000x128xf32>,
    return
  }
  func.func @transform_0(%arg0: i32) -> (i32, i32) {
    %c0_i32 = arith.constant 0 : i32
    %c0_i32_0 = arith.constant 0 : i32
    return %arg0, %c0_i32 : i32, i32
  }
  func.func @transform_1(%arg0: i32) -> (i32, i32) {
    %c0_i32 = arith.constant 0 : i32
    %c0_i32_0 = arith.constant 0 : i32
    return %arg0, %c0_i32 : i32, i32
  }
  func.func @transform_2(%arg0: i32) -> (i32, i32) {
    %c0_i32 = arith.constant 0 : i32
    %c0_i32_0 = arith.constant 0 : i32
    %c0_i32_1 = arith.constant 0 : i32
    return %c0_i32, %c0_i32_0 : i32, i32
  }
  func.func @transform_3(%arg0: i32) -> (i32, i32) {
    %c0_i32 = arith.constant 0 : i32
    %c0_i32_0 = arith.constant 0 : i32
    %c0_i32_1 = arith.constant 0 : i32
    return %c0_i32, %c0_i32_0 : i32, i32
  }
  func.func @transform_4(%arg0: i32) -> (i32, i32) {
    %c0_i32 = arith.constant 0 : i32
    %c0_i32_0 = arith.constant 0 : i32
    %c0_i32_1 = arith.constant 0 : i32
    return %c0_i32, %c0_i32_0 : i32, i32
  }
  func.func @transform_5(%arg0: i32) -> (i32, i32) {
    %c0_i32 = arith.constant 0 : i32
    %c0_i32_0 = arith.constant 0 : i32
    return %arg0, %c0_i32 : i32, i32
  }
}

</mosaic_0001>

<sc_bundles>
// kernel: kernel.6.cloned.1.call-start
scs
__scs_entry_jumppad:
0x0: {  	(pc) =	sbr.rel $0x88, $3  }
0x1: {  	(tag) =	ssettag $0x0;
	lr =	simm.s32 $0x1  }
0x2: {  	[smem:$0x3F99] =	sst lr;
	_ =	strace $0xD0000000  }
0x3: {  	_ = 	snop  }
0x4: {  	_ = 	snop  }
0x5: {  	_ = 	snop  }
0x6: {  	_ = 	snop  }
0x7: {  	_ = 	snop  }
__scs_overlays_trampoline_lowered:
0x8: {  	[smem:$0x3FA8] =	sst s0  }
0x9: {  	[smem:$0x3FA9] =	sst s1  }
0xa: {  	[smem:$0x3FAA] =	sst s2  }
0xb: {  	[smem:$0x3FAB] =	sst s3  }
0xc: {  	[smem:$0x3FAC] =	sst s4  }
0xd: {  	[smem:$0x3FAD] =	sst s5  }
0xe: {  	[smem:$0x3FAE] =	sst s6  }
0xf: {  	[smem:$0x3FAF] =	sst s7  }
0x10: {  	[smem:$0x3FB0] =	sst s8  }
0x11: {  	[smem:$0x3FB1] =	sst s9;
	s0 =	simm.s32 @!p0 $0x0  }
0x12: {  	s1 =	sld [smem:$0x3F97];
	s0 =	simm.s32 @p0 $0x1  }
0x13: {  	[smem:$0x3FB2] =	sst s0;
	s0 =	simm.s32 @!p1 $0x0  }
0x14: {  	s2 =	sld [smem:$0x3F96];
	s0 =	simm.s32 @p1 $0x1  }
0x15: {  	[smem:$0x3FB3] =	sst s0;
	s0 =	simm.s32 @!p2 $0x0  }
0x16: {  	s3 =	sld [smem:$0x3FDB];
	s0 =	simm.s32 @p2 $0x1  }
0x17: {  	s4 =	simm.s32 $0x1BF5;
	[smem:$0x3FB5] =	sst s0  }
0x18: {  	s0 =	sld [smem:$0x3F98];
	_ =	swait.ge [sflag:s4], $0x0  }
0x19: {  	s7 =	sld [smem:$0x3F99]  }
0x1a: {  	s8 =	sadd.s32 $0xFFFFE003, lr  }
0x1b: {  	s9 =	sadd.s32 $0xFFFFFEF7, lr;
	s5 =	simm.s32 $0xFFFFFFFF;
	p2 =	slt.u32 s8, $0xFFFFF086  }
0x1c: {  	p1 =	slt.u32 s9, $0xF7A;
	s5 =	simm.s32 @!p2 $0x0  }
0x1d: {  	s5 =	simm.s32 @p1 $0x1;
	p0 =	seq.s32 s7, s2  }
0x1e: {  	s7 =	smul.u32 @!p0 $0xF7A, s2;
	p2 =	seq.s32 @!p0 s5, $0x0  }
0x1f: {  	s9 =	smul.u32 $0xF7A, s1;
	s8 =	simm.s32 @!p0 $0x1BF5;
	p2 =	por !p2, p0  }
0x20: {  	[sflag:s8] =	ssyncset.s32 @!p0 $0xFFFFF086;
	s6 =	sadd.s32 @!p0 s3, s7;
	s7 =	simm.s32 @!p0 $0x108  }
0x21: {  	s3 =	sadd.s32 s3, s9;
	s6 =	sadd.s32 @!p0 $0x88, s6;
	s7 =	simm.s32 @p2 $0x1082  }
0x22: {  	[simem:s7], [sflag:s8] =	dma.local @!p0 [hbm:s6], $0xF7A  }
0x23: {  	s9 =	sor.u32 $0xD0000000, s2;
	s6 =	simm.s32 $0x108;
	_ =	swait.ge @!p0 [sflag:s8], $0x0  }
0x24: {  	s3 =	sadd.s32 $0x88, s3;
	s6 =	simm.s32 @!p1 $0x1082;
	[sflag:s4] =	ssyncset.s32 $0xFFFFF086  }
0x25: {  	[simem:s6], [sflag:s4] =	dma.local [hbm:s3], $0xF7A  }
0x26: {  	[smem:$0x3F99] =	sst s1;
	(tag) =	ssettag s2;
	_ =	strace s9  }
0x27: {  	s1 =	sld [smem:$0x3FA9]  }
0x28: {  	s2 =	sld [smem:$0x3FAA]  }
0x29: {  	s4 =	sld [smem:$0x3FAC]  }
0x2a: {  	p0 =	seq.s32 s5, $0x0;
	s5 =	sld [smem:$0x3FAD]  }
0x2b: {  	s6 =	sld [smem:$0x3FAE]  }
0x2c: {  	s7 =	sld [smem:$0x3FAF]  }
0x2d: {  	s3 =	simm.s32 $0x108;
	s8 =	sld [smem:$0x3FB0]  }
0x2e: {  	s3 =	simm.s32 @!p0 $0x1082;
	s9 =	sld [smem:$0x3FB1]  }
0x2f: {  	lr =	sadd.s32 s0, s3;
	s0 =	sld [smem:$0x3FA8]  }
0x30: {  	s3 =	sld [smem:$0x3FAB]  }
0x31: {  	[smem:$0x3FB4] =	sst s10  }
0x32: {  	s10 =	sld [smem:$0x3FB2];
	_ =	sdelay $0x3  }
0x33: {  	p0 =	seq.s32 s10, $0x1;
	s10 =	sld [smem:$0x3FB4];
	_ =	sdelay $0x3  }
0x34: {  	[smem:$0x3FB4] =	sst s10  }
0x35: {  	s10 =	sld [smem:$0x3FB3];
	_ =	sdelay $0x3  }
0x36: {  	p1 =	seq.s32 s10, $0x1;
	s10 =	sld [smem:$0x3FB4];
	_ =	sdelay $0x3  }
0x37: {  	[smem:$0x3FB4] =	sst s10  }
0x38: {  	s10 =	sld [smem:$0x3FB5]  }
0x39: {  	_ = 	snop;
	(pc) =	sbr.ind lr, $3  }
0x3a: {  	_ = 	snop  }
0x3b: {  	_ = 	snop  }
0x3c: {  	p2 =	seq.s32 s10, $0x1;
	s10 =	sld [smem:$0x3FB4]  }
0x3d: {  	_ =	shalt  }
0x3e: {  	_ =	shalt  }
0x3f: {  	_ =	shalt  }
0x40: {  	_ =	shalt  }
0x41: {  	_ =	shalt  }
0x42: {  	_ =	shalt  }
0x43: {  	_ =	shalt  }
0x44: {  	_ =	shalt  }
0x45: {  	_ =	shalt  }
0x46: {  	_ =	shalt  }
0x47: {  	_ =	shalt  }
0x48: {  	_ =	shalt  }
0x49: {  	_ =	shalt  }
0x4a: {  	_ =	shalt  }
0x4b: {  	_ =	shalt  }
0x4c: {  	_ =	shalt  }
0x4d: {  	_ =	shalt  }
0x4e: {  	_ =	shalt  }
0x4f: {  	_ =	shalt  }
0x50: {  	_ =	shalt  }
0x51: {  	_ =	shalt  }
0x52: {  	_ =	shalt  }
0x53: {  	_ =	shalt  }
0x54: {  	_ =	shalt  }
0x55: {  	_ =	shalt  }
0x56: {  	_ =	shalt  }
0x57: {  	_ =	shalt  }
0x58: {  	_ =	shalt  }
0x59: {  	_ =	shalt  }
0x5a: {  	_ =	shalt  }
0x5b: {  	_ =	shalt  }
0x5c: {  	_ =	shalt  }
0x5d: {  	_ =	shalt  }
0x5e: {  	_ =	shalt  }
0x5f: {  	_ =	shalt  }
0x60: {  	_ =	shalt  }
0x61: {  	_ =	shalt  }
0x62: {  	_ =	shalt  }
0x63: {  	_ =	shalt  }
0x64: {  	_ =	shalt  }
0x65: {  	_ =	shalt  }
0x66: {  	_ =	shalt  }
0x67: {  	_ =	shalt  }
0x68: {  	_ =	shalt  }
0x69: {  	_ =	shalt  }
0x6a: {  	_ =	shalt  }
0x6b: {  	_ =	shalt  }
0x6c: {  	_ =	shalt  }
0x6d: {  	_ =	shalt  }
0x6e: {  	_ =	shalt  }
0x6f: {  	_ =	shalt  }
0x70: {  	_ =	shalt  }
0x71: {  	_ =	shalt  }
0x72: {  	_ =	shalt  }
0x73: {  	_ =	shalt  }
0x74: {  	_ =	shalt  }
0x75: {  	_ =	shalt  }
0x76: {  	_ =	shalt  }
0x77: {  	_ =	shalt  }
0x78: {  	_ =	shalt  }
0x79: {  	_ =	shalt  }
0x7a: {  	_ =	shalt  }
0x7b: {  	_ =	shalt  }
0x7c: {  	_ =	shalt  }
0x7d: {  	_ =	shalt  }
0x7e: {  	_ =	shalt  }
0x7f: {  	_ =	shalt  }
0x80: {  	_ =	shalt  }
0x81: {  	_ =	shalt  }
0x82: {  	_ =	shalt  }
0x83: {  	_ =	shalt  }
0x84: {  	_ =	shalt  }
0x85: {  	_ =	shalt  }
0x86: {  	_ =	shalt  }
0x87: {  	_ =	shalt  }
.Lfunc_end0:
.L_simem_size_0:
called_computation_lowered:
.L_overlay_start_0:
0x88: {  	s2 =	sld [smem:$0x3FD9]  }
0x89: {  	s3 =	sld [smem:$0x3FFE];
	_ =	sdelay $0x1  }
0x8a: {  	s1 =	srdreg.scid  }
0x8b: {  	s0 =	sand.u32 $0x1, s1  }
0x8c: {  	s17 =	sshll.u32 s0, $0xA;
	s2 =	sadd.s32 s3, s2  }
0x8d: {  	s2 =	sadd.s32 s2, s17  }
0x8e: {  	[smem:$0x3FC0] =	sst s2  }
0x8f: {  	_ = 	snop  }
0x90: {  	s2 =	sld [smem:$0x3FC9]  }
0x91: {  	s18 =	sld [smem:$0x3FD0];
	(tm) =	ssettm $0x1  }
0x92: {  	s4 =	sld [smem:$0x3FFB];
	_ =	sdelay $0x3  }
0x93: {  	_ =	strace s4  }
0x94: {  	s4 =	sld [smem:$0x3FFC];
	_ =	sdelay $0x3  }
0x95: {  	_ =	strace s4  }
0x96: {  	s4 =	sld [smem:$0x3FFD];
	_ =	sdelay $0x3  }
0x97: {  	_ =	strace s4  }
0x98: {  	_ =	strace $0x8FFFFFFF  }
0x99: {  	s19 =	sld [smem:$0x3FDB];
	_ =	sdelay $0x1  }
0x9a: {  	s5 =	simm.s32 $_scs_section_size  }
0x9b: {  	s6 =	simm.s32 $_size__tile_overlayer_lowered;
	s7 =	simm.s32 $_tile_overlayer_lowered  }
0x9c: {  	s22 =	simm.s32 $0x1BFF;
	s21 =	sshll.u32 s7, $0x1;
	s4 =	sadd.s32 s5, s19  }
0x9d: {  	s8 =	simm.s32 $0x0;
	s20 =	sshll.u32 s6, $0x1;
	s6 =	sadd.s32 s21, s4  }
0x9e: {  	[timem:s8], [sflag:s22] =	dma.local [hbm:s6], s20  }
0x9f: {  	_ =	swait.ge [sflag:s22], s20  }
0xa0: {  	s5 =	ssub.s32 $0x0, s20;
	[sflag:s22] =	ssyncset.done $0x0  }
0xa1: {  	[sflag:s22] =	ssyncadd.s32 s5;
	_ =	sdelay $0x1  }
0xa2: {  	s23 =	simm.s32 $0x1B8B  }
0xa3: {  	_ =	swait.ge [sflag:s23], $0x1  }
0xa4: {  	[sflag:s23] =	ssyncset.done $0x0  }
0xa5: {  	s25 =	simm.s32 $0x1B8E;
	s24 =	sld [smem:$0x3FFE];
	[sflag:s23] =	ssyncadd.s32 $0xFFFFFFFF  }
0xa6: {  	s26 =	simm.s32 $execute0_lowered;
	[smem:$0x3FD2] =	sst s25  }
0xa7: {  	s6 =	sshll.u32 s26, $0x1;
	_ =	strace $0x80000046;
	[dreg:$0x1] =	wrdreg $0xFFFFFFFF  }
0xa8: {  	s28 =	simm.s32 $_size_execute0_lowered;
	s4 =	sadd.s32 s4, s6;
	[dreg:$0x0] =	wrdreg $0x0  }
0xa9: {  	s6 =	sshll.u32 s28, $0x1;
	[dreg:$0x2] =	wrdreg s4  }
0xaa: {  	[dreg:$0x3] =	wrdreg s6  }
0xab: {  	[dreg:$0x4] =	wrdreg $0xC0  }
0xac: {  	_ =	task [dreg:s8], $0x5FFFF  }
0xad: {  	[dreg:$0x1] =	wrdreg $0xFFFFFFFF  }
0xae: {  	[dreg:$0x0] =	wrdreg $0x60  }
0xaf: {  	[dreg:$0x2] =	wrdreg s2  }
0xb0: {  	[dreg:$0x3] =	wrdreg s24  }
0xb1: {  	[dreg:$0x4] =	wrdreg s18  }
0xb2: {  	[dreg:$0x5] =	wrdreg $0x15C400  }
0xb3: {  	[dreg:$0x6] =	wrdreg $0x9  }
0xb4: {  	_ =	task.clear_ibuf [dreg:s8], $0x7FFFF;
	_ =	strace $0x90000046  }
0xb5: {  	s29 =	simm.s32 $0x9;
	_ =	strace $0x80000048  }
0xb6: {  	_ =	swait.ge [sflag:s29], $0x1  }
0xb7: {  	[sflag:s29] =	ssyncadd.s32 $0xFFFFFFFF  }
0xb8: {  	_ =	strace $0x90000048  }
0xb9: {  	_ =	sfence  }
0xba: {  	s30 =	sld [smem:$0x0];
	_ =	sdelay $0x2  }
0xbb: {  	s31 =	sshll.u32 s1, $0xD;
	s1 =	sshrl.u32 s1, $0x2  }
0xbc: {  	s3 =	sand.u32 $0x4000, s31;
	s1 =	sadd.s32 s1, s30  }
0xbd: {  	s0 =	sor.u32 s3, s0;
	s1 =	sshll.u32 s1, $0x11  }
0xbe: {  	s0 =	sor.u32 s1, s0  }
0xbf: {  	s0 =	sadd.s32 $0x8F2B, s0  }
0xc0: {  	[sflag:s0] =	ssyncadd.remote.s32 $0x1  }
0xc1: {  	_ =	sfence.sel $0xFFFF  }
0xc2: {  	[dreg:$0x0] =	wrdreg $0xFFFFFFFF;
	(pc) =	sbr.abs _section_cstart, $3  }
0xc3: {  	[dreg:$0x1] =	wrdreg $0xFFFFFFFF  }
0xc4: {  	_ =	task.clear_ibuf [dreg:s8], $0x2FFFF;
	_ =	strace $0x9FFFFFFF  }
0xc5: {  	(tm) =	ssettm $0x7FFFFFFF  }
tec
execute0_lowered:
.L_overlay_start_1:
0x0: {  	(tag) =	ssettag $0x1  }
0x1: {  	s0 =	rddreg [dreg:$0x0]  }
0x2: {  	s1 =	rddreg [dreg:$0x1]  }
0x3: {  	s3 =	rddreg [dreg:$0x2]  }
0x4: {  	s2 =	rddreg [dreg:$0x3];
	s11 =	stileid.u32  }
0x5: {  	s5 =	simm.s32 $0x0;
	s4 =	srdreg.scid;
	s23 =	smul.u32 $0x4E20, s11  }
0x6: {  	s28 =	simm.s32 $0x80;
	s29 =	simm.s32 $0x9C40;
	s8 =	smul.u32 $0x271, s11  }
0x7: {  	s30 =	simm.s32 $0xDC40;
	s31 =	simm.s32 $0x3;
	s25 =	smul.u32 $0x13880, s11  }
0x8: {  	[smem:$0x7FF] =	sst s5;
	s4 =	sand.u32 $0x1, s4;
	s11 =	smul.u32 $0x9C40, s11  }
0x9: {  	_ =	strace $0x80000047;
	s6 =	smul.u32 $0x13880, s4;
	s7 =	ssub.s32 $0x2, s4  }
0xa: {  	s4 =	sshll.u32 s4, $0x6;
	s5 =	sshrl.u32 s23, $0x3;
	s24 =	sshrl.u32 s7, $0x1  }
0xb: {  	s10 =	sadd.s32 $0x80, s8;
	s23 =	sadd.s32 $0x100, s8;
	s14 =	sadd.s32 $0x180, s8  }
0xc: {  	s8 =	sadd.s32 $0x200, s8;
	s5 =	sadd.s32 s5, s1;
	s1 =	sadd.s32 s6, s1  }
0xd: {  	s7 =	ssub.s32 s7, s24;
	s26 =	sshll.u32 s10, $0x7;
	s6 =	sor.u32 s4, s25  }
0xe: {  	s24 =	sshll.u32 s10, $0x3;
	s13 =	sshll.u32 s23, $0x7;
	s10 =	sshll.u32 s10, $0x6  }
0xf: {  	s15 =	sshll.u32 s14, $0x7;
	s16 =	sshll.u32 s23, $0x6;
	s17 =	sshll.u32 s8, $0x7  }
0x10: {  	s18 =	sshll.u32 s23, $0x3;
	s19 =	sshll.u32 s14, $0x3;
	s20 =	sshll.u32 s14, $0x6  }
0x11: {  	s21 =	sshll.u32 s8, $0x6;
	s22 =	sshll.u32 s8, $0x3;
	s8 =	simm.s32 $0xFC40  }
0x12: {  	s14 =	simm.s32 $0xA;
	s9 =	sadd.s32 $0x2C00, s5;
	s5 =	sadd.s32 $0xC840, s5  }
0x13: {  	s13 =	sor.u32 s4, s13;
	s10 =	sadd.s32 s10, s2;
	s23 =	smax.u32 s7, $0x1  }
0x14: {  	s7 =	simm.s32 $0x2;
	[dreg:$0x5] =	wrdreg s9;
	s9 =	sor.u32 s4, s26  }
0x15: {  	[dreg:$0x6] =	wrdreg s5;
	s5 =	sshrl.u32 s6, $0x3;
	s6 =	sadd.s32 s11, s2  }
0x16: {  	[dreg:$0x9] =	wrdreg s10;
	s25 =	sshrl.u32 s13, $0x3;
	s26 =	sor.u32 s4, s15  }
0x17: {  	s4 =	sor.u32 s4, s17;
	s13 =	sadd.s32 s20, s2;
	[dreg:$0x11] =	wrdreg s23  }
0x18: {  	s20 =	simm.s32 $0xBC40;
	s17 =	simm.s32 $0xD;
	s9 =	sshrl.u32 s9, $0x3  }
0x19: {  	s12 =	sadd.s32 s0, s5;
	s10 =	sadd.s32 s0, s25;
	s15 =	sshrl.u32 s26, $0x3  }
0x1a: {  	s4 =	sshrl.u32 s4, $0x3;
	[dreg:$0xd] =	wrdreg s13;
	s3 =	sadd.s32 s3, s5  }
0x1b: {  	s5 =	simm.s32 $0x1;
	s13 =	simm.s32 $0x6;
	[dreg:$0x7] =	wrdreg s12  }
0x1c: {  	s9 =	sadd.s32 s0, s9;
	s12 =	sshrl.u32 s11, $0x3;
	[dreg:$0xa] =	wrdreg s10  }
0x1d: {  	s10 =	sadd.s32 s0, s15;
	s0 =	sadd.s32 s0, s4;
	[dreg:$0x10] =	wrdreg s3  }
0x1e: {  	s3 =	simm.s32 $0x7;
	s4 =	simm.s32 $0x9;
	[dreg:$0x8] =	wrdreg s9  }
0x1f: {  	s11 =	simm.s32 $0x13C40;
	s15 =	simm.s32 $0xC;
	[dreg:$0xb] =	wrdreg s10  }
0x20: {  	s9 =	sadd.s32 $0x16600, s1;
	s10 =	sadd.s32 s16, s2;
	[dreg:$0xe] =	wrdreg s0  }
0x21: {  	s0 =	sadd.s32 s21, s2;
	s16 =	simm.s32 $0x20;
	[dreg:$0xc] =	wrdreg s10  }
0x22: {  	[dreg:$0xf] =	wrdreg s0;
	s1 =	sadd.s32 s12, s9;
	s24 =	sadd.s32 s24, s9  }
0x23: {  	s25 =	sadd.s32 s18, s9;
	s26 =	sadd.s32 s19, s9;
	[dreg:$0x12] =	wrdreg s1  }
0x24: {  	s0 =	simm.s32 $0x4;
	s10 =	simm.s32 $0x11C40;
	[dreg:$0x13] =	wrdreg s24  }
0x25: {  	s12 =	simm.s32 $0x5;
	s19 =	simm.s32 $0xB;
	[dreg:$0x14] =	wrdreg s25  }
0x26: {  	s18 =	simm.s32 $0x0;
	[dreg:$0x15] =	wrdreg s26;
	s25 =	sadd.s32 s22, s9  }
0x27: {  	v0 =	vimm.f32 $0.0e+00;
	s26 =	simm.s32 $0x40;
	s1 =	simm.s32 $0x8;
	s24 =	simm.s32 $0x10  }
.LBB2_1:
0x28: {  	s21 =	simm.s32 $0x0;
	s22 =	rddreg [dreg:$0x5]  }
0x29: {  	[tilespmem:s21], [sflag:$0x1] =	stream.linear.gather [hbm4b:s22+s21], $0x4E20, $0x38;
	[tilespmem:$0x1F880] =	vst v63  }
0x2a: {  	s23 =	simm.s32 $0x4E20;
	s22 =	rddreg [dreg:$0x6]  }
0x2b: {  	[tilespmem:s23], [sflag:$0x2] =	stream.linear.gather [hbm4b:s22+s21], $0x4E20, $0x38;
	[tilespmem:$0x1F880] =	vst v63  }
0x2c: {  	s22 =	simm.s32 $0x100;
	s21 =	simm.s32 $0x0  }
.LBB2_2:
0x2d: {  	p0 =	sne.s32 s22, $0x7F00;
	[tilespmem:s21+$0xBC70] =	vst v0;
	s23 =	smov.u32 s22;
	s22 =	sadd.s32 $0x100, s22  }
.Ltmp0:
0x2e: {  	[tilespmem:s21+$0xBC60] =	vst v0;
	(pc) =	sbr.rel @p0 .LBB2_2-.Ltmp0, $3  }
0x2f: {  	[tilespmem:s21+$0xBC40] =	vst v0  }
0x30: {  	[tilespmem:s21+$0xBC50] =	vst v0;
	_ =	sdelay $0x1  }
0x31: {  	s21 =	sshra.s32 s23, $0x2  }
0x32: {  	[tilespmem:s21+$0xBC70] =	vst v0  }
0x33: {  	[tilespmem:s21+$0xBC60] =	vst v0  }
0x34: {  	[tilespmem:s21+$0xBC40] =	vst v0  }
0x35: {  	[tilespmem:s21+$0xBC50] =	vst v0  }
0x36: {  	[spmem:s6] =	stream.linear.scatter [tilespmem:s20], [sflag:$0x8], $0x2000, $0x38;
	[tilespmem:$0x1F880] =	vst v63  }
0x37: {  	s23 =	rddreg [dreg:$0x7]  }
0x38: {  	[tilespmem:s29], [sflag:$0x3] =	stream.strided.gather [hbm4b:s23+s26], $0x2000, s28, s26, $0x38;
	[tilespmem:$0x1F880] =	vst v63  }
0x39: {  	s22 =	rddreg [dreg:$0x8]  }
0x3a: {  	[tilespmem:s30], [sflag:$0x4] =	stream.strided.gather [hbm4b:s22+s26], $0x2000, s28, s26, $0x38;
	[tilespmem:$0x1F880] =	vst v63  }
0x3b: {  	_ =	swait.ge [sflag:s31], $0x2000  }
0x3c: {  	[sflag:s31] =	ssyncset.done $0x0  }
0x3d: {  	s21 =	simm.s32 $0x0;
	s22 =	rddreg [dreg:$0x12];
	[sflag:s31] =	ssyncadd.s32 $0xFFFFE000  }
0x3e: {  	[hbm4b:s22+s21] =	stream.linear.scatter [tilespmem:s29], [sflag:$0x7], $0x2000, $0x38;
	[tilespmem:$0x1F880] =	vst v63  }
0x3f: {  	_ =	swait.ge [sflag:s0], $0x2000  }
0x40: {  	[sflag:s0] =	ssyncset.done $0x0  }
0x41: {  	s23 =	rddreg [dreg:$0x13];
	[sflag:s0] =	ssyncadd.s32 $0xFFFFE000  }
0x42: {  	[hbm4b:s23+s21] =	stream.linear.scatter [tilespmem:s30], [sflag:$0x9], $0x2000, $0x38;
	[tilespmem:$0x1F880] =	vst v63  }
0x43: {  	_ =	swait.ge [sflag:s1], $0x2000  }
0x44: {  	[sflag:s1] =	ssyncset.done $0x0  }
0x45: {  	s23 =	rddreg [dreg:$0x9];
	[sflag:s1] =	ssyncadd.s32 $0xFFFFE000  }
0x46: {  	[spmem:s23] =	stream.linear.scatter [tilespmem:s20], [sflag:$0x8], $0x2000, $0x38;
	[tilespmem:$0x1F880] =	vst v63  }
0x47: {  	_ =	swait.ge [sflag:s3], $0x2000  }
0x48: {  	[sflag:s3] =	ssyncset.done $0x0  }
0x49: {  	s23 =	rddreg [dreg:$0xa];
	[sflag:s3] =	ssyncadd.s32 $0xFFFFE000  }
0x4a: {  	[tilespmem:s29], [sflag:$0x3] =	stream.strided.gather [hbm4b:s23+s26], $0x2000, s28, s26, $0x38;
	[tilespmem:$0x1F880] =	vst v63  }
0x4b: {  	_ =	swait.ge [sflag:s4], $0x2000  }
0x4c: {  	[sflag:s4] =	ssyncset.done $0x0  }
0x4d: {  	s23 =	rddreg [dreg:$0xb];
	[sflag:s4] =	ssyncadd.s32 $0xFFFFE000  }
0x4e: {  	[tilespmem:s30], [sflag:$0x4] =	stream.strided.gather [hbm4b:s23+s26], $0x2000, s28, s26, $0x38;
	[tilespmem:$0x1F880] =	vst v63  }
0x4f: {  	_ =	swait.ge [sflag:s1], $0x2000  }
0x50: {  	[sflag:s1] =	ssyncset.done $0x0  }
0x51: {  	s23 =	rddreg [dreg:$0xc];
	[sflag:s1] =	ssyncadd.s32 $0xFFFFE000  }
0x52: {  	[spmem:s23] =	stream.linear.scatter [tilespmem:s20], [sflag:$0x8], $0x2000, $0x38;
	[tilespmem:$0x1F880] =	vst v63  }
0x53: {  	_ =	swait.ge [sflag:s31], $0x2000  }
0x54: {  	[sflag:s31] =	ssyncset.done $0x0  }
0x55: {  	s23 =	rddreg [dreg:$0x14];
	[sflag:s31] =	ssyncadd.s32 $0xFFFFE000  }
0x56: {  	[hbm4b:s23+s21] =	stream.linear.scatter [tilespmem:s29], [sflag:$0x7], $0x2000, $0x38;
	[tilespmem:$0x1F880] =	vst v63  }
0x57: {  	_ =	swait.ge [sflag:s0], $0x2000  }
0x58: {  	[sflag:s0] =	ssyncset.done $0x0  }
0x59: {  	s23 =	rddreg [dreg:$0x15];
	[sflag:s0] =	ssyncadd.s32 $0xFFFFE000  }
0x5a: {  	[hbm4b:s23+s21] =	stream.linear.scatter [tilespmem:s30], [sflag:$0x9], $0x2000, $0x38;
	[tilespmem:$0x1F880] =	vst v63  }
0x5b: {  	_ =	swait.ge [sflag:s1], $0x2000  }
0x5c: {  	[sflag:s1] =	ssyncset.done $0x0  }
0x5d: {  	s23 =	rddreg [dreg:$0xd];
	[sflag:s1] =	ssyncadd.s32 $0xFFFFE000  }
0x5e: {  	[spmem:s23] =	stream.linear.scatter [tilespmem:s20], [sflag:$0x8], $0x2000, $0x38;
	[tilespmem:$0x1F880] =	vst v63  }
0x5f: {  	_ =	swait.ge [sflag:s3], $0x2000  }
0x60: {  	[sflag:s3] =	ssyncset.done $0x0  }
0x61: {  	s23 =	rddreg [dreg:$0xe];
	[sflag:s3] =	ssyncadd.s32 $0xFFFFE000  }
0x62: {  	[tilespmem:s29], [sflag:$0x3] =	stream.strided.gather [hbm4b:s23+s26], $0x1C40, s28, s26, $0x38;
	[tilespmem:$0x1F880] =	vst v63  }
0x63: {  	_ =	swait.ge [sflag:s1], $0x2000  }
0x64: {  	[sflag:s1] =	ssyncset.done $0x0  }
0x65: {  	s23 =	rddreg [dreg:$0xf];
	[sflag:s1] =	ssyncadd.s32 $0xFFFFE000  }
0x66: {  	[spmem:s23] =	stream.linear.scatter [tilespmem:s20], [sflag:$0x8], $0x1C40, $0x38;
	[tilespmem:$0x1F880] =	vst v63  }
0x67: {  	_ =	swait.ge [sflag:s31], $0x1C40  }
0x68: {  	[sflag:s31] =	ssyncset.done $0x0  }
0x69: {  	[sflag:s31] =	ssyncadd.s32 $0xFFFFE3C0  }
0x6a: {  	_ =	swait.ge [sflag:s4], $0x2000  }
0x6b: {  	[sflag:s4] =	ssyncset.done $0x0  }
0x6c: {  	[sflag:s4] =	ssyncadd.s32 $0xFFFFE000  }
0x6d: {  	[hbm4b:s25+s21] =	stream.linear.scatter [tilespmem:s29], [sflag:$0x7], $0x1C40, $0x38;
	[tilespmem:$0x1F880] =	vst v63  }
0x6e: {  	_ =	swait.ge [sflag:s3], $0x1C40  }
0x6f: {  	[sflag:s3] =	ssyncset.done $0x0  }
0x70: {  	[sflag:s3] =	ssyncadd.s32 $0xFFFFE3C0  }
0x71: {  	_ =	swait.ge [sflag:s1], $0x1C40  }
0x72: {  	[sflag:s1] =	ssyncset.done $0x0  }
0x73: {  	[sflag:s1] =	ssyncadd.s32 $0xFFFFE3C0  }
0x74: {  	_ =	swait.ge [sflag:s5], $0x4E20  }
0x75: {  	[sflag:s5] =	ssyncset.done $0x0  }
0x76: {  	[sflag:s5] =	ssyncadd.s32 $0xFFFFB1E0  }
0x77: {  	_ =	swait.ge [sflag:s7], $0x4E20  }
0x78: {  	[sflag:s7] =	ssyncset.done $0x0  }
0x79: {  	[sflag:s7] =	ssyncadd.s32 $0xFFFFB1E0  }
0x7a: {  	[bflag:$0x0] =	sbarrier.arrive $0xFFFF  }
0x7b: {  	[tilespmem:s29], [sflag:$0x1] =	stream.indirect.gather [hbm4b:s9+s28], $0x40, s21, s28, $0xb8;
	[tilespmem:$0x1F880] =	vst v63  }
0x7c: {  	_ = 	snop  }
0x7d: {  	[tilespmem:s20], [sflag:$0x2] =	stream.indirect.gather [hbm4b:s9+s28], $0x40, s28, s28, $0xb8;
	[tilespmem:$0x1F880] =	vst v63  }
0x7e: {  	s23 =	simm.s32 $0x100  }
0x7f: {  	[tilespmem:s30], [sflag:$0x3] =	stream.indirect.gather [hbm4b:s9+s28], $0x40, s23, s28, $0xb8;
	[tilespmem:$0x1F880] =	vst v63  }
0x80: {  	s22 =	simm.s32 $0x180  }
0x81: {  	[tilespmem:s8], [sflag:$0x4] =	stream.indirect.gather [hbm4b:s9+s28], $0x40, s22, s28, $0xb8;
	[tilespmem:$0x1F880] =	vst v63  }
0x82: {  	_ =	swait.ge [sflag:s5], $0x2000  }
0x83: {  	[sflag:s5] =	ssyncset.done $0x0  }
0x84: {  	s23 =	simm.s32 $0x4E20;
	[sflag:s5] =	ssyncadd.s32 $0xFFFFE000  }
0x85: {  	[spmem:s2] =	stream.indirect.scatter.add.f32 [tilespmem:s29], [sflag:$0x7], $0x40, s23, s28, $0xb8;
	[tilespmem:$0x1F880] =	vst v63  }
0x86: {  	s22 =	simm.s32 $0x200  }
0x87: {  	[tilespmem:s10], [sflag:$0x5] =	stream.indirect.gather [hbm4b:s9+s28], $0x40, s22, s28, $0xb8;
	[tilespmem:$0x1F880] =	vst v63  }
0x88: {  	_ =	swait.ge [sflag:s7], $0x2000  }
0x89: {  	[sflag:s7] =	ssyncset.done $0x0  }
0x8a: {  	s23 =	simm.s32 $0x4EA0;
	[sflag:s7] =	ssyncadd.s32 $0xFFFFE000  }
0x8b: {  	[spmem:s2] =	stream.indirect.scatter.add.f32 [tilespmem:s20], [sflag:$0x8], $0x40, s23, s28, $0xb8;
	[tilespmem:$0x1F880] =	vst v63  }
0x8c: {  	s22 =	simm.s32 $0x280  }
0x8d: {  	[tilespmem:s11], [sflag:$0x6] =	stream.indirect.gather [hbm4b:s9+s28], $0x40, s22, s28, $0xb8;
	[tilespmem:$0x1F880] =	vst v63  }
0x8e: {  	_ =	swait.ge [sflag:s31], $0x2000  }
0x8f: {  	[sflag:s31] =	ssyncset.done $0x0  }
0x90: {  	s23 =	simm.s32 $0x4F20;
	[sflag:s31] =	ssyncadd.s32 $0xFFFFE000  }
0x91: {  	[spmem:s2] =	stream.indirect.scatter.add.f32 [tilespmem:s30], [sflag:$0x9], $0x40, s23, s28, $0xb8;
	[tilespmem:$0x1F880] =	vst v63  }
0x92: {  	_ =	swait.ge [sflag:s3], $0x2000  }
0x93: {  	[sflag:s3] =	ssyncset.done $0x0  }
0x94: {  	s22 =	simm.s32 $0x300;
	[sflag:s3] =	ssyncadd.s32 $0xFFFFE000  }
0x95: {  	[tilespmem:s29], [sflag:$0x1] =	stream.indirect.gather [hbm4b:s9+s28], $0x40, s22, s28, $0xb8;
	[tilespmem:$0x1F880] =	vst v63  }
0x96: {  	_ =	swait.ge [sflag:s0], $0x2000  }
0x97: {  	[sflag:s0] =	ssyncset.done $0x0  }
0x98: {  	s23 =	simm.s32 $0x4FA0;
	[sflag:s0] =	ssyncadd.s32 $0xFFFFE000  }
0x99: {  	[spmem:s2] =	stream.indirect.scatter.add.f32 [tilespmem:s8], [sflag:$0xA], $0x40, s23, s28, $0xb8;
	[tilespmem:$0x1F880] =	vst v63  }
0x9a: {  	_ =	swait.ge [sflag:s1], $0x2000  }
0x9b: {  	[sflag:s1] =	ssyncset.done $0x0  }
0x9c: {  	s22 =	simm.s32 $0x380;
	[sflag:s1] =	ssyncadd.s32 $0xFFFFE000  }
0x9d: {  	[tilespmem:s20], [sflag:$0x2] =	stream.indirect.gather [hbm4b:s9+s28], $0x40, s22, s28, $0xb8;
	[tilespmem:$0x1F880] =	vst v63  }
0x9e: {  	_ =	swait.ge [sflag:s12], $0x2000  }
0x9f: {  	[sflag:s12] =	ssyncset.done $0x0  }
0xa0: {  	s23 =	simm.s32 $0x5020;
	[sflag:s12] =	ssyncadd.s32 $0xFFFFE000  }
0xa1: {  	[spmem:s2] =	stream.indirect.scatter.add.f32 [tilespmem:s10], [sflag:$0xB], $0x40, s23, s28, $0xb8;
	[tilespmem:$0x1F880] =	vst v63  }
0xa2: {  	_ =	swait.ge [sflag:s4], $0x2000  }
0xa3: {  	[sflag:s4] =	ssyncset.done $0x0  }
0xa4: {  	s22 =	simm.s32 $0x400;
	[sflag:s4] =	ssyncadd.s32 $0xFFFFE000  }
0xa5: {  	[tilespmem:s30], [sflag:$0x3] =	stream.indirect.gather [hbm4b:s9+s28], $0x40, s22, s28, $0xb8;
	[tilespmem:$0x1F880] =	vst v63  }
0xa6: {  	_ =	swait.ge [sflag:s13], $0x2000  }
0xa7: {  	[sflag:s13] =	ssyncset.done $0x0  }
0xa8: {  	s23 =	simm.s32 $0x50A0;
	[sflag:s13] =	ssyncadd.s32 $0xFFFFE000  }
0xa9: {  	[spmem:s2] =	stream.indirect.scatter.add.f32 [tilespmem:s11], [sflag:$0xC], $0x40, s23, s28, $0xb8;
	[tilespmem:$0x1F880] =	vst v63  }
0xaa: {  	_ =	swait.ge [sflag:s14], $0x2000  }
0xab: {  	[sflag:s14] =	ssyncset.done $0x0  }
0xac: {  	s22 =	simm.s32 $0x480;
	[sflag:s14] =	ssyncadd.s32 $0xFFFFE000  }
0xad: {  	[tilespmem:s8], [sflag:$0x4] =	stream.indirect.gather [hbm4b:s9+s28], $0x40, s22, s28, $0xb8;
	[tilespmem:$0x1F880] =	vst v63  }
0xae: {  	_ =	swait.ge [sflag:s5], $0x2000  }
0xaf: {  	[sflag:s5] =	ssyncset.done $0x0  }
0xb0: {  	s23 =	simm.s32 $0x5120;
	[sflag:s5] =	ssyncadd.s32 $0xFFFFE000  }
0xb1: {  	[spmem:s2] =	stream.indirect.scatter.add.f32 [tilespmem:s29], [sflag:$0x7], $0x40, s23, s28, $0xb8;
	[tilespmem:$0x1F880] =	vst v63  }
0xb2: {  	_ =	swait.ge [sflag:s19], $0x2000  }
0xb3: {  	[sflag:s19] =	ssyncset.done $0x0  }
0xb4: {  	s22 =	simm.s32 $0x500;
	[sflag:s19] =	ssyncadd.s32 $0xFFFFE000  }
0xb5: {  	[tilespmem:s10], [sflag:$0x5] =	stream.indirect.gather [hbm4b:s9+s28], $0x40, s22, s28, $0xb8;
	[tilespmem:$0x1F880] =	vst v63  }
0xb6: {  	_ =	swait.ge [sflag:s7], $0x2000  }
0xb7: {  	[sflag:s7] =	ssyncset.done $0x0  }
0xb8: {  	s23 =	simm.s32 $0x51A0;
	[sflag:s7] =	ssyncadd.s32 $0xFFFFE000  }
0xb9: {  	[spmem:s2] =	stream.indirect.scatter.add.f32 [tilespmem:s20], [sflag:$0x8], $0x40, s23, s28, $0xb8;
	[tilespmem:$0x1F880] =	vst v63  }
0xba: {  	_ =	swait.ge [sflag:s15], $0x2000  }
0xbb: {  	[sflag:s15] =	ssyncset.done $0x0  }
0xbc: {  	s21 =	simm.s32 $0xC00;
	s22 =	simm.s32 $0x580;
	[sflag:s15] =	ssyncadd.s32 $0xFFFFE000  }
.LBB2_4:
0xbd: {  	[tilespmem:s11], [sflag:$0x6] =	stream.indirect.gather [hbm4b:s9+s28], $0x40, s22, s28, $0xb8;
	[tilespmem:$0x1F880] =	vst v63  }
0xbe: {  	s22 =	smov.u32 s21  }
0xbf: {  	p0 =	sne.s32 s21, $0x12000;
	s21 =	sadd.s32 $0xC00, s21;
	_ =	swait.ge [sflag:s31], $0x2000  }
0xc0: {  	s22 =	sshra.s32 s22, $0x2;
	[sflag:s31] =	ssyncset.done $0x0  }
0xc1: {  	s23 =	sadd.s32 $0x4F20, s22;
	[sflag:s31] =	ssyncadd.s32 $0xFFFFE000  }
0xc2: {  	[spmem:s2] =	stream.indirect.scatter.add.f32 [tilespmem:s30], [sflag:$0x9], $0x40, s23, s28, $0xb8;
	[tilespmem:$0x1F880] =	vst v63  }
0xc3: {  	_ =	swait.ge [sflag:s3], $0x2000  }
0xc4: {  	[sflag:s3] =	ssyncset.done $0x0  }
0xc5: {  	s23 =	sadd.s32 $0x300, s22;
	[sflag:s3] =	ssyncadd.s32 $0xFFFFE000  }
0xc6: {  	[tilespmem:s29], [sflag:$0x1] =	stream.indirect.gather [hbm4b:s9+s28], $0x40, s23, s28, $0xb8;
	[tilespmem:$0x1F880] =	vst v63  }
0xc7: {  	_ =	swait.ge [sflag:s0], $0x2000  }
0xc8: {  	[sflag:s0] =	ssyncset.done $0x0  }
0xc9: {  	s23 =	sadd.s32 $0x4FA0, s22;
	[sflag:s0] =	ssyncadd.s32 $0xFFFFE000  }
0xca: {  	[spmem:s2] =	stream.indirect.scatter.add.f32 [tilespmem:s8], [sflag:$0xA], $0x40, s23, s28, $0xb8;
	[tilespmem:$0x1F880] =	vst v63  }
0xcb: {  	_ =	swait.ge [sflag:s1], $0x2000  }
0xcc: {  	[sflag:s1] =	ssyncset.done $0x0  }
0xcd: {  	s23 =	sadd.s32 $0x380, s22;
	[sflag:s1] =	ssyncadd.s32 $0xFFFFE000  }
0xce: {  	[tilespmem:s20], [sflag:$0x2] =	stream.indirect.gather [hbm4b:s9+s28], $0x40, s23, s28, $0xb8;
	[tilespmem:$0x1F880] =	vst v63  }
0xcf: {  	_ =	swait.ge [sflag:s12], $0x2000  }
0xd0: {  	[sflag:s12] =	ssyncset.done $0x0  }
0xd1: {  	s23 =	sadd.s32 $0x5020, s22;
	[sflag:s12] =	ssyncadd.s32 $0xFFFFE000  }
0xd2: {  	[spmem:s2] =	stream.indirect.scatter.add.f32 [tilespmem:s10], [sflag:$0xB], $0x40, s23, s28, $0xb8;
	[tilespmem:$0x1F880] =	vst v63  }
0xd3: {  	_ =	swait.ge [sflag:s4], $0x2000  }
0xd4: {  	[sflag:s4] =	ssyncset.done $0x0  }
0xd5: {  	s23 =	sadd.s32 $0x400, s22;
	[sflag:s4] =	ssyncadd.s32 $0xFFFFE000  }
0xd6: {  	[tilespmem:s30], [sflag:$0x3] =	stream.indirect.gather [hbm4b:s9+s28], $0x40, s23, s28, $0xb8;
	[tilespmem:$0x1F880] =	vst v63  }
0xd7: {  	_ =	swait.ge [sflag:s13], $0x2000  }
0xd8: {  	[sflag:s13] =	ssyncset.done $0x0  }
0xd9: {  	s23 =	sadd.s32 $0x50A0, s22;
	[sflag:s13] =	ssyncadd.s32 $0xFFFFE000  }
0xda: {  	[spmem:s2] =	stream.indirect.scatter.add.f32 [tilespmem:s11], [sflag:$0xC], $0x40, s23, s28, $0xb8;
	[tilespmem:$0x1F880] =	vst v63  }
0xdb: {  	_ =	swait.ge [sflag:s14], $0x2000  }
0xdc: {  	[sflag:s14] =	ssyncset.done $0x0  }
0xdd: {  	s23 =	sadd.s32 $0x480, s22;
	[sflag:s14] =	ssyncadd.s32 $0xFFFFE000  }
0xde: {  	[tilespmem:s8], [sflag:$0x4] =	stream.indirect.gather [hbm4b:s9+s28], $0x40, s23, s28, $0xb8;
	[tilespmem:$0x1F880] =	vst v63  }
0xdf: {  	_ =	swait.ge [sflag:s5], $0x2000  }
0xe0: {  	[sflag:s5] =	ssyncset.done $0x0  }
0xe1: {  	s23 =	sadd.s32 $0x5120, s22;
	[sflag:s5] =	ssyncadd.s32 $0xFFFFE000  }
0xe2: {  	[spmem:s2] =	stream.indirect.scatter.add.f32 [tilespmem:s29], [sflag:$0x7], $0x40, s23, s28, $0xb8;
	[tilespmem:$0x1F880] =	vst v63  }
0xe3: {  	_ =	swait.ge [sflag:s19], $0x2000  }
0xe4: {  	[sflag:s19] =	ssyncset.done $0x0  }
0xe5: {  	s23 =	sadd.s32 $0x500, s22;
	[sflag:s19] =	ssyncadd.s32 $0xFFFFE000  }
0xe6: {  	[tilespmem:s10], [sflag:$0x5] =	stream.indirect.gather [hbm4b:s9+s28], $0x40, s23, s28, $0xb8;
	[tilespmem:$0x1F880] =	vst v63  }
0xe7: {  	_ =	swait.ge [sflag:s7], $0x2000  }
0xe8: {  	[sflag:s7] =	ssyncset.done $0x0  }
.Ltmp1:
0xe9: {  	s23 =	sadd.s32 $0x51A0, s22;
	[sflag:s7] =	ssyncadd.s32 $0xFFFFE000;
	(pc) =	sbr.rel @p0 .LBB2_4-.Ltmp1, $4  }
0xea: {  	[spmem:s2] =	stream.indirect.scatter.add.f32 [tilespmem:s20], [sflag:$0x8], $0x40, s23, s28, $0xb8;
	[tilespmem:$0x1F880] =	vst v63  }
0xeb: {  	_ =	swait.ge [sflag:s15], $0x2000  }
0xec: {  	[sflag:s15] =	ssyncset.done $0x0  }
0xed: {  	s22 =	sadd.s32 $0x580, s22;
	[sflag:s15] =	ssyncadd.s32 $0xFFFFE000  }
0xee: {  	[tilespmem:s11], [sflag:$0x6] =	stream.indirect.gather [hbm4b:s9+s28], $0x40, s22, s28, $0xb8;
	[tilespmem:$0x1F880] =	vst v63  }
0xef: {  	_ =	swait.ge [sflag:s31], $0x2000  }
0xf0: {  	[sflag:s31] =	ssyncset.done $0x0  }
0xf1: {  	s21 =	simm.s32 $0x9A20;
	[sflag:s31] =	ssyncadd.s32 $0xFFFFE000  }
0xf2: {  	[spmem:s2] =	stream.indirect.scatter.add.f32 [tilespmem:s30], [sflag:$0x9], $0x40, s21, s28, $0xb8;
	[tilespmem:$0x1F880] =	vst v63  }
0xf3: {  	_ =	swait.ge [sflag:s3], $0x2000  }
0xf4: {  	[sflag:s3] =	ssyncset.done $0x0  }
0xf5: {  	[sflag:s3] =	ssyncadd.s32 $0xFFFFE000  }
0xf6: {  	_ =	swait.ge [sflag:s0], $0x2000  }
0xf7: {  	[sflag:s0] =	ssyncset.done $0x0  }
0xf8: {  	s23 =	simm.s32 $0x9AA0;
	[sflag:s0] =	ssyncadd.s32 $0xFFFFE000  }
0xf9: {  	[spmem:s2] =	stream.indirect.scatter.add.f32 [tilespmem:s8], [sflag:$0xA], $0x40, s23, s28, $0xb8;
	[tilespmem:$0x1F880] =	vst v63  }
0xfa: {  	_ =	swait.ge [sflag:s1], $0x2000  }
0xfb: {  	[sflag:s1] =	ssyncset.done $0x0  }
0xfc: {  	[sflag:s1] =	ssyncadd.s32 $0xFFFFE000  }
0xfd: {  	_ =	swait.ge [sflag:s12], $0x2000  }
0xfe: {  	[sflag:s12] =	ssyncset.done $0x0  }
0xff: {  	s22 =	simm.s32 $0x9B20;
	[sflag:s12] =	ssyncadd.s32 $0xFFFFE000  }
0x100: {  	[spmem:s2] =	stream.indirect.scatter.add.f32 [tilespmem:s10], [sflag:$0xB], $0x40, s22, s28, $0xb8;
	[tilespmem:$0x1F880] =	vst v63  }
0x101: {  	_ =	swait.ge [sflag:s4], $0x2000  }
0x102: {  	[sflag:s4] =	ssyncset.done $0x0  }
0x103: {  	[sflag:s4] =	ssyncadd.s32 $0xFFFFE000  }
0x104: {  	_ =	swait.ge [sflag:s13], $0x2000  }
0x105: {  	[sflag:s13] =	ssyncset.done $0x0  }
0x106: {  	s23 =	simm.s32 $0x9BA0;
	[sflag:s13] =	ssyncadd.s32 $0xFFFFE000  }
0x107: {  	[spmem:s2] =	stream.indirect.scatter.add.f32 [tilespmem:s11], [sflag:$0xC], $0x40, s23, s28, $0xb8;
	[tilespmem:$0x1F880] =	vst v63  }
0x108: {  	_ =	swait.ge [sflag:s14], $0x2000  }
0x109: {  	[sflag:s14] =	ssyncset.done $0x0  }
0x10a: {  	[sflag:s14] =	ssyncadd.s32 $0xFFFFE000  }
0x10b: {  	_ =	swait.ge [sflag:s19], $0x2000  }
0x10c: {  	[sflag:s19] =	ssyncset.done $0x0  }
0x10d: {  	[sflag:s19] =	ssyncadd.s32 $0xFFFFE000  }
0x10e: {  	_ =	swait.ge [sflag:s15], $0x2000  }
0x10f: {  	[sflag:s15] =	ssyncset.done $0x0  }
0x110: {  	s22 =	simm.s32 $0x4E00;
	[sflag:s15] =	ssyncadd.s32 $0xFFFFE000  }
0x111: {  	[tilespmem:s29], [sflag:$0x1] =	stream.indirect.gather [hbm4b:s9+s16], $0x40, s22, s16, $0xb8;
	[tilespmem:$0x1F880] =	vst v63  }
0x112: {  	_ =	swait.ge [sflag:s5], $0x800  }
0x113: {  	[sflag:s5] =	ssyncset.done $0x0  }
0x114: {  	s23 =	simm.s32 $0x9C20;
	[sflag:s5] =	ssyncadd.s32 $0xFFFFF800  }
0x115: {  	[spmem:s2] =	stream.indirect.scatter.add.f32 [tilespmem:s29], [sflag:$0x7], $0x40, s23, s16, $0xb8;
	[tilespmem:$0x1F880] =	vst v63  }
0x116: {  	_ =	swait.ge [sflag:s3], $0x800  }
0x117: {  	[sflag:s3] =	ssyncset.done $0x0  }
0x118: {  	s22 =	stileid.u32;
	[sflag:s3] =	ssyncadd.s32 $0xFFFFF800  }
0x119: {  	s21 =	sshll.u32 s22, $0x6;
	[bflag:$0x0] =	sbarrier.arrive $0xFFFF  }
0x11a: {  	s22 =	sshrl.u32 s6, $0x3;
	s21 =	sor.u32 $0x1C0D, s21;
	s23 =	rddreg [dreg:$0x10]  }
0x11b: {  	[hbm:s23@s24], [sflag:s21] =	dma.strided [spmem:s22@s1], $0x1388, s5, $0x8   }
0x11c: {  	_ =	swait.ge [sflag:s17], $0x1388  }
0x11d: {  	s18 =	sadd.s32 $0x1, s18;
	s23 =	rddreg [dreg:$0x11]  }
0x11e: {  	p0 =	sne.s32 s18, s23  }
.Ltmp2:
0x11f: {  	_ = 	snop;
	(pc) =	sbr.rel @p0 .LBB2_1-.Ltmp2, $3  }
0x120: {  	_ =	sdelay $0x1  }
0x121: {  	[sflag:s17] =	ssyncset.done $0x0  }
0x122: {  	[sflag:s17] =	ssyncadd.s32 $0xFFFFEC78  }
0x123: {  	_ =	sfence.sel $0x180000  }
0x124: {  	[bflag:$0x0] =	sbarrier.arrive $0xFFFF  }
0x125: {  	_ =	strace $0x90000047  }
0x126: {  	s0 =	stileid.u32;
	[bflag:$0x2] =	sbarrier.arrive $0xFFFF  }
0x127: {  	p0 =	sne.s32 s0, $0x0;
	s0 =	rddreg [dreg:$0x4]  }
0x128: {  	s0 =	sadd.s32 @!p0 $0x100000, s0  }
0x129: {  	[sflag:s0] =	ssyncadd.tile.s32 @!p0 $0x1;
	_ =	shalt  }
.Lfunc_end2:
_tile_overlayer_lowered:
.L_overlay_start_2:
0x12a: {  	(tag) =	ssettag $0x2  }
0x12b: {  	s0 =	rddreg [dreg:$0x0];
	s2 =	stileid.u32  }
0x12c: {  	s1 =	rddreg [dreg:$0x1];
	p0 =	sne.s32 s2, $0x0  }
0x12d: {  	s3 =	rddreg [dreg:$0x2];
	[bflag:$0x3] =	sbarrier.arrive $0xFFFF;
	s2 =	simm.s32 @!p0 $0x1C0D  }
0x12e: {  	[timem:s3], [sflag:s2] =	dma.local @!p0 [hbm:s0], s1  }
0x12f: {  	s0 =	simm.s32 @!p0 $0xD  }
0x130: {  	_ =	swait.ge @!p0 [sflag:s0], s1  }
0x131: {  	s1 =	ssub.s32 @!p0 $0x0, s1;
	[sflag:s0] =	ssyncset.done @!p0 $0x0  }
0x132: {  	[sflag:s0] =	ssyncadd.s32 @!p0 s1  }
0x133: {  	[bflag:$0x3] =	sbarrier.arrive $0xFFFF  }
0x134: {  	_ =	shalt  }

// kernel: kernel.9.cloned.1.call-start
scs
__scs_entry_jumppad:
0x0: {  	(pc) =	sbr.rel $0x88, $3  }
0x1: {  	(tag) =	ssettag $0x0;
	lr =	simm.s32 $0x1  }
0x2: {  	[smem:$0x3F99] =	sst lr;
	_ =	strace $0xD0000000  }
0x3: {  	_ = 	snop  }
0x4: {  	_ = 	snop  }
0x5: {  	_ = 	snop  }
0x6: {  	_ = 	snop  }
0x7: {  	_ = 	snop  }
__scs_overlays_trampoline_lowered:
0x8: {  	[smem:$0x3FA8] =	sst s0  }
0x9: {  	[smem:$0x3FA9] =	sst s1  }
0xa: {  	[smem:$0x3FAA] =	sst s2  }
0xb: {  	[smem:$0x3FAB] =	sst s3  }
0xc: {  	[smem:$0x3FAC] =	sst s4  }
0xd: {  	[smem:$0x3FAD] =	sst s5  }
0xe: {  	[smem:$0x3FAE] =	sst s6  }
0xf: {  	[smem:$0x3FAF] =	sst s7  }
0x10: {  	[smem:$0x3FB0] =	sst s8  }
0x11: {  	[smem:$0x3FB1] =	sst s9;
	s0 =	simm.s32 @!p0 $0x0  }
0x12: {  	s1 =	sld [smem:$0x3F97];
	s0 =	simm.s32 @p0 $0x1  }
0x13: {  	[smem:$0x3FB2] =	sst s0;
	s0 =	simm.s32 @!p1 $0x0  }
0x14: {  	s2 =	sld [smem:$0x3F96];
	s0 =	simm.s32 @p1 $0x1  }
0x15: {  	[smem:$0x3FB3] =	sst s0;
	s0 =	simm.s32 @!p2 $0x0  }
0x16: {  	s3 =	sld [smem:$0x3FDB];
	s0 =	simm.s32 @p2 $0x1  }
0x17: {  	s4 =	simm.s32 $0x1BF5;
	[smem:$0x3FB5] =	sst s0  }
0x18: {  	s0 =	sld [smem:$0x3F98];
	_ =	swait.ge [sflag:s4], $0x0  }
0x19: {  	s7 =	sld [smem:$0x3F99]  }
0x1a: {  	s8 =	sadd.s32 $0xFFFFE003, lr  }
0x1b: {  	s9 =	sadd.s32 $0xFFFFFEF7, lr;
	s5 =	simm.s32 $0xFFFFFFFF;
	p2 =	slt.u32 s8, $0xFFFFF086  }
0x1c: {  	p1 =	slt.u32 s9, $0xF7A;
	s5 =	simm.s32 @!p2 $0x0  }
0x1d: {  	s5 =	simm.s32 @p1 $0x1;
	p0 =	seq.s32 s7, s2  }
0x1e: {  	s7 =	smul.u32 @!p0 $0xF7A, s2;
	p2 =	seq.s32 @!p0 s5, $0x0  }
0x1f: {  	s9 =	smul.u32 $0xF7A, s1;
	s8 =	simm.s32 @!p0 $0x1BF5;
	p2 =	por !p2, p0  }
0x20: {  	[sflag:s8] =	ssyncset.s32 @!p0 $0xFFFFF086;
	s6 =	sadd.s32 @!p0 s3, s7;
	s7 =	simm.s32 @!p0 $0x108  }
0x21: {  	s3 =	sadd.s32 s3, s9;
	s6 =	sadd.s32 @!p0 $0x88, s6;
	s7 =	simm.s32 @p2 $0x1082  }
0x22: {  	[simem:s7], [sflag:s8] =	dma.local @!p0 [hbm:s6], $0xF7A  }
0x23: {  	s9 =	sor.u32 $0xD0000000, s2;
	s6 =	simm.s32 $0x108;
	_ =	swait.ge @!p0 [sflag:s8], $0x0  }
0x24: {  	s3 =	sadd.s32 $0x88, s3;
	s6 =	simm.s32 @!p1 $0x1082;
	[sflag:s4] =	ssyncset.s32 $0xFFFFF086  }
0x25: {  	[simem:s6], [sflag:s4] =	dma.local [hbm:s3], $0xF7A  }
0x26: {  	[smem:$0x3F99] =	sst s1;
	(tag) =	ssettag s2;
	_ =	strace s9  }
0x27: {  	s1 =	sld [smem:$0x3FA9]  }
0x28: {  	s2 =	sld [smem:$0x3FAA]  }
0x29: {  	s4 =	sld [smem:$0x3FAC]  }
0x2a: {  	p0 =	seq.s32 s5, $0x0;
	s5 =	sld [smem:$0x3FAD]  }
0x2b: {  	s6 =	sld [smem:$0x3FAE]  }
0x2c: {  	s7 =	sld [smem:$0x3FAF]  }
0x2d: {  	s3 =	simm.s32 $0x108;
	s8 =	sld [smem:$0x3FB0]  }
0x2e: {  	s3 =	simm.s32 @!p0 $0x1082;
	s9 =	sld [smem:$0x3FB1]  }
0x2f: {  	lr =	sadd.s32 s0, s3;
	s0 =	sld [smem:$0x3FA8]  }
0x30: {  	s3 =	sld [smem:$0x3FAB]  }
0x31: {  	[smem:$0x3FB4] =	sst s10  }
0x32: {  	s10 =	sld [smem:$0x3FB2];
	_ =	sdelay $0x3  }
0x33: {  	p0 =	seq.s32 s10, $0x1;
	s10 =	sld [smem:$0x3FB4];
	_ =	sdelay $0x3  }
0x34: {  	[smem:$0x3FB4] =	sst s10  }
0x35: {  	s10 =	sld [smem:$0x3FB3];
	_ =	sdelay $0x3  }
0x36: {  	p1 =	seq.s32 s10, $0x1;
	s10 =	sld [smem:$0x3FB4];
	_ =	sdelay $0x3  }
0x37: {  	[smem:$0x3FB4] =	sst s10  }
0x38: {  	s10 =	sld [smem:$0x3FB5]  }
0x39: {  	_ = 	snop;
	(pc) =	sbr.ind lr, $3  }
0x3a: {  	_ = 	snop  }
0x3b: {  	_ = 	snop  }
0x3c: {  	p2 =	seq.s32 s10, $0x1;
	s10 =	sld [smem:$0x3FB4]  }
0x3d: {  	_ =	shalt  }
0x3e: {  	_ =	shalt  }
0x3f: {  	_ =	shalt  }
0x40: {  	_ =	shalt  }
0x41: {  	_ =	shalt  }
0x42: {  	_ =	shalt  }
0x43: {  	_ =	shalt  }
0x44: {  	_ =	shalt  }
0x45: {  	_ =	shalt  }
0x46: {  	_ =	shalt  }
0x47: {  	_ =	shalt  }
0x48: {  	_ =	shalt  }
0x49: {  	_ =	shalt  }
0x4a: {  	_ =	shalt  }
0x4b: {  	_ =	shalt  }
0x4c: {  	_ =	shalt  }
0x4d: {  	_ =	shalt  }
0x4e: {  	_ =	shalt  }
0x4f: {  	_ =	shalt  }
0x50: {  	_ =	shalt  }
0x51: {  	_ =	shalt  }
0x52: {  	_ =	shalt  }
0x53: {  	_ =	shalt  }
0x54: {  	_ =	shalt  }
0x55: {  	_ =	shalt  }
0x56: {  	_ =	shalt  }
0x57: {  	_ =	shalt  }
0x58: {  	_ =	shalt  }
0x59: {  	_ =	shalt  }
0x5a: {  	_ =	shalt  }
0x5b: {  	_ =	shalt  }
0x5c: {  	_ =	shalt  }
0x5d: {  	_ =	shalt  }
0x5e: {  	_ =	shalt  }
0x5f: {  	_ =	shalt  }
0x60: {  	_ =	shalt  }
0x61: {  	_ =	shalt  }
0x62: {  	_ =	shalt  }
0x63: {  	_ =	shalt  }
0x64: {  	_ =	shalt  }
0x65: {  	_ =	shalt  }
0x66: {  	_ =	shalt  }
0x67: {  	_ =	shalt  }
0x68: {  	_ =	shalt  }
0x69: {  	_ =	shalt  }
0x6a: {  	_ =	shalt  }
0x6b: {  	_ =	shalt  }
0x6c: {  	_ =	shalt  }
0x6d: {  	_ =	shalt  }
0x6e: {  	_ =	shalt  }
0x6f: {  	_ =	shalt  }
0x70: {  	_ =	shalt  }
0x71: {  	_ =	shalt  }
0x72: {  	_ =	shalt  }
0x73: {  	_ =	shalt  }
0x74: {  	_ =	shalt  }
0x75: {  	_ =	shalt  }
0x76: {  	_ =	shalt  }
0x77: {  	_ =	shalt  }
0x78: {  	_ =	shalt  }
0x79: {  	_ =	shalt  }
0x7a: {  	_ =	shalt  }
0x7b: {  	_ =	shalt  }
0x7c: {  	_ =	shalt  }
0x7d: {  	_ =	shalt  }
0x7e: {  	_ =	shalt  }
0x7f: {  	_ =	shalt  }
0x80: {  	_ =	shalt  }
0x81: {  	_ =	shalt  }
0x82: {  	_ =	shalt  }
0x83: {  	_ =	shalt  }
0x84: {  	_ =	shalt  }
0x85: {  	_ =	shalt  }
0x86: {  	_ =	shalt  }
0x87: {  	_ =	shalt  }
.Lfunc_end0:
.L_simem_size_0:
called_computation.1_lowered:
.L_overlay_start_0:
0x88: {  	s2 =	sld [smem:$0x3FD9]  }
0x89: {  	s3 =	sld [smem:$0x3FFE];
	_ =	sdelay $0x1  }
0x8a: {  	s1 =	srdreg.scid  }
0x8b: {  	s0 =	sand.u32 $0x1, s1  }
0x8c: {  	s17 =	sshll.u32 s0, $0xA;
	s2 =	sadd.s32 s3, s2  }
0x8d: {  	s2 =	sadd.s32 s2, s17  }
0x8e: {  	[smem:$0x3FC0] =	sst s2  }
0x8f: {  	_ = 	snop  }
0x90: {  	s2 =	sld [smem:$0x3FD0];
	(tm) =	ssettm $0x1  }
0x91: {  	s18 =	sld [smem:$0x3FFB];
	_ =	sdelay $0x3  }
0x92: {  	_ =	strace s18  }
0x93: {  	s3 =	sld [smem:$0x3FFC];
	_ =	sdelay $0x3  }
0x94: {  	_ =	strace s3  }
0x95: {  	s3 =	sld [smem:$0x3FFD];
	_ =	sdelay $0x3  }
0x96: {  	_ =	strace s3  }
0x97: {  	_ =	strace $0x8FFFFFFF  }
0x98: {  	s19 =	sld [smem:$0x3FDB];
	_ =	sdelay $0x1  }
0x99: {  	s4 =	simm.s32 $_scs_section_size  }
0x9a: {  	s5 =	simm.s32 $_size__tile_overlayer_lowered;
	s6 =	simm.s32 $_tile_overlayer_lowered  }
0x9b: {  	s22 =	simm.s32 $0x1BFF;
	s21 =	sshll.u32 s6, $0x1;
	s3 =	sadd.s32 s4, s19  }
0x9c: {  	s7 =	simm.s32 $0x0;
	s20 =	sshll.u32 s5, $0x1;
	s5 =	sadd.s32 s21, s3  }
0x9d: {  	[timem:s7], [sflag:s22] =	dma.local [hbm:s5], s20  }
0x9e: {  	_ =	swait.ge [sflag:s22], s20  }
0x9f: {  	s4 =	ssub.s32 $0x0, s20;
	[sflag:s22] =	ssyncset.done $0x0  }
0xa0: {  	[sflag:s22] =	ssyncadd.s32 s4;
	_ =	sdelay $0x1  }
0xa1: {  	s23 =	simm.s32 $0x1B8B  }
0xa2: {  	_ =	swait.ge [sflag:s23], $0x1  }
0xa3: {  	[sflag:s23] =	ssyncset.done $0x0  }
0xa4: {  	s25 =	simm.s32 $0x1B8E;
	s24 =	sld [smem:$0x3FFE];
	[sflag:s23] =	ssyncadd.s32 $0xFFFFFFFF  }
0xa5: {  	s26 =	simm.s32 $execute0_lowered;
	[smem:$0x3FD2] =	sst s25  }
0xa6: {  	s5 =	sshll.u32 s26, $0x1;
	_ =	strace $0x80000049;
	[dreg:$0x1] =	wrdreg $0xFFFFFFFF  }
0xa7: {  	s28 =	simm.s32 $_size_execute0_lowered;
	s3 =	sadd.s32 s3, s5;
	[dreg:$0x0] =	wrdreg $0x0  }
0xa8: {  	s5 =	sshll.u32 s28, $0x1;
	[dreg:$0x2] =	wrdreg s3  }
0xa9: {  	[dreg:$0x3] =	wrdreg s5  }
0xaa: {  	[dreg:$0x4] =	wrdreg $0xC0  }
0xab: {  	_ =	task [dreg:s7], $0x5FFFF  }
0xac: {  	[dreg:$0x1] =	wrdreg $0xFFFFFFFF  }
0xad: {  	[dreg:$0x0] =	wrdreg $0x60  }
0xae: {  	[dreg:$0x2] =	wrdreg s2  }
0xaf: {  	[dreg:$0x3] =	wrdreg s24  }
0xb0: {  	[dreg:$0x4] =	wrdreg $0x15C400  }
0xb1: {  	[dreg:$0x5] =	wrdreg $0x9  }
0xb2: {  	_ =	task.clear_ibuf [dreg:s7], $0x6FFFF;
	_ =	strace $0x90000049  }
0xb3: {  	s29 =	simm.s32 $0x9;
	_ =	strace $0x8000004B  }
0xb4: {  	_ =	swait.ge [sflag:s29], $0x1  }
0xb5: {  	[sflag:s29] =	ssyncadd.s32 $0xFFFFFFFF  }
0xb6: {  	_ =	strace $0x9000004B  }
0xb7: {  	_ =	sfence  }
0xb8: {  	s30 =	sld [smem:$0x0];
	_ =	sdelay $0x2  }
0xb9: {  	s31 =	sshll.u32 s1, $0xD;
	s1 =	sshrl.u32 s1, $0x2  }
0xba: {  	s3 =	sand.u32 $0x4000, s31;
	s1 =	sadd.s32 s1, s30  }
0xbb: {  	s0 =	sor.u32 s3, s0;
	s1 =	sshll.u32 s1, $0x11  }
0xbc: {  	s0 =	sor.u32 s1, s0  }
0xbd: {  	s0 =	sadd.s32 $0x8F2B, s0  }
0xbe: {  	[sflag:s0] =	ssyncadd.remote.s32 $0x1  }
0xbf: {  	_ =	sfence.sel $0xFFFF  }
0xc0: {  	[dreg:$0x0] =	wrdreg $0xFFFFFFFF;
	(pc) =	sbr.abs _section_cstart, $3  }
0xc1: {  	[dreg:$0x1] =	wrdreg $0xFFFFFFFF  }
0xc2: {  	_ =	task.clear_ibuf [dreg:s7], $0x2FFFF;
	_ =	strace $0x9FFFFFFF  }
0xc3: {  	(tm) =	ssettm $0x7FFFFFFF  }
tec
execute0_lowered:
.L_overlay_start_1:
0x0: {  	(tag) =	ssettag $0x1  }
0x1: {  	s0 =	rddreg [dreg:$0x0]  }
0x2: {  	s1 =	rddreg [dreg:$0x1]  }
0x3: {  	s2 =	rddreg [dreg:$0x2];
	s12 =	stileid.u32;
	s5 =	simm.s32 $0x0  }
0x4: {  	s4 =	srdreg.scid;
	s28 =	simm.s32 $0x80;
	s3 =	smul.u32 $0x4E20, s12  }
0x5: {  	s29 =	simm.s32 $0x9C40;
	s30 =	simm.s32 $0xDC40;
	s22 =	smul.u32 $0x13880, s12  }
0x6: {  	s31 =	simm.s32 $0x3;
	[smem:$0x7FF] =	sst s5;
	s8 =	smul.u32 $0x271, s12  }
0x7: {  	s4 =	sand.u32 $0x1, s4;
	s12 =	smul.u32 $0x9C40, s12;
	_ =	strace $0x8000004A  }
0x8: {  	s7 =	sshll.u32 s4, $0x6;
	s6 =	smul.u32 $0x13880, s4;
	s4 =	ssub.s32 $0x2, s4  }
0x9: {  	s3 =	sshrl.u32 s3, $0x3;
	s5 =	sor.u32 s7, s22;
	s11 =	sadd.s32 $0x80, s8  }
0xa: {  	s23 =	sshrl.u32 s4, $0x1;
	s13 =	sadd.s32 $0x180, s8;
	s3 =	sadd.s32 s3, s1  }
0xb: {  	s5 =	sshrl.u32 s5, $0x3;
	s9 =	sshll.u32 s11, $0x7;
	s4 =	ssub.s32 s4, s23  }
0xc: {  	s14 =	sshll.u32 s13, $0x7;
	s19 =	sshll.u32 s13, $0x3;
	s20 =	sshll.u32 s13, $0x6  }
0xd: {  	s13 =	simm.s32 $0x6;
	s10 =	sadd.s32 s5, s1;
	s1 =	sadd.s32 s6, s1  }
0xe: {  	s24 =	sor.u32 s7, s9;
	s25 =	sadd.s32 $0x2C00, s3;
	s3 =	sadd.s32 $0xC840, s3  }
0xf: {  	s6 =	sadd.s32 s12, s2;
	s5 =	sadd.s32 s0, s5;
	[dreg:$0x4] =	wrdreg s25  }
0x10: {  	s15 =	sor.u32 s7, s14;
	s4 =	smax.u32 s4, $0x1;
	[dreg:$0x5] =	wrdreg s3  }
0x11: {  	s14 =	simm.s32 $0xA;
	s26 =	sshrl.u32 s24, $0x3;
	[dreg:$0x6] =	wrdreg s5  }
0x12: {  	s9 =	sadd.s32 $0x16600, s1;
	s5 =	sshrl.u32 s12, $0x3;
	s24 =	sadd.s32 $0x100, s8  }
0x13: {  	s25 =	sshll.u32 s11, $0x3;
	s11 =	sshll.u32 s11, $0x6;
	s16 =	sshrl.u32 s15, $0x3  }
0x14: {  	s8 =	sadd.s32 $0x200, s8;
	s23 =	sadd.s32 $0x3D800, s10;
	[dreg:$0x10] =	wrdreg s4  }
0x15: {  	s4 =	simm.s32 $0x9;
	s10 =	simm.s32 $0x11C40;
	s15 =	simm.s32 $0xC  }
0x16: {  	s3 =	sadd.s32 s0, s26;
	s26 =	sshll.u32 s24, $0x7;
	s11 =	sadd.s32 s11, s2  }
0x17: {  	s17 =	sshll.u32 s24, $0x6;
	s18 =	sshll.u32 s8, $0x7;
	s21 =	sshll.u32 s8, $0x6  }
0x18: {  	s22 =	sshll.u32 s8, $0x3;
	[dreg:$0xf] =	wrdreg s23;
	s1 =	sadd.s32 s5, s9  }
0x19: {  	s5 =	simm.s32 $0x1;
	s8 =	simm.s32 $0xFC40;
	[dreg:$0x7] =	wrdreg s3  }
0x1a: {  	s12 =	sor.u32 s7, s26;
	[dreg:$0x8] =	wrdreg s11;
	s3 =	sshll.u32 s24, $0x3  }
0x1b: {  	s7 =	sor.u32 s7, s18;
	[dreg:$0x11] =	wrdreg s1;
	s24 =	sadd.s32 s25, s9  }
0x1c: {  	s26 =	sadd.s32 s19, s9;
	s1 =	simm.s32 $0x8;
	s19 =	simm.s32 $0xB  }
0x1d: {  	s18 =	simm.s32 $0x0;
	s12 =	sshrl.u32 s12, $0x3;
	[dreg:$0x12] =	wrdreg s24  }
0x1e: {  	s7 =	sshrl.u32 s7, $0x3;
	s25 =	sadd.s32 s3, s9;
	[dreg:$0x14] =	wrdreg s26  }
0x1f: {  	s26 =	simm.s32 $0x40;
	s3 =	simm.s32 $0x7;
	s24 =	simm.s32 $0x10  }
0x20: {  	s11 =	sadd.s32 s0, s12;
	s12 =	sadd.s32 s20, s2;
	[dreg:$0x13] =	wrdreg s25  }
0x21: {  	s20 =	simm.s32 $0xBC40;
	s25 =	sadd.s32 s22, s9;
	[dreg:$0x9] =	wrdreg s11  }
0x22: {  	s11 =	sadd.s32 s0, s16;
	[dreg:$0xc] =	wrdreg s12;
	s0 =	sadd.s32 s0, s7  }
0x23: {  	s7 =	simm.s32 $0x2;
	s12 =	simm.s32 $0x5;
	[dreg:$0xa] =	wrdreg s11  }
0x24: {  	s16 =	simm.s32 $0x20;
	s11 =	sadd.s32 s17, s2;
	[dreg:$0xd] =	wrdreg s0  }
0x25: {  	s0 =	sadd.s32 s21, s2;
	s17 =	simm.s32 $0xD;
	[dreg:$0xb] =	wrdreg s11  }
0x26: {  	v0 =	vimm.f32 $0.0e+00;
	[dreg:$0xe] =	wrdreg s0;
	s0 =	simm.s32 $0x4;
	s11 =	simm.s32 $0x13C40  }
.LBB2_1:
0x27: {  	s21 =	simm.s32 $0x0;
	s22 =	rddreg [dreg:$0x4]  }
0x28: {  	[tilespmem:s21], [sflag:$0x1] =	stream.linear.gather [hbm4b:s22+s21], $0x4E20, $0x38;
	[tilespmem:$0x1F880] =	vst v63  }
0x29: {  	s23 =	simm.s32 $0x4E20;
	s22 =	rddreg [dreg:$0x5]  }
0x2a: {  	[tilespmem:s23], [sflag:$0x2] =	stream.linear.gather [hbm4b:s22+s21], $0x4E20, $0x38;
	[tilespmem:$0x1F880] =	vst v63  }
0x2b: {  	s22 =	simm.s32 $0x100;
	s21 =	simm.s32 $0x0  }
.LBB2_2:
0x2c: {  	p0 =	sne.s32 s22, $0x7F00;
	[tilespmem:s21+$0xBC70] =	vst v0;
	s23 =	smov.u32 s22;
	s22 =	sadd.s32 $0x100, s22  }
.Ltmp0:
0x2d: {  	[tilespmem:s21+$0xBC60] =	vst v0;
	(pc) =	sbr.rel @p0 .LBB2_2-.Ltmp0, $3  }
0x2e: {  	[tilespmem:s21+$0xBC40] =	vst v0  }
0x2f: {  	[tilespmem:s21+$0xBC50] =	vst v0;
	_ =	sdelay $0x1  }
0x30: {  	s21 =	sshra.s32 s23, $0x2  }
0x31: {  	[tilespmem:s21+$0xBC70] =	vst v0  }
0x32: {  	[tilespmem:s21+$0xBC60] =	vst v0  }
0x33: {  	[tilespmem:s21+$0xBC40] =	vst v0  }
0x34: {  	[tilespmem:s21+$0xBC50] =	vst v0  }
0x35: {  	[spmem:s6] =	stream.linear.scatter [tilespmem:s20], [sflag:$0x8], $0x2000, $0x38;
	[tilespmem:$0x1F880] =	vst v63  }
0x36: {  	s23 =	rddreg [dreg:$0x6]  }
0x37: {  	[tilespmem:s29], [sflag:$0x3] =	stream.strided.gather [hbm4b:s23+s26], $0x2000, s28, s26, $0x38;
	[tilespmem:$0x1F880] =	vst v63  }
0x38: {  	s22 =	rddreg [dreg:$0x7]  }
0x39: {  	[tilespmem:s30], [sflag:$0x4] =	stream.strided.gather [hbm4b:s22+s26], $0x2000, s28, s26, $0x38;
	[tilespmem:$0x1F880] =	vst v63  }
0x3a: {  	_ =	swait.ge [sflag:s31], $0x2000  }
0x3b: {  	[sflag:s31] =	ssyncset.done $0x0  }
0x3c: {  	s21 =	simm.s32 $0x0;
	s22 =	rddreg [dreg:$0x11];
	[sflag:s31] =	ssyncadd.s32 $0xFFFFE000  }
0x3d: {  	[hbm4b:s22+s21] =	stream.linear.scatter [tilespmem:s29], [sflag:$0x7], $0x2000, $0x38;
	[tilespmem:$0x1F880] =	vst v63  }
0x3e: {  	_ =	swait.ge [sflag:s0], $0x2000  }
0x3f: {  	[sflag:s0] =	ssyncset.done $0x0  }
0x40: {  	s23 =	rddreg [dreg:$0x12];
	[sflag:s0] =	ssyncadd.s32 $0xFFFFE000  }
0x41: {  	[hbm4b:s23+s21] =	stream.linear.scatter [tilespmem:s30], [sflag:$0x9], $0x2000, $0x38;
	[tilespmem:$0x1F880] =	vst v63  }
0x42: {  	_ =	swait.ge [sflag:s1], $0x2000  }
0x43: {  	[sflag:s1] =	ssyncset.done $0x0  }
0x44: {  	s23 =	rddreg [dreg:$0x8];
	[sflag:s1] =	ssyncadd.s32 $0xFFFFE000  }
0x45: {  	[spmem:s23] =	stream.linear.scatter [tilespmem:s20], [sflag:$0x8], $0x2000, $0x38;
	[tilespmem:$0x1F880] =	vst v63  }
0x46: {  	_ =	swait.ge [sflag:s3], $0x2000  }
0x47: {  	[sflag:s3] =	ssyncset.done $0x0  }
0x48: {  	s23 =	rddreg [dreg:$0x9];
	[sflag:s3] =	ssyncadd.s32 $0xFFFFE000  }
0x49: {  	[tilespmem:s29], [sflag:$0x3] =	stream.strided.gather [hbm4b:s23+s26], $0x2000, s28, s26, $0x38;
	[tilespmem:$0x1F880] =	vst v63  }
0x4a: {  	_ =	swait.ge [sflag:s4], $0x2000  }
0x4b: {  	[sflag:s4] =	ssyncset.done $0x0  }
0x4c: {  	s23 =	rddreg [dreg:$0xa];
	[sflag:s4] =	ssyncadd.s32 $0xFFFFE000  }
0x4d: {  	[tilespmem:s30], [sflag:$0x4] =	stream.strided.gather [hbm4b:s23+s26], $0x2000, s28, s26, $0x38;
	[tilespmem:$0x1F880] =	vst v63  }
0x4e: {  	_ =	swait.ge [sflag:s1], $0x2000  }
0x4f: {  	[sflag:s1] =	ssyncset.done $0x0  }
0x50: {  	s23 =	rddreg [dreg:$0xb];
	[sflag:s1] =	ssyncadd.s32 $0xFFFFE000  }
0x51: {  	[spmem:s23] =	stream.linear.scatter [tilespmem:s20], [sflag:$0x8], $0x2000, $0x38;
	[tilespmem:$0x1F880] =	vst v63  }
0x52: {  	_ =	swait.ge [sflag:s31], $0x2000  }
0x53: {  	[sflag:s31] =	ssyncset.done $0x0  }
0x54: {  	s23 =	rddreg [dreg:$0x13];
	[sflag:s31] =	ssyncadd.s32 $0xFFFFE000  }
0x55: {  	[hbm4b:s23+s21] =	stream.linear.scatter [tilespmem:s29], [sflag:$0x7], $0x2000, $0x38;
	[tilespmem:$0x1F880] =	vst v63  }
0x56: {  	_ =	swait.ge [sflag:s0], $0x2000  }
0x57: {  	[sflag:s0] =	ssyncset.done $0x0  }
0x58: {  	s23 =	rddreg [dreg:$0x14];
	[sflag:s0] =	ssyncadd.s32 $0xFFFFE000  }
0x59: {  	[hbm4b:s23+s21] =	stream.linear.scatter [tilespmem:s30], [sflag:$0x9], $0x2000, $0x38;
	[tilespmem:$0x1F880] =	vst v63  }
0x5a: {  	_ =	swait.ge [sflag:s1], $0x2000  }
0x5b: {  	[sflag:s1] =	ssyncset.done $0x0  }
0x5c: {  	s23 =	rddreg [dreg:$0xc];
	[sflag:s1] =	ssyncadd.s32 $0xFFFFE000  }
0x5d: {  	[spmem:s23] =	stream.linear.scatter [tilespmem:s20], [sflag:$0x8], $0x2000, $0x38;
	[tilespmem:$0x1F880] =	vst v63  }
0x5e: {  	_ =	swait.ge [sflag:s3], $0x2000  }
0x5f: {  	[sflag:s3] =	ssyncset.done $0x0  }
0x60: {  	s23 =	rddreg [dreg:$0xd];
	[sflag:s3] =	ssyncadd.s32 $0xFFFFE000  }
0x61: {  	[tilespmem:s29], [sflag:$0x3] =	stream.strided.gather [hbm4b:s23+s26], $0x1C40, s28, s26, $0x38;
	[tilespmem:$0x1F880] =	vst v63  }
0x62: {  	_ =	swait.ge [sflag:s1], $0x2000  }
0x63: {  	[sflag:s1] =	ssyncset.done $0x0  }
0x64: {  	s23 =	rddreg [dreg:$0xe];
	[sflag:s1] =	ssyncadd.s32 $0xFFFFE000  }
0x65: {  	[spmem:s23] =	stream.linear.scatter [tilespmem:s20], [sflag:$0x8], $0x1C40, $0x38;
	[tilespmem:$0x1F880] =	vst v63  }
0x66: {  	_ =	swait.ge [sflag:s31], $0x1C40  }
0x67: {  	[sflag:s31] =	ssyncset.done $0x0  }
0x68: {  	[sflag:s31] =	ssyncadd.s32 $0xFFFFE3C0  }
0x69: {  	_ =	swait.ge [sflag:s4], $0x2000  }
0x6a: {  	[sflag:s4] =	ssyncset.done $0x0  }
0x6b: {  	[sflag:s4] =	ssyncadd.s32 $0xFFFFE000  }
0x6c: {  	[hbm4b:s25+s21] =	stream.linear.scatter [tilespmem:s29], [sflag:$0x7], $0x1C40, $0x38;
	[tilespmem:$0x1F880] =	vst v63  }
0x6d: {  	_ =	swait.ge [sflag:s3], $0x1C40  }
0x6e: {  	[sflag:s3] =	ssyncset.done $0x0  }
0x6f: {  	[sflag:s3] =	ssyncadd.s32 $0xFFFFE3C0  }
0x70: {  	_ =	swait.ge [sflag:s1], $0x1C40  }
0x71: {  	[sflag:s1] =	ssyncset.done $0x0  }
0x72: {  	[sflag:s1] =	ssyncadd.s32 $0xFFFFE3C0  }
0x73: {  	_ =	swait.ge [sflag:s5], $0x4E20  }
0x74: {  	[sflag:s5] =	ssyncset.done $0x0  }
0x75: {  	[sflag:s5] =	ssyncadd.s32 $0xFFFFB1E0  }
0x76: {  	_ =	swait.ge [sflag:s7], $0x4E20  }
0x77: {  	[sflag:s7] =	ssyncset.done $0x0  }
0x78: {  	[sflag:s7] =	ssyncadd.s32 $0xFFFFB1E0  }
0x79: {  	[bflag:$0x0] =	sbarrier.arrive $0xFFFF  }
0x7a: {  	[tilespmem:s29], [sflag:$0x1] =	stream.indirect.gather [hbm4b:s9+s28], $0x40, s21, s28, $0xb8;
	[tilespmem:$0x1F880] =	vst v63  }
0x7b: {  	_ = 	snop  }
0x7c: {  	[tilespmem:s20], [sflag:$0x2] =	stream.indirect.gather [hbm4b:s9+s28], $0x40, s28, s28, $0xb8;
	[tilespmem:$0x1F880] =	vst v63  }
0x7d: {  	s23 =	simm.s32 $0x100  }
0x7e: {  	[tilespmem:s30], [sflag:$0x3] =	stream.indirect.gather [hbm4b:s9+s28], $0x40, s23, s28, $0xb8;
	[tilespmem:$0x1F880] =	vst v63  }
0x7f: {  	s22 =	simm.s32 $0x180  }
0x80: {  	[tilespmem:s8], [sflag:$0x4] =	stream.indirect.gather [hbm4b:s9+s28], $0x40, s22, s28, $0xb8;
	[tilespmem:$0x1F880] =	vst v63  }
0x81: {  	_ =	swait.ge [sflag:s5], $0x2000  }
0x82: {  	[sflag:s5] =	ssyncset.done $0x0  }
0x83: {  	s23 =	simm.s32 $0x4E20;
	[sflag:s5] =	ssyncadd.s32 $0xFFFFE000  }
0x84: {  	[spmem:s2] =	stream.indirect.scatter.add.f32 [tilespmem:s29], [sflag:$0x7], $0x40, s23, s28, $0xb8;
	[tilespmem:$0x1F880] =	vst v63  }
0x85: {  	s22 =	simm.s32 $0x200  }
0x86: {  	[tilespmem:s10], [sflag:$0x5] =	stream.indirect.gather [hbm4b:s9+s28], $0x40, s22, s28, $0xb8;
	[tilespmem:$0x1F880] =	vst v63  }
0x87: {  	_ =	swait.ge [sflag:s7], $0x2000  }
0x88: {  	[sflag:s7] =	ssyncset.done $0x0  }
0x89: {  	s23 =	simm.s32 $0x4EA0;
	[sflag:s7] =	ssyncadd.s32 $0xFFFFE000  }
0x8a: {  	[spmem:s2] =	stream.indirect.scatter.add.f32 [tilespmem:s20], [sflag:$0x8], $0x40, s23, s28, $0xb8;
	[tilespmem:$0x1F880] =	vst v63  }
0x8b: {  	s22 =	simm.s32 $0x280  }
0x8c: {  	[tilespmem:s11], [sflag:$0x6] =	stream.indirect.gather [hbm4b:s9+s28], $0x40, s22, s28, $0xb8;
	[tilespmem:$0x1F880] =	vst v63  }
0x8d: {  	_ =	swait.ge [sflag:s31], $0x2000  }
0x8e: {  	[sflag:s31] =	ssyncset.done $0x0  }
0x8f: {  	s23 =	simm.s32 $0x4F20;
	[sflag:s31] =	ssyncadd.s32 $0xFFFFE000  }
0x90: {  	[spmem:s2] =	stream.indirect.scatter.add.f32 [tilespmem:s30], [sflag:$0x9], $0x40, s23, s28, $0xb8;
	[tilespmem:$0x1F880] =	vst v63  }
0x91: {  	_ =	swait.ge [sflag:s3], $0x2000  }
0x92: {  	[sflag:s3] =	ssyncset.done $0x0  }
0x93: {  	s22 =	simm.s32 $0x300;
	[sflag:s3] =	ssyncadd.s32 $0xFFFFE000  }
0x94: {  	[tilespmem:s29], [sflag:$0x1] =	stream.indirect.gather [hbm4b:s9+s28], $0x40, s22, s28, $0xb8;
	[tilespmem:$0x1F880] =	vst v63  }
0x95: {  	_ =	swait.ge [sflag:s0], $0x2000  }
0x96: {  	[sflag:s0] =	ssyncset.done $0x0  }
0x97: {  	s23 =	simm.s32 $0x4FA0;
	[sflag:s0] =	ssyncadd.s32 $0xFFFFE000  }
0x98: {  	[spmem:s2] =	stream.indirect.scatter.add.f32 [tilespmem:s8], [sflag:$0xA], $0x40, s23, s28, $0xb8;
	[tilespmem:$0x1F880] =	vst v63  }
0x99: {  	_ =	swait.ge [sflag:s1], $0x2000  }
0x9a: {  	[sflag:s1] =	ssyncset.done $0x0  }
0x9b: {  	s22 =	simm.s32 $0x380;
	[sflag:s1] =	ssyncadd.s32 $0xFFFFE000  }
0x9c: {  	[tilespmem:s20], [sflag:$0x2] =	stream.indirect.gather [hbm4b:s9+s28], $0x40, s22, s28, $0xb8;
	[tilespmem:$0x1F880] =	vst v63  }
0x9d: {  	_ =	swait.ge [sflag:s12], $0x2000  }
0x9e: {  	[sflag:s12] =	ssyncset.done $0x0  }
0x9f: {  	s23 =	simm.s32 $0x5020;
	[sflag:s12] =	ssyncadd.s32 $0xFFFFE000  }
0xa0: {  	[spmem:s2] =	stream.indirect.scatter.add.f32 [tilespmem:s10], [sflag:$0xB], $0x40, s23, s28, $0xb8;
	[tilespmem:$0x1F880] =	vst v63  }
0xa1: {  	_ =	swait.ge [sflag:s4], $0x2000  }
0xa2: {  	[sflag:s4] =	ssyncset.done $0x0  }
0xa3: {  	s22 =	simm.s32 $0x400;
	[sflag:s4] =	ssyncadd.s32 $0xFFFFE000  }
0xa4: {  	[tilespmem:s30], [sflag:$0x3] =	stream.indirect.gather [hbm4b:s9+s28], $0x40, s22, s28, $0xb8;
	[tilespmem:$0x1F880] =	vst v63  }
0xa5: {  	_ =	swait.ge [sflag:s13], $0x2000  }
0xa6: {  	[sflag:s13] =	ssyncset.done $0x0  }
0xa7: {  	s23 =	simm.s32 $0x50A0;
	[sflag:s13] =	ssyncadd.s32 $0xFFFFE000  }
0xa8: {  	[spmem:s2] =	stream.indirect.scatter.add.f32 [tilespmem:s11], [sflag:$0xC], $0x40, s23, s28, $0xb8;
	[tilespmem:$0x1F880] =	vst v63  }
0xa9: {  	_ =	swait.ge [sflag:s14], $0x2000  }
0xaa: {  	[sflag:s14] =	ssyncset.done $0x0  }
0xab: {  	s22 =	simm.s32 $0x480;
	[sflag:s14] =	ssyncadd.s32 $0xFFFFE000  }
0xac: {  	[tilespmem:s8], [sflag:$0x4] =	stream.indirect.gather [hbm4b:s9+s28], $0x40, s22, s28, $0xb8;
	[tilespmem:$0x1F880] =	vst v63  }
0xad: {  	_ =	swait.ge [sflag:s5], $0x2000  }
0xae: {  	[sflag:s5] =	ssyncset.done $0x0  }
0xaf: {  	s23 =	simm.s32 $0x5120;
	[sflag:s5] =	ssyncadd.s32 $0xFFFFE000  }
0xb0: {  	[spmem:s2] =	stream.indirect.scatter.add.f32 [tilespmem:s29], [sflag:$0x7], $0x40, s23, s28, $0xb8;
	[tilespmem:$0x1F880] =	vst v63  }
0xb1: {  	_ =	swait.ge [sflag:s19], $0x2000  }
0xb2: {  	[sflag:s19] =	ssyncset.done $0x0  }
0xb3: {  	s22 =	simm.s32 $0x500;
	[sflag:s19] =	ssyncadd.s32 $0xFFFFE000  }
0xb4: {  	[tilespmem:s10], [sflag:$0x5] =	stream.indirect.gather [hbm4b:s9+s28], $0x40, s22, s28, $0xb8;
	[tilespmem:$0x1F880] =	vst v63  }
0xb5: {  	_ =	swait.ge [sflag:s7], $0x2000  }
0xb6: {  	[sflag:s7] =	ssyncset.done $0x0  }
0xb7: {  	s23 =	simm.s32 $0x51A0;
	[sflag:s7] =	ssyncadd.s32 $0xFFFFE000  }
0xb8: {  	[spmem:s2] =	stream.indirect.scatter.add.f32 [tilespmem:s20], [sflag:$0x8], $0x40, s23, s28, $0xb8;
	[tilespmem:$0x1F880] =	vst v63  }
0xb9: {  	_ =	swait.ge [sflag:s15], $0x2000  }
0xba: {  	[sflag:s15] =	ssyncset.done $0x0  }
0xbb: {  	s21 =	simm.s32 $0xC00;
	s22 =	simm.s32 $0x580;
	[sflag:s15] =	ssyncadd.s32 $0xFFFFE000  }
.LBB2_4:
0xbc: {  	[tilespmem:s11], [sflag:$0x6] =	stream.indirect.gather [hbm4b:s9+s28], $0x40, s22, s28, $0xb8;
	[tilespmem:$0x1F880] =	vst v63  }
0xbd: {  	s22 =	smov.u32 s21  }
0xbe: {  	p0 =	sne.s32 s21, $0x12000;
	s21 =	sadd.s32 $0xC00, s21;
	_ =	swait.ge [sflag:s31], $0x2000  }
0xbf: {  	s22 =	sshra.s32 s22, $0x2;
	[sflag:s31] =	ssyncset.done $0x0  }
0xc0: {  	s23 =	sadd.s32 $0x4F20, s22;
	[sflag:s31] =	ssyncadd.s32 $0xFFFFE000  }
0xc1: {  	[spmem:s2] =	stream.indirect.scatter.add.f32 [tilespmem:s30], [sflag:$0x9], $0x40, s23, s28, $0xb8;
	[tilespmem:$0x1F880] =	vst v63  }
0xc2: {  	_ =	swait.ge [sflag:s3], $0x2000  }
0xc3: {  	[sflag:s3] =	ssyncset.done $0x0  }
0xc4: {  	s23 =	sadd.s32 $0x300, s22;
	[sflag:s3] =	ssyncadd.s32 $0xFFFFE000  }
0xc5: {  	[tilespmem:s29], [sflag:$0x1] =	stream.indirect.gather [hbm4b:s9+s28], $0x40, s23, s28, $0xb8;
	[tilespmem:$0x1F880] =	vst v63  }
0xc6: {  	_ =	swait.ge [sflag:s0], $0x2000  }
0xc7: {  	[sflag:s0] =	ssyncset.done $0x0  }
0xc8: {  	s23 =	sadd.s32 $0x4FA0, s22;
	[sflag:s0] =	ssyncadd.s32 $0xFFFFE000  }
0xc9: {  	[spmem:s2] =	stream.indirect.scatter.add.f32 [tilespmem:s8], [sflag:$0xA], $0x40, s23, s28, $0xb8;
	[tilespmem:$0x1F880] =	vst v63  }
0xca: {  	_ =	swait.ge [sflag:s1], $0x2000  }
0xcb: {  	[sflag:s1] =	ssyncset.done $0x0  }
0xcc: {  	s23 =	sadd.s32 $0x380, s22;
	[sflag:s1] =	ssyncadd.s32 $0xFFFFE000  }
0xcd: {  	[tilespmem:s20], [sflag:$0x2] =	stream.indirect.gather [hbm4b:s9+s28], $0x40, s23, s28, $0xb8;
	[tilespmem:$0x1F880] =	vst v63  }
0xce: {  	_ =	swait.ge [sflag:s12], $0x2000  }
0xcf: {  	[sflag:s12] =	ssyncset.done $0x0  }
0xd0: {  	s23 =	sadd.s32 $0x5020, s22;
	[sflag:s12] =	ssyncadd.s32 $0xFFFFE000  }
0xd1: {  	[spmem:s2] =	stream.indirect.scatter.add.f32 [tilespmem:s10], [sflag:$0xB], $0x40, s23, s28, $0xb8;
	[tilespmem:$0x1F880] =	vst v63  }
0xd2: {  	_ =	swait.ge [sflag:s4], $0x2000  }
0xd3: {  	[sflag:s4] =	ssyncset.done $0x0  }
0xd4: {  	s23 =	sadd.s32 $0x400, s22;
	[sflag:s4] =	ssyncadd.s32 $0xFFFFE000  }
0xd5: {  	[tilespmem:s30], [sflag:$0x3] =	stream.indirect.gather [hbm4b:s9+s28], $0x40, s23, s28, $0xb8;
	[tilespmem:$0x1F880] =	vst v63  }
0xd6: {  	_ =	swait.ge [sflag:s13], $0x2000  }
0xd7: {  	[sflag:s13] =	ssyncset.done $0x0  }
0xd8: {  	s23 =	sadd.s32 $0x50A0, s22;
	[sflag:s13] =	ssyncadd.s32 $0xFFFFE000  }
0xd9: {  	[spmem:s2] =	stream.indirect.scatter.add.f32 [tilespmem:s11], [sflag:$0xC], $0x40, s23, s28, $0xb8;
	[tilespmem:$0x1F880] =	vst v63  }
0xda: {  	_ =	swait.ge [sflag:s14], $0x2000  }
0xdb: {  	[sflag:s14] =	ssyncset.done $0x0  }
0xdc: {  	s23 =	sadd.s32 $0x480, s22;
	[sflag:s14] =	ssyncadd.s32 $0xFFFFE000  }
0xdd: {  	[tilespmem:s8], [sflag:$0x4] =	stream.indirect.gather [hbm4b:s9+s28], $0x40, s23, s28, $0xb8;
	[tilespmem:$0x1F880] =	vst v63  }
0xde: {  	_ =	swait.ge [sflag:s5], $0x2000  }
0xdf: {  	[sflag:s5] =	ssyncset.done $0x0  }
0xe0: {  	s23 =	sadd.s32 $0x5120, s22;
	[sflag:s5] =	ssyncadd.s32 $0xFFFFE000  }
0xe1: {  	[spmem:s2] =	stream.indirect.scatter.add.f32 [tilespmem:s29], [sflag:$0x7], $0x40, s23, s28, $0xb8;
	[tilespmem:$0x1F880] =	vst v63  }
0xe2: {  	_ =	swait.ge [sflag:s19], $0x2000  }
0xe3: {  	[sflag:s19] =	ssyncset.done $0x0  }
0xe4: {  	s23 =	sadd.s32 $0x500, s22;
	[sflag:s19] =	ssyncadd.s32 $0xFFFFE000  }
0xe5: {  	[tilespmem:s10], [sflag:$0x5] =	stream.indirect.gather [hbm4b:s9+s28], $0x40, s23, s28, $0xb8;
	[tilespmem:$0x1F880] =	vst v63  }
0xe6: {  	_ =	swait.ge [sflag:s7], $0x2000  }
0xe7: {  	[sflag:s7] =	ssyncset.done $0x0  }
.Ltmp1:
0xe8: {  	s23 =	sadd.s32 $0x51A0, s22;
	[sflag:s7] =	ssyncadd.s32 $0xFFFFE000;
	(pc) =	sbr.rel @p0 .LBB2_4-.Ltmp1, $4  }
0xe9: {  	[spmem:s2] =	stream.indirect.scatter.add.f32 [tilespmem:s20], [sflag:$0x8], $0x40, s23, s28, $0xb8;
	[tilespmem:$0x1F880] =	vst v63  }
0xea: {  	_ =	swait.ge [sflag:s15], $0x2000  }
0xeb: {  	[sflag:s15] =	ssyncset.done $0x0  }
0xec: {  	s22 =	sadd.s32 $0x580, s22;
	[sflag:s15] =	ssyncadd.s32 $0xFFFFE000  }
0xed: {  	[tilespmem:s11], [sflag:$0x6] =	stream.indirect.gather [hbm4b:s9+s28], $0x40, s22, s28, $0xb8;
	[tilespmem:$0x1F880] =	vst v63  }
0xee: {  	_ =	swait.ge [sflag:s31], $0x2000  }
0xef: {  	[sflag:s31] =	ssyncset.done $0x0  }
0xf0: {  	s21 =	simm.s32 $0x9A20;
	[sflag:s31] =	ssyncadd.s32 $0xFFFFE000  }
0xf1: {  	[spmem:s2] =	stream.indirect.scatter.add.f32 [tilespmem:s30], [sflag:$0x9], $0x40, s21, s28, $0xb8;
	[tilespmem:$0x1F880] =	vst v63  }
0xf2: {  	_ =	swait.ge [sflag:s3], $0x2000  }
0xf3: {  	[sflag:s3] =	ssyncset.done $0x0  }
0xf4: {  	[sflag:s3] =	ssyncadd.s32 $0xFFFFE000  }
0xf5: {  	_ =	swait.ge [sflag:s0], $0x2000  }
0xf6: {  	[sflag:s0] =	ssyncset.done $0x0  }
0xf7: {  	s23 =	simm.s32 $0x9AA0;
	[sflag:s0] =	ssyncadd.s32 $0xFFFFE000  }
0xf8: {  	[spmem:s2] =	stream.indirect.scatter.add.f32 [tilespmem:s8], [sflag:$0xA], $0x40, s23, s28, $0xb8;
	[tilespmem:$0x1F880] =	vst v63  }
0xf9: {  	_ =	swait.ge [sflag:s1], $0x2000  }
0xfa: {  	[sflag:s1] =	ssyncset.done $0x0  }
0xfb: {  	[sflag:s1] =	ssyncadd.s32 $0xFFFFE000  }
0xfc: {  	_ =	swait.ge [sflag:s12], $0x2000  }
0xfd: {  	[sflag:s12] =	ssyncset.done $0x0  }
0xfe: {  	s22 =	simm.s32 $0x9B20;
	[sflag:s12] =	ssyncadd.s32 $0xFFFFE000  }
0xff: {  	[spmem:s2] =	stream.indirect.scatter.add.f32 [tilespmem:s10], [sflag:$0xB], $0x40, s22, s28, $0xb8;
	[tilespmem:$0x1F880] =	vst v63  }
0x100: {  	_ =	swait.ge [sflag:s4], $0x2000  }
0x101: {  	[sflag:s4] =	ssyncset.done $0x0  }
0x102: {  	[sflag:s4] =	ssyncadd.s32 $0xFFFFE000  }
0x103: {  	_ =	swait.ge [sflag:s13], $0x2000  }
0x104: {  	[sflag:s13] =	ssyncset.done $0x0  }
0x105: {  	s23 =	simm.s32 $0x9BA0;
	[sflag:s13] =	ssyncadd.s32 $0xFFFFE000  }
0x106: {  	[spmem:s2] =	stream.indirect.scatter.add.f32 [tilespmem:s11], [sflag:$0xC], $0x40, s23, s28, $0xb8;
	[tilespmem:$0x1F880] =	vst v63  }
0x107: {  	_ =	swait.ge [sflag:s14], $0x2000  }
0x108: {  	[sflag:s14] =	ssyncset.done $0x0  }
0x109: {  	[sflag:s14] =	ssyncadd.s32 $0xFFFFE000  }
0x10a: {  	_ =	swait.ge [sflag:s19], $0x2000  }
0x10b: {  	[sflag:s19] =	ssyncset.done $0x0  }
0x10c: {  	[sflag:s19] =	ssyncadd.s32 $0xFFFFE000  }
0x10d: {  	_ =	swait.ge [sflag:s15], $0x2000  }
0x10e: {  	[sflag:s15] =	ssyncset.done $0x0  }
0x10f: {  	s22 =	simm.s32 $0x4E00;
	[sflag:s15] =	ssyncadd.s32 $0xFFFFE000  }
0x110: {  	[tilespmem:s29], [sflag:$0x1] =	stream.indirect.gather [hbm4b:s9+s16], $0x40, s22, s16, $0xb8;
	[tilespmem:$0x1F880] =	vst v63  }
0x111: {  	_ =	swait.ge [sflag:s5], $0x800  }
0x112: {  	[sflag:s5] =	ssyncset.done $0x0  }
0x113: {  	s23 =	simm.s32 $0x9C20;
	[sflag:s5] =	ssyncadd.s32 $0xFFFFF800  }
0x114: {  	[spmem:s2] =	stream.indirect.scatter.add.f32 [tilespmem:s29], [sflag:$0x7], $0x40, s23, s16, $0xb8;
	[tilespmem:$0x1F880] =	vst v63  }
0x115: {  	_ =	swait.ge [sflag:s3], $0x800  }
0x116: {  	[sflag:s3] =	ssyncset.done $0x0  }
0x117: {  	s22 =	stileid.u32;
	[sflag:s3] =	ssyncadd.s32 $0xFFFFF800  }
0x118: {  	s21 =	sshll.u32 s22, $0x6;
	[bflag:$0x0] =	sbarrier.arrive $0xFFFF  }
0x119: {  	s22 =	sshrl.u32 s6, $0x3;
	s21 =	sor.u32 $0x1C0D, s21;
	s23 =	rddreg [dreg:$0xf]  }
0x11a: {  	[hbm:s23@s24], [sflag:s21] =	dma.strided [spmem:s22@s1], $0x1388, s5, $0x8   }
0x11b: {  	_ =	swait.ge [sflag:s17], $0x1388  }
0x11c: {  	s18 =	sadd.s32 $0x1, s18;
	s23 =	rddreg [dreg:$0x10]  }
0x11d: {  	p0 =	sne.s32 s18, s23  }
.Ltmp2:
0x11e: {  	_ = 	snop;
	(pc) =	sbr.rel @p0 .LBB2_1-.Ltmp2, $3  }
0x11f: {  	_ =	sdelay $0x1  }
0x120: {  	[sflag:s17] =	ssyncset.done $0x0  }
0x121: {  	[sflag:s17] =	ssyncadd.s32 $0xFFFFEC78  }
0x122: {  	_ =	sfence.sel $0x180000  }
0x123: {  	[bflag:$0x0] =	sbarrier.arrive $0xFFFF  }
0x124: {  	_ =	strace $0x9000004A  }
0x125: {  	s0 =	stileid.u32;
	[bflag:$0x2] =	sbarrier.arrive $0xFFFF  }
0x126: {  	p0 =	sne.s32 s0, $0x0;
	s0 =	rddreg [dreg:$0x3]  }
0x127: {  	s0 =	sadd.s32 @!p0 $0x100000, s0  }
0x128: {  	[sflag:s0] =	ssyncadd.tile.s32 @!p0 $0x1;
	_ =	shalt  }
.Lfunc_end2:
_tile_overlayer_lowered:
.L_overlay_start_2:
0x129: {  	(tag) =	ssettag $0x2  }
0x12a: {  	s0 =	rddreg [dreg:$0x0];
	s2 =	stileid.u32  }
0x12b: {  	s1 =	rddreg [dreg:$0x1];
	p0 =	sne.s32 s2, $0x0  }
0x12c: {  	s3 =	rddreg [dreg:$0x2];
	[bflag:$0x3] =	sbarrier.arrive $0xFFFF;
	s2 =	simm.s32 @!p0 $0x1C0D  }
0x12d: {  	[timem:s3], [sflag:s2] =	dma.local @!p0 [hbm:s0], s1  }
0x12e: {  	s0 =	simm.s32 @!p0 $0xD  }
0x12f: {  	_ =	swait.ge @!p0 [sflag:s0], s1  }
0x130: {  	s1 =	ssub.s32 @!p0 $0x0, s1;
	[sflag:s0] =	ssyncset.done @!p0 $0x0  }
0x131: {  	[sflag:s0] =	ssyncadd.s32 @!p0 s1  }
0x132: {  	[bflag:$0x3] =	sbarrier.arrive $0xFFFF  }
0x133: {  	_ =	shalt  }

</sc_bundles>
